<compile_context>
chip_gen: v7x
topology: tpu7x:2x2x1
jax: 0.10.2.dev20260603
libtpu: 0.0.44.dev20260713+nightly
codegen_flags: <defaults>
</compile_context>

<pallas_src>
import functools

import jax
import jax.numpy as jnp
from jax import lax
from jax.experimental import pallas as pl
from jax.experimental.pallas import tpu as pltpu
from jax.experimental.pallas import tpu_sc as plsc

N = 10000
D = 128
DH = D // 2
E = 320000

NC = 2
NS = 16
C = 128
ET = 20480
K = ET // C
EP = NS * ET
NP = 10240
RPT = NP // NS


NBUF = 4


def _sc_agg_body(with_cnt, *refs):
    if with_cnt:
        (xs_hbm, src_hbm, dst_hbm, acc_out, cnt_out,
         src_v, dst_v, rows, ones16, zeros16, acc_sh, cnt_sh,
         gsem, ssem, csem) = refs
    else:
        (xs_hbm, src_hbm, dst_hbm, acc_out,
         src_v, dst_v, rows, acc_sh, gsem, ssem) = refs
        csem = None

    c = lax.axis_index("c")
    s = lax.axis_index("s")

    pltpu.sync_copy(src_hbm.at[s], src_v)
    pltpu.sync_copy(dst_hbm.at[s], dst_v)

    zv = jnp.zeros((16,), jnp.float32)

    def zrow(r, carry):
        for q in range(DH // 16):
            rows[0, r, pl.ds(16 * q, 16)] = zv
        return carry

    lax.fori_loop(0, C, zrow, 0)
    for t in range(RPT // C):
        pltpu.sync_copy(rows.at[0], acc_sh.at[pl.ds(s * RPT + t * C, C)])

    if with_cnt:
        ov = jnp.full((16,), 1.0, jnp.float32)

        def orow(r, carry):
            ones16[r, pl.ds(0, 16)] = ov
            zeros16[r, pl.ds(0, 16)] = zv
            return carry

        lax.fori_loop(0, C, orow, 0)
        for t in range(RPT // C):
            pltpu.sync_copy(zeros16, cnt_sh.at[pl.ds(s * RPT + t * C, C)])

    plsc.subcore_barrier()

    xh = xs_hbm.at[c]
    for b in range(NBUF):
        pltpu.async_copy(xh.at[src_v.at[b]], rows.at[b], gsem.at[b])

    def step(t, carry):
        j0 = NBUF * t
        want_cnt = jnp.where(c == 0, j0 < K // 2, j0 >= K // 2)
        for b in range(NBUF):
            j = j0 + b
            pltpu.make_async_copy(xh.at[src_v.at[j]], rows.at[b], gsem.at[b]).wait()
            pltpu.async_copy(rows.at[b], acc_sh.at[dst_v.at[j]], ssem.at[b], add=True)
            if with_cnt:
                @pl.when(want_cnt)
                def _():
                    pltpu.async_copy(ones16, cnt_sh.at[dst_v.at[j]], csem,
                                     add=True)

        @pl.when(t < K // NBUF - 1)
        def _():
            for b in range(NBUF):
                j = j0 + b
                pltpu.make_async_copy(rows.at[b], acc_sh.at[dst_v.at[j]],
                                      ssem.at[b]).wait()
                pltpu.async_copy(xh.at[src_v.at[j + NBUF]], rows.at[b],
                                 gsem.at[b])
            if with_cnt:
                @pl.when(want_cnt)
                def _():
                    for b in range(NBUF):
                        pltpu.make_async_copy(ones16,
                                              cnt_sh.at[dst_v.at[j0 + b]],
                                              csem).wait()

        return carry

    lax.fori_loop(0, K // NBUF, step, 0)

    for b in range(NBUF):
        j = K - NBUF + b
        pltpu.make_async_copy(rows.at[b], acc_sh.at[dst_v.at[j]], ssem.at[b]).wait()
        if with_cnt:
            @pl.when(c != 0)
            def _():
                pltpu.make_async_copy(ones16, cnt_sh.at[dst_v.at[j]],
                                      csem).wait()

    plsc.subcore_barrier()

    pltpu.sync_copy(acc_sh.at[pl.ds(s * RPT, RPT)],
                    acc_out.at[c, pl.ds(s * RPT, RPT)])
    if with_cnt:
        pltpu.sync_copy(cnt_sh.at[pl.ds(s * RPT, RPT)],
                        cnt_out.at[c, pl.ds(s * RPT, RPT)])


def _make_sc_agg(with_cnt):
    mesh = plsc.VectorSubcoreMesh(core_axis_name="c", subcore_axis_name="s")
    out_type = [jax.ShapeDtypeStruct((NC, NP, DH), jnp.float32)]
    scratch = [
        pltpu.VMEM((K, C), jnp.int32),
        pltpu.VMEM((K, C), jnp.int32),
        pltpu.VMEM((NBUF, C, DH), jnp.float32),
    ]
    if with_cnt:
        out_type.append(jax.ShapeDtypeStruct((NC, NP, 16), jnp.float32))
        scratch += [
            pltpu.VMEM((C, 16), jnp.float32),
            pltpu.VMEM((C, 16), jnp.float32),
        ]
    scratch.append(pltpu.VMEM_SHARED((NP, DH), jnp.float32))
    if with_cnt:
        scratch.append(pltpu.VMEM_SHARED((NP, 16), jnp.float32))
    scratch += [pltpu.SemaphoreType.DMA((NBUF,)),
                pltpu.SemaphoreType.DMA((NBUF,))]
    if with_cnt:
        scratch.append(pltpu.SemaphoreType.DMA)

    return pl.kernel(
        functools.partial(_sc_agg_body, with_cnt),
        out_type=tuple(out_type),
        mesh=mesh,
        scratch_types=tuple(scratch),
        compiler_params=pltpu.CompilerParams(use_tc_tiling_on_sc=False),
    )


def _combine_body(relu, pa_ref, pc_ref, xin_ref, wl_ref, wr_ref, b_ref,
                  out_ref):
    acc = jnp.concatenate([pa_ref[0], pa_ref[1]], axis=1)
    xin = jnp.concatenate([xin_ref[0], xin_ref[1]], axis=1)
    cnt = pc_ref[0, :, 0:1] + pc_ref[1, :, 0:1]
    mean = acc * (1.0 / jnp.maximum(cnt, 1.0))
    y = (jnp.dot(mean, wl_ref[...], preferred_element_type=jnp.float32)
         + b_ref[...]
         + jnp.dot(xin, wr_ref[...], preferred_element_type=jnp.float32))
    if relu:
        h = jnp.maximum(y, 0.0)
        out_ref[0] = h[:, :DH]
        out_ref[1] = h[:, DH:]
    else:
        out_ref[...] = y


def _combine(pa, pc, xin, wlT, wrT, b2d, relu):
    R = 10000
    grid = (N // R,)
    if relu:
        out_shape = jax.ShapeDtypeStruct((NC, N, DH), jnp.float32)
        out_spec = pl.BlockSpec((NC, R, DH), lambda i: (0, i, 0))
    else:
        out_shape = jax.ShapeDtypeStruct((N, D), jnp.float32)
        out_spec = pl.BlockSpec((R, D), lambda i: (i, 0))
    return pl.pallas_call(
        functools.partial(_combine_body, relu),
        grid=grid,
        in_specs=[
            pl.BlockSpec((NC, R, DH), lambda i: (0, i, 0)),
            pl.BlockSpec((NC, R, 16), lambda i: (0, i, 0)),
            pl.BlockSpec((NC, R, DH), lambda i: (0, i, 0)),
            pl.BlockSpec((D, D), lambda i: (0, 0)),
            pl.BlockSpec((D, D), lambda i: (0, 0)),
            pl.BlockSpec((1, D), lambda i: (0, 0)),
        ],
        out_specs=out_spec,
        out_shape=out_shape,
    )(pa, pc, xin, wlT, wrT, b2d)


@jax.jit
def kernel(x, edge_index, W1l, b1l, W1r, W2l, b2l, W2r):
    src = edge_index[0]
    dst = edge_index[1]
    pad = EP - E
    src_p = jnp.concatenate([src, jnp.zeros((pad,), jnp.int32)]).reshape(NS, K, C)
    dst_p = jnp.concatenate([dst, jnp.full((pad,), NP - 1, jnp.int32)]).reshape(NS, K, C)
    xs = jnp.stack([x[:, :DH], x[:, DH:]])

    agg1 = _make_sc_agg(True)
    agg2 = _make_sc_agg(False)

    pa1, pc = agg1(xs, src_p, dst_p)
    hs = _combine(pa1, pc, xs, W1l.T, W1r.T, b1l.reshape(1, D), relu=True)
    pa2 = agg2(hs, src_p, dst_p)
    if isinstance(pa2, (tuple, list)):
        pa2 = pa2[0]
    out = _combine(pa2, pc, hs, W2l.T, W2r.T, b2l.reshape(1, D), relu=False)
    return out

# --- scband reference (transcript-rebuilt; emitter-appended) ---
"""Pipeline reference for scband-graph-sage-64390149701801 (READ-ONLY COPY).

The authoritative reference and input builder live on the scoring server;
editing this copy changes nothing except your own understanding.
"""

import jax, jax.numpy as jnp
import numpy as np

N, E, D_IN, D_H, D_OUT = 10000, 320000, 128, 128, 128


def setup_inputs(seed: int = 0) -> dict:
    key = jax.random.key(seed)
    ks = jax.random.split(key, 8)
    x = jax.random.normal(ks[0], (N, D_IN), dtype=jnp.float32)
    edge_index = jax.random.randint(ks[1], (2, E), 0, N, dtype=jnp.int32)
    s_in = 1.0 / np.sqrt(D_IN)
    s_h = 1.0 / np.sqrt(D_H)
    W1l = jax.random.uniform(ks[2], (D_H, D_IN), jnp.float32, -s_in, s_in)
    b1l = jnp.zeros((D_H,), jnp.float32)
    W1r = jax.random.uniform(ks[3], (D_H, D_IN), jnp.float32, -s_in, s_in)
    W2l = jax.random.uniform(ks[4], (D_OUT, D_H), jnp.float32, -s_h, s_h)
    b2l = jnp.zeros((D_OUT,), jnp.float32)
    W2r = jax.random.uniform(ks[5], (D_OUT, D_H), jnp.float32, -s_h, s_h)
    return {"x": x, "edge_index": edge_index, "W1l": W1l, "b1l": b1l, "W1r": W1r, "W2l": W2l, "b2l": b2l, "W2r": W2r}


def _sage_conv(h, src, dst, Wl, bl, Wr):
    # PyG SAGEConv with mean aggregation: out = lin_l(mean_{j in N(i)} x_j) + lin_r(x_i)
    n = h.shape[0]
    msgs = jnp.take(h, src, axis=0)                    # gather source features [E, d]
    agg = jax.ops.segment_sum(msgs, dst, num_segments=n)
    cnt = jax.ops.segment_sum(jnp.ones((src.shape[0],), h.dtype), dst, num_segments=n)
    mean = agg / jnp.clip(cnt, 1.0)[:, None]
    return mean @ Wl.T + bl + h @ Wr.T


def reference(x, edge_index, W1l, b1l, W1r, W2l, b2l, W2r):
    src = edge_index[0]
    dst = edge_index[1]
    h = _sage_conv(x, src, dst, W1l, b1l, W1r)
    h = jax.nn.relu(h)
    # dropout(p=0.5) is identity in eval mode
    out = _sage_conv(h, src, dst, W2l, b2l, W2r)
    return out

if __name__ == "__main__":
    import jax
    _d = setup_inputs()
    print(jax.jit(kernel)(*tuple(_d.values())))

</pallas_src>

<mosaic_0001>
#map = affine_map<(d0, d1) -> (0, 0, 0)>
module attributes {stable_mosaic.version = 14 : i64} {
  func.func @_sc_agg_body(%arg0: i32, %arg1: i32, %arg2: memref<2x10000x64xf32, #tpu.memory_space<hbm>>, %arg3: memref<16x160x128xi32, #tpu.memory_space<hbm>>, %arg4: memref<16x160x128xi32, #tpu.memory_space<hbm>>, %arg5: memref<2x10240x64xf32, #tpu.memory_space<hbm>>, %arg6: memref<160x128xi32, #tpu.memory_space<vmem>>, %arg7: memref<160x128xi32, #tpu.memory_space<vmem>>, %arg8: memref<4x128x64xf32, #tpu.memory_space<vmem>>, %arg9: memref<10240x64xf32, #tpu.memory_space<vmem_shared>>, %arg10: memref<4x!tpu.dma_semaphore, #tpu.memory_space<semaphore_mem>>, %arg11: memref<4x!tpu.dma_semaphore, #tpu.memory_space<semaphore_mem>>) attributes {dimension_semantics = [#tpu.dimension_semantics<core_parallel>, #tpu.dimension_semantics<subcore_parallel>], iteration_bounds = array<i64: 2, 16>, scalar_prefetch = 0 : i64, scratch_operands = 6 : i64, tpu.core_type = #tpu.core_type<sc_vector_subcore>, window_params = [{transform_indices = #map}, {transform_indices = #map}, {transform_indices = #map}, {transform_indices = #map}]} {
    "tpu.region"() ({
      %run_scoped3A_173 = tpu.sem_alloc : memref<!tpu.dma_semaphore, #tpu.memory_space<semaphore_mem>>
      %dma_start3A_174 = arith.constant 0 : i32
      %dma_start3A_175 = arith.constant 0 : i32
      %dma_start3A_176 = tpu.memref_slice %arg3[%arg1, %dma_start3A_174, %dma_start3A_175] : memref<16x160x128xi32, #tpu.memory_space<hbm>> -> memref<1x160x128xi32, #tpu.memory_space<hbm>>
      %dma_start3A_177 = tpu.memref_squeeze %dma_start3A_176 : memref<1x160x128xi32, #tpu.memory_space<hbm>> -> memref<160x128xi32, #tpu.memory_space<hbm>>
      %dma_start3A_178 = arith.constant 0 : i32
      %dma_start3A_179 = arith.constant 0 : i32
      %dma_start3A_180 = tpu.memref_slice %arg3[%arg1, %dma_start3A_178, %dma_start3A_179] : memref<16x160x128xi32, #tpu.memory_space<hbm>> -> memref<1x160x128xi32, #tpu.memory_space<hbm>>
      %dma_start3A_181 = tpu.memref_squeeze %dma_start3A_180 : memref<1x160x128xi32, #tpu.memory_space<hbm>> -> memref<160x128xi32, #tpu.memory_space<hbm>>
      tpu.enqueue_dma source(%dma_start3A_181 : memref<160x128xi32, #tpu.memory_space<hbm>>) target(%arg6 : memref<160x128xi32, #tpu.memory_space<vmem>>) target_semaphore(%run_scoped3A_173 : memref<!tpu.dma_semaphore, #tpu.memory_space<semaphore_mem>>)
      %dma_wait3A_182 = arith.constant 0 : i32
      %dma_wait3A_183 = arith.constant 0 : i32
      %dma_wait3A_184 = tpu.memref_slice %arg3[%arg1, %dma_wait3A_182, %dma_wait3A_183] : memref<16x160x128xi32, #tpu.memory_space<hbm>> -> memref<1x160x128xi32, #tpu.memory_space<hbm>>
      %dma_wait3A_185 = tpu.memref_squeeze %dma_wait3A_184 : memref<1x160x128xi32, #tpu.memory_space<hbm>> -> memref<160x128xi32, #tpu.memory_space<hbm>>
      %dma_wait3A_186 = arith.constant 0 : i32
      %dma_wait3A_187 = arith.constant 0 : i32
      %dma_wait3A_188 = tpu.memref_slice %arg3[%arg1, %dma_wait3A_186, %dma_wait3A_187] : memref<16x160x128xi32, #tpu.memory_space<hbm>> -> memref<1x160x128xi32, #tpu.memory_space<hbm>>
      %dma_wait3A_189 = tpu.memref_squeeze %dma_wait3A_188 : memref<1x160x128xi32, #tpu.memory_space<hbm>> -> memref<160x128xi32, #tpu.memory_space<hbm>>
      tpu.wait_dma2 semaphore(%run_scoped3A_173 : memref<!tpu.dma_semaphore, #tpu.memory_space<semaphore_mem>>) src(%dma_wait3A_189 : memref<160x128xi32, #tpu.memory_space<hbm>>) dst(%arg6 : memref<160x128xi32, #tpu.memory_space<vmem>>)
      tpu.yield
    }) : () -> ()
    "tpu.region"() ({
      %run_scoped3A_173 = tpu.sem_alloc : memref<!tpu.dma_semaphore, #tpu.memory_space<semaphore_mem>>
      %dma_start3A_174 = arith.constant 0 : i32
      %dma_start3A_175 = arith.constant 0 : i32
      %dma_start3A_176 = tpu.memref_slice %arg4[%arg1, %dma_start3A_174, %dma_start3A_175] : memref<16x160x128xi32, #tpu.memory_space<hbm>> -> memref<1x160x128xi32, #tpu.memory_space<hbm>>
      %dma_start3A_177 = tpu.memref_squeeze %dma_start3A_176 : memref<1x160x128xi32, #tpu.memory_space<hbm>> -> memref<160x128xi32, #tpu.memory_space<hbm>>
      %dma_start3A_178 = arith.constant 0 : i32
      %dma_start3A_179 = arith.constant 0 : i32
      %dma_start3A_180 = tpu.memref_slice %arg4[%arg1, %dma_start3A_178, %dma_start3A_179] : memref<16x160x128xi32, #tpu.memory_space<hbm>> -> memref<1x160x128xi32, #tpu.memory_space<hbm>>
      %dma_start3A_181 = tpu.memref_squeeze %dma_start3A_180 : memref<1x160x128xi32, #tpu.memory_space<hbm>> -> memref<160x128xi32, #tpu.memory_space<hbm>>
      tpu.enqueue_dma source(%dma_start3A_181 : memref<160x128xi32, #tpu.memory_space<hbm>>) target(%arg7 : memref<160x128xi32, #tpu.memory_space<vmem>>) target_semaphore(%run_scoped3A_173 : memref<!tpu.dma_semaphore, #tpu.memory_space<semaphore_mem>>)
      %dma_wait3A_182 = arith.constant 0 : i32
      %dma_wait3A_183 = arith.constant 0 : i32
      %dma_wait3A_184 = tpu.memref_slice %arg4[%arg1, %dma_wait3A_182, %dma_wait3A_183] : memref<16x160x128xi32, #tpu.memory_space<hbm>> -> memref<1x160x128xi32, #tpu.memory_space<hbm>>
      %dma_wait3A_185 = tpu.memref_squeeze %dma_wait3A_184 : memref<1x160x128xi32, #tpu.memory_space<hbm>> -> memref<160x128xi32, #tpu.memory_space<hbm>>
      %dma_wait3A_186 = arith.constant 0 : i32
      %dma_wait3A_187 = arith.constant 0 : i32
      %dma_wait3A_188 = tpu.memref_slice %arg4[%arg1, %dma_wait3A_186, %dma_wait3A_187] : memref<16x160x128xi32, #tpu.memory_space<hbm>> -> memref<1x160x128xi32, #tpu.memory_space<hbm>>
      %dma_wait3A_189 = tpu.memref_squeeze %dma_wait3A_188 : memref<1x160x128xi32, #tpu.memory_space<hbm>> -> memref<160x128xi32, #tpu.memory_space<hbm>>
      tpu.wait_dma2 semaphore(%run_scoped3A_173 : memref<!tpu.dma_semaphore, #tpu.memory_space<semaphore_mem>>) src(%dma_wait3A_189 : memref<160x128xi32, #tpu.memory_space<hbm>>) dst(%arg7 : memref<160x128xi32, #tpu.memory_space<vmem>>)
      tpu.yield
    }) : () -> ()
    %broadcast_in_dim3A = arith.constant 0.000000e+00 : f32
    %broadcast_in_dim3A_0 = vector.broadcast %broadcast_in_dim3A : f32 to vector<16xf32>
    %scan3A = arith.constant 0 : i32
    %scan3A_1 = arith.constant 0 : i32
    %scan3A_2 = arith.constant 128 : i32
    %scan3A_3 = arith.addi %scan3A_1, %scan3A_2 : i32
    %scan3A_4 = arith.constant 1 : i32
    scf.for %scan3A_173 = %scan3A_1 to %scan3A_3 step %scan3A_4  : i32 {
      %swap3A = arith.constant 0 : i32
      %swap3A_174 = arith.index_cast %swap3A : i32 to index
      %swap3A_175 = arith.index_cast %scan3A_173 : i32 to index
      %swap3A_176 = arith.constant 0 : index
      %swap3A_177 = tpu.vector_load %arg8[%swap3A_174, %swap3A_175, %swap3A_176] {strides = array<i32>} : memref<4x128x64xf32, #tpu.memory_space<vmem>>, vector<1x1x16xf32>,
      %swap3A_178 = vector.shape_cast %swap3A_177 : vector<1x1x16xf32> to vector<16xf32>
      %swap3A_179 = vector.shape_cast %broadcast_in_dim3A_0 : vector<16xf32> to vector<1x1x16xf32>
      tpu.vector_store %arg8[%swap3A_174, %swap3A_175, %swap3A_176], %swap3A_179 {strides = array<i32>} : memref<4x128x64xf32, #tpu.memory_space<vmem>>, vector<1x1x16xf32>,
      %swap3A_180 = arith.constant 0 : i32
      %swap3A_181 = arith.index_cast %swap3A_180 : i32 to index
      %swap3A_182 = arith.index_cast %scan3A_173 : i32 to index
      %swap3A_183 = arith.constant 16 : index
      %swap3A_184 = tpu.vector_load %arg8[%swap3A_181, %swap3A_182, %swap3A_183] {strides = array<i32>} : memref<4x128x64xf32, #tpu.memory_space<vmem>>, vector<1x1x16xf32>,
      %swap3A_185 = vector.shape_cast %swap3A_184 : vector<1x1x16xf32> to vector<16xf32>
      %swap3A_186 = vector.shape_cast %broadcast_in_dim3A_0 : vector<16xf32> to vector<1x1x16xf32>
      tpu.vector_store %arg8[%swap3A_181, %swap3A_182, %swap3A_183], %swap3A_186 {strides = array<i32>} : memref<4x128x64xf32, #tpu.memory_space<vmem>>, vector<1x1x16xf32>,
      %swap3A_187 = arith.constant 0 : i32
      %swap3A_188 = arith.index_cast %swap3A_187 : i32 to index
      %swap3A_189 = arith.index_cast %scan3A_173 : i32 to index
      %swap3A_190 = arith.constant 32 : index
      %swap3A_191 = tpu.vector_load %arg8[%swap3A_188, %swap3A_189, %swap3A_190] {strides = array<i32>} : memref<4x128x64xf32, #tpu.memory_space<vmem>>, vector<1x1x16xf32>,
      %swap3A_192 = vector.shape_cast %swap3A_191 : vector<1x1x16xf32> to vector<16xf32>
      %swap3A_193 = vector.shape_cast %broadcast_in_dim3A_0 : vector<16xf32> to vector<1x1x16xf32>
      tpu.vector_store %arg8[%swap3A_188, %swap3A_189, %swap3A_190], %swap3A_193 {strides = array<i32>} : memref<4x128x64xf32, #tpu.memory_space<vmem>>, vector<1x1x16xf32>,
      %swap3A_194 = arith.constant 0 : i32
      %swap3A_195 = arith.index_cast %swap3A_194 : i32 to index
      %swap3A_196 = arith.index_cast %scan3A_173 : i32 to index
      %swap3A_197 = arith.constant 48 : index
      %swap3A_198 = tpu.vector_load %arg8[%swap3A_195, %swap3A_196, %swap3A_197] {strides = array<i32>} : memref<4x128x64xf32, #tpu.memory_space<vmem>>, vector<1x1x16xf32>,
      %swap3A_199 = vector.shape_cast %swap3A_198 : vector<1x1x16xf32> to vector<16xf32>
      %swap3A_200 = vector.shape_cast %broadcast_in_dim3A_0 : vector<16xf32> to vector<1x1x16xf32>
      tpu.vector_store %arg8[%swap3A_195, %swap3A_196, %swap3A_197], %swap3A_200 {strides = array<i32>} : memref<4x128x64xf32, #tpu.memory_space<vmem>>, vector<1x1x16xf32>,
    }
    %scan3A_5 = arith.constant 128 : i32
    %mul3A = arith.constant 640 : i32
    %mul3A_6 = arith.muli %arg1, %mul3A : i32
    %add3A = arith.constant 0 : i32
    %add3A_7 = arith.addi %mul3A_6, %add3A : i32
    %run_scoped3A = arith.constant 0 : i32
    "tpu.region"() ({
      %run_scoped3A_173 = tpu.sem_alloc : memref<!tpu.dma_semaphore, #tpu.memory_space<semaphore_mem>>
      %dma_start3A_174 = arith.constant 0 : i32
      %dma_start3A_175 = arith.constant 0 : i32
      %dma_start3A_176 = tpu.memref_slice %arg8[%run_scoped3A, %dma_start3A_174, %dma_start3A_175] : memref<4x128x64xf32, #tpu.memory_space<vmem>> -> memref<1x128x64xf32, #tpu.memory_space<vmem>>
      %dma_start3A_177 = tpu.memref_squeeze %dma_start3A_176 : memref<1x128x64xf32, #tpu.memory_space<vmem>> -> memref<128x64xf32, #tpu.memory_space<vmem>>
      %dma_start3A_178 = arith.constant 0 : i32
      %dma_start3A_179 = tpu.memref_slice %arg9[%add3A_7, %dma_start3A_178] : memref<10240x64xf32, #tpu.memory_space<vmem_shared>> -> memref<128x64xf32, #tpu.memory_space<vmem_shared>>
      %dma_start3A_180 = arith.constant 0 : i32
      %dma_start3A_181 = tpu.memref_slice %arg9[%add3A_7, %dma_start3A_180] : memref<10240x64xf32, #tpu.memory_space<vmem_shared>> -> memref<128x64xf32, #tpu.memory_space<vmem_shared>>
      %dma_start3A_182 = arith.constant 0 : i32
      %dma_start3A_183 = arith.constant 0 : i32
      %dma_start3A_184 = tpu.memref_slice %arg8[%run_scoped3A, %dma_start3A_182, %dma_start3A_183] : memref<4x128x64xf32, #tpu.memory_space<vmem>> -> memref<1x128x64xf32, #tpu.memory_space<vmem>>
      %dma_start3A_185 = tpu.memref_squeeze %dma_start3A_184 : memref<1x128x64xf32, #tpu.memory_space<vmem>> -> memref<128x64xf32, #tpu.memory_space<vmem>>
      tpu.enqueue_dma source(%dma_start3A_185 : memref<128x64xf32, #tpu.memory_space<vmem>>) target(%dma_start3A_181 : memref<128x64xf32, #tpu.memory_space<vmem_shared>>) target_semaphore(%run_scoped3A_173 : memref<!tpu.dma_semaphore, #tpu.memory_space<semaphore_mem>>)
      %dma_wait3A_186 = arith.constant 0 : i32
      %dma_wait3A_187 = arith.constant 0 : i32
      %dma_wait3A_188 = tpu.memref_slice %arg8[%run_scoped3A, %dma_wait3A_186, %dma_wait3A_187] : memref<4x128x64xf32, #tpu.memory_space<vmem>> -> memref<1x128x64xf32, #tpu.memory_space<vmem>>
      %dma_wait3A_189 = tpu.memref_squeeze %dma_wait3A_188 : memref<1x128x64xf32, #tpu.memory_space<vmem>> -> memref<128x64xf32, #tpu.memory_space<vmem>>
      %dma_wait3A_190 = arith.constant 0 : i32
      %dma_wait3A_191 = tpu.memref_slice %arg9[%add3A_7, %dma_wait3A_190] : memref<10240x64xf32, #tpu.memory_space<vmem_shared>> -> memref<128x64xf32, #tpu.memory_space<vmem_shared>>
      %dma_wait3A_192 = arith.constant 0 : i32
      %dma_wait3A_193 = tpu.memref_slice %arg9[%add3A_7, %dma_wait3A_192] : memref<10240x64xf32, #tpu.memory_space<vmem_shared>> -> memref<128x64xf32, #tpu.memory_space<vmem_shared>>
      %dma_wait3A_194 = arith.constant 0 : i32
      %dma_wait3A_195 = arith.constant 0 : i32
      %dma_wait3A_196 = tpu.memref_slice %arg8[%run_scoped3A, %dma_wait3A_194, %dma_wait3A_195] : memref<4x128x64xf32, #tpu.memory_space<vmem>> -> memref<1x128x64xf32, #tpu.memory_space<vmem>>
      %dma_wait3A_197 = tpu.memref_squeeze %dma_wait3A_196 : memref<1x128x64xf32, #tpu.memory_space<vmem>> -> memref<128x64xf32, #tpu.memory_space<vmem>>
      tpu.wait_dma2 semaphore(%run_scoped3A_173 : memref<!tpu.dma_semaphore, #tpu.memory_space<semaphore_mem>>) src(%dma_wait3A_197 : memref<128x64xf32, #tpu.memory_space<vmem>>) dst(%dma_wait3A_193 : memref<128x64xf32, #tpu.memory_space<vmem_shared>>)
      tpu.yield
    }) : () -> ()
    %mul3A_8 = arith.constant 640 : i32
    %mul3A_9 = arith.muli %arg1, %mul3A_8 : i32
    %add3A_10 = arith.constant 128 : i32
    %add3A_11 = arith.addi %mul3A_9, %add3A_10 : i32
    %run_scoped3A_12 = arith.constant 0 : i32
    "tpu.region"() ({
      %run_scoped3A_173 = tpu.sem_alloc : memref<!tpu.dma_semaphore, #tpu.memory_space<semaphore_mem>>
      %dma_start3A_174 = arith.constant 0 : i32
      %dma_start3A_175 = arith.constant 0 : i32
      %dma_start3A_176 = tpu.memref_slice %arg8[%run_scoped3A_12, %dma_start3A_174, %dma_start3A_175] : memref<4x128x64xf32, #tpu.memory_space<vmem>> -> memref<1x128x64xf32, #tpu.memory_space<vmem>>
      %dma_start3A_177 = tpu.memref_squeeze %dma_start3A_176 : memref<1x128x64xf32, #tpu.memory_space<vmem>> -> memref<128x64xf32, #tpu.memory_space<vmem>>
      %dma_start3A_178 = arith.constant 0 : i32
      %dma_start3A_179 = tpu.memref_slice %arg9[%add3A_11, %dma_start3A_178] : memref<10240x64xf32, #tpu.memory_space<vmem_shared>> -> memref<128x64xf32, #tpu.memory_space<vmem_shared>>
      %dma_start3A_180 = arith.constant 0 : i32
      %dma_start3A_181 = tpu.memref_slice %arg9[%add3A_11, %dma_start3A_180] : memref<10240x64xf32, #tpu.memory_space<vmem_shared>> -> memref<128x64xf32, #tpu.memory_space<vmem_shared>>
      %dma_start3A_182 = arith.constant 0 : i32
      %dma_start3A_183 = arith.constant 0 : i32
      %dma_start3A_184 = tpu.memref_slice %arg8[%run_scoped3A_12, %dma_start3A_182, %dma_start3A_183] : memref<4x128x64xf32, #tpu.memory_space<vmem>> -> memref<1x128x64xf32, #tpu.memory_space<vmem>>
      %dma_start3A_185 = tpu.memref_squeeze %dma_start3A_184 : memref<1x128x64xf32, #tpu.memory_space<vmem>> -> memref<128x64xf32, #tpu.memory_space<vmem>>
      tpu.enqueue_dma source(%dma_start3A_185 : memref<128x64xf32, #tpu.memory_space<vmem>>) target(%dma_start3A_181 : memref<128x64xf32, #tpu.memory_space<vmem_shared>>) target_semaphore(%run_scoped3A_173 : memref<!tpu.dma_semaphore, #tpu.memory_space<semaphore_mem>>)
      %dma_wait3A_186 = arith.constant 0 : i32
      %dma_wait3A_187 = arith.constant 0 : i32
      %dma_wait3A_188 = tpu.memref_slice %arg8[%run_scoped3A_12, %dma_wait3A_186, %dma_wait3A_187] : memref<4x128x64xf32, #tpu.memory_space<vmem>> -> memref<1x128x64xf32, #tpu.memory_space<vmem>>
      %dma_wait3A_189 = tpu.memref_squeeze %dma_wait3A_188 : memref<1x128x64xf32, #tpu.memory_space<vmem>> -> memref<128x64xf32, #tpu.memory_space<vmem>>
      %dma_wait3A_190 = arith.constant 0 : i32
      %dma_wait3A_191 = tpu.memref_slice %arg9[%add3A_11, %dma_wait3A_190] : memref<10240x64xf32, #tpu.memory_space<vmem_shared>> -> memref<128x64xf32, #tpu.memory_space<vmem_shared>>
      %dma_wait3A_192 = arith.constant 0 : i32
      %dma_wait3A_193 = tpu.memref_slice %arg9[%add3A_11, %dma_wait3A_192] : memref<10240x64xf32, #tpu.memory_space<vmem_shared>> -> memref<128x64xf32, #tpu.memory_space<vmem_shared>>
      %dma_wait3A_194 = arith.constant 0 : i32
      %dma_wait3A_195 = arith.constant 0 : i32
      %dma_wait3A_196 = tpu.memref_slice %arg8[%run_scoped3A_12, %dma_wait3A_194, %dma_wait3A_195] : memref<4x128x64xf32, #tpu.memory_space<vmem>> -> memref<1x128x64xf32, #tpu.memory_space<vmem>>
      %dma_wait3A_197 = tpu.memref_squeeze %dma_wait3A_196 : memref<1x128x64xf32, #tpu.memory_space<vmem>> -> memref<128x64xf32, #tpu.memory_space<vmem>>
      tpu.wait_dma2 semaphore(%run_scoped3A_173 : memref<!tpu.dma_semaphore, #tpu.memory_space<semaphore_mem>>) src(%dma_wait3A_197 : memref<128x64xf32, #tpu.memory_space<vmem>>) dst(%dma_wait3A_193 : memref<128x64xf32, #tpu.memory_space<vmem_shared>>)
      tpu.yield
    }) : () -> ()
    %mul3A_13 = arith.constant 640 : i32
    %mul3A_14 = arith.muli %arg1, %mul3A_13 : i32
    %add3A_15 = arith.constant 256 : i32
    %add3A_16 = arith.addi %mul3A_14, %add3A_15 : i32
    %run_scoped3A_17 = arith.constant 0 : i32
    "tpu.region"() ({
      %run_scoped3A_173 = tpu.sem_alloc : memref<!tpu.dma_semaphore, #tpu.memory_space<semaphore_mem>>
      %dma_start3A_174 = arith.constant 0 : i32
      %dma_start3A_175 = arith.constant 0 : i32
      %dma_start3A_176 = tpu.memref_slice %arg8[%run_scoped3A_17, %dma_start3A_174, %dma_start3A_175] : memref<4x128x64xf32, #tpu.memory_space<vmem>> -> memref<1x128x64xf32, #tpu.memory_space<vmem>>
      %dma_start3A_177 = tpu.memref_squeeze %dma_start3A_176 : memref<1x128x64xf32, #tpu.memory_space<vmem>> -> memref<128x64xf32, #tpu.memory_space<vmem>>
      %dma_start3A_178 = arith.constant 0 : i32
      %dma_start3A_179 = tpu.memref_slice %arg9[%add3A_16, %dma_start3A_178] : memref<10240x64xf32, #tpu.memory_space<vmem_shared>> -> memref<128x64xf32, #tpu.memory_space<vmem_shared>>
      %dma_start3A_180 = arith.constant 0 : i32
      %dma_start3A_181 = tpu.memref_slice %arg9[%add3A_16, %dma_start3A_180] : memref<10240x64xf32, #tpu.memory_space<vmem_shared>> -> memref<128x64xf32, #tpu.memory_space<vmem_shared>>
      %dma_start3A_182 = arith.constant 0 : i32
      %dma_start3A_183 = arith.constant 0 : i32
      %dma_start3A_184 = tpu.memref_slice %arg8[%run_scoped3A_17, %dma_start3A_182, %dma_start3A_183] : memref<4x128x64xf32, #tpu.memory_space<vmem>> -> memref<1x128x64xf32, #tpu.memory_space<vmem>>
      %dma_start3A_185 = tpu.memref_squeeze %dma_start3A_184 : memref<1x128x64xf32, #tpu.memory_space<vmem>> -> memref<128x64xf32, #tpu.memory_space<vmem>>
      tpu.enqueue_dma source(%dma_start3A_185 : memref<128x64xf32, #tpu.memory_space<vmem>>) target(%dma_start3A_181 : memref<128x64xf32, #tpu.memory_space<vmem_shared>>) target_semaphore(%run_scoped3A_173 : memref<!tpu.dma_semaphore, #tpu.memory_space<semaphore_mem>>)
      %dma_wait3A_186 = arith.constant 0 : i32
      %dma_wait3A_187 = arith.constant 0 : i32
      %dma_wait3A_188 = tpu.memref_slice %arg8[%run_scoped3A_17, %dma_wait3A_186, %dma_wait3A_187] : memref<4x128x64xf32, #tpu.memory_space<vmem>> -> memref<1x128x64xf32, #tpu.memory_space<vmem>>
      %dma_wait3A_189 = tpu.memref_squeeze %dma_wait3A_188 : memref<1x128x64xf32, #tpu.memory_space<vmem>> -> memref<128x64xf32, #tpu.memory_space<vmem>>
      %dma_wait3A_190 = arith.constant 0 : i32
      %dma_wait3A_191 = tpu.memref_slice %arg9[%add3A_16, %dma_wait3A_190] : memref<10240x64xf32, #tpu.memory_space<vmem_shared>> -> memref<128x64xf32, #tpu.memory_space<vmem_shared>>
      %dma_wait3A_192 = arith.constant 0 : i32
      %dma_wait3A_193 = tpu.memref_slice %arg9[%add3A_16, %dma_wait3A_192] : memref<10240x64xf32, #tpu.memory_space<vmem_shared>> -> memref<128x64xf32, #tpu.memory_space<vmem_shared>>
      %dma_wait3A_194 = arith.constant 0 : i32
      %dma_wait3A_195 = arith.constant 0 : i32
      %dma_wait3A_196 = tpu.memref_slice %arg8[%run_scoped3A_17, %dma_wait3A_194, %dma_wait3A_195] : memref<4x128x64xf32, #tpu.memory_space<vmem>> -> memref<1x128x64xf32, #tpu.memory_space<vmem>>
      %dma_wait3A_197 = tpu.memref_squeeze %dma_wait3A_196 : memref<1x128x64xf32, #tpu.memory_space<vmem>> -> memref<128x64xf32, #tpu.memory_space<vmem>>
      tpu.wait_dma2 semaphore(%run_scoped3A_173 : memref<!tpu.dma_semaphore, #tpu.memory_space<semaphore_mem>>) src(%dma_wait3A_197 : memref<128x64xf32, #tpu.memory_space<vmem>>) dst(%dma_wait3A_193 : memref<128x64xf32, #tpu.memory_space<vmem_shared>>)
      tpu.yield
    }) : () -> ()
    %mul3A_18 = arith.constant 640 : i32
    %mul3A_19 = arith.muli %arg1, %mul3A_18 : i32
    %add3A_20 = arith.constant 384 : i32
    %add3A_21 = arith.addi %mul3A_19, %add3A_20 : i32
    %run_scoped3A_22 = arith.constant 0 : i32
    "tpu.region"() ({
      %run_scoped3A_173 = tpu.sem_alloc : memref<!tpu.dma_semaphore, #tpu.memory_space<semaphore_mem>>
      %dma_start3A_174 = arith.constant 0 : i32
      %dma_start3A_175 = arith.constant 0 : i32
      %dma_start3A_176 = tpu.memref_slice %arg8[%run_scoped3A_22, %dma_start3A_174, %dma_start3A_175] : memref<4x128x64xf32, #tpu.memory_space<vmem>> -> memref<1x128x64xf32, #tpu.memory_space<vmem>>
      %dma_start3A_177 = tpu.memref_squeeze %dma_start3A_176 : memref<1x128x64xf32, #tpu.memory_space<vmem>> -> memref<128x64xf32, #tpu.memory_space<vmem>>
      %dma_start3A_178 = arith.constant 0 : i32
      %dma_start3A_179 = tpu.memref_slice %arg9[%add3A_21, %dma_start3A_178] : memref<10240x64xf32, #tpu.memory_space<vmem_shared>> -> memref<128x64xf32, #tpu.memory_space<vmem_shared>>
      %dma_start3A_180 = arith.constant 0 : i32
      %dma_start3A_181 = tpu.memref_slice %arg9[%add3A_21, %dma_start3A_180] : memref<10240x64xf32, #tpu.memory_space<vmem_shared>> -> memref<128x64xf32, #tpu.memory_space<vmem_shared>>
      %dma_start3A_182 = arith.constant 0 : i32
      %dma_start3A_183 = arith.constant 0 : i32
      %dma_start3A_184 = tpu.memref_slice %arg8[%run_scoped3A_22, %dma_start3A_182, %dma_start3A_183] : memref<4x128x64xf32, #tpu.memory_space<vmem>> -> memref<1x128x64xf32, #tpu.memory_space<vmem>>
      %dma_start3A_185 = tpu.memref_squeeze %dma_start3A_184 : memref<1x128x64xf32, #tpu.memory_space<vmem>> -> memref<128x64xf32, #tpu.memory_space<vmem>>
      tpu.enqueue_dma source(%dma_start3A_185 : memref<128x64xf32, #tpu.memory_space<vmem>>) target(%dma_start3A_181 : memref<128x64xf32, #tpu.memory_space<vmem_shared>>) target_semaphore(%run_scoped3A_173 : memref<!tpu.dma_semaphore, #tpu.memory_space<semaphore_mem>>)
      %dma_wait3A_186 = arith.constant 0 : i32
      %dma_wait3A_187 = arith.constant 0 : i32
      %dma_wait3A_188 = tpu.memref_slice %arg8[%run_scoped3A_22, %dma_wait3A_186, %dma_wait3A_187] : memref<4x128x64xf32, #tpu.memory_space<vmem>> -> memref<1x128x64xf32, #tpu.memory_space<vmem>>
      %dma_wait3A_189 = tpu.memref_squeeze %dma_wait3A_188 : memref<1x128x64xf32, #tpu.memory_space<vmem>> -> memref<128x64xf32, #tpu.memory_space<vmem>>
      %dma_wait3A_190 = arith.constant 0 : i32
      %dma_wait3A_191 = tpu.memref_slice %arg9[%add3A_21, %dma_wait3A_190] : memref<10240x64xf32, #tpu.memory_space<vmem_shared>> -> memref<128x64xf32, #tpu.memory_space<vmem_shared>>
      %dma_wait3A_192 = arith.constant 0 : i32
      %dma_wait3A_193 = tpu.memref_slice %arg9[%add3A_21, %dma_wait3A_192] : memref<10240x64xf32, #tpu.memory_space<vmem_shared>> -> memref<128x64xf32, #tpu.memory_space<vmem_shared>>
      %dma_wait3A_194 = arith.constant 0 : i32
      %dma_wait3A_195 = arith.constant 0 : i32
      %dma_wait3A_196 = tpu.memref_slice %arg8[%run_scoped3A_22, %dma_wait3A_194, %dma_wait3A_195] : memref<4x128x64xf32, #tpu.memory_space<vmem>> -> memref<1x128x64xf32, #tpu.memory_space<vmem>>
      %dma_wait3A_197 = tpu.memref_squeeze %dma_wait3A_196 : memref<1x128x64xf32, #tpu.memory_space<vmem>> -> memref<128x64xf32, #tpu.memory_space<vmem>>
      tpu.wait_dma2 semaphore(%run_scoped3A_173 : memref<!tpu.dma_semaphore, #tpu.memory_space<semaphore_mem>>) src(%dma_wait3A_197 : memref<128x64xf32, #tpu.memory_space<vmem>>) dst(%dma_wait3A_193 : memref<128x64xf32, #tpu.memory_space<vmem_shared>>)
      tpu.yield
    }) : () -> ()
    %mul3A_23 = arith.constant 640 : i32
    %mul3A_24 = arith.muli %arg1, %mul3A_23 : i32
    %add3A_25 = arith.constant 512 : i32
    %add3A_26 = arith.addi %mul3A_24, %add3A_25 : i32
    %run_scoped3A_27 = arith.constant 0 : i32
    "tpu.region"() ({
      %run_scoped3A_173 = tpu.sem_alloc : memref<!tpu.dma_semaphore, #tpu.memory_space<semaphore_mem>>
      %dma_start3A_174 = arith.constant 0 : i32
      %dma_start3A_175 = arith.constant 0 : i32
      %dma_start3A_176 = tpu.memref_slice %arg8[%run_scoped3A_27, %dma_start3A_174, %dma_start3A_175] : memref<4x128x64xf32, #tpu.memory_space<vmem>> -> memref<1x128x64xf32, #tpu.memory_space<vmem>>
      %dma_start3A_177 = tpu.memref_squeeze %dma_start3A_176 : memref<1x128x64xf32, #tpu.memory_space<vmem>> -> memref<128x64xf32, #tpu.memory_space<vmem>>
      %dma_start3A_178 = arith.constant 0 : i32
      %dma_start3A_179 = tpu.memref_slice %arg9[%add3A_26, %dma_start3A_178] : memref<10240x64xf32, #tpu.memory_space<vmem_shared>> -> memref<128x64xf32, #tpu.memory_space<vmem_shared>>
      %dma_start3A_180 = arith.constant 0 : i32
      %dma_start3A_181 = tpu.memref_slice %arg9[%add3A_26, %dma_start3A_180] : memref<10240x64xf32, #tpu.memory_space<vmem_shared>> -> memref<128x64xf32, #tpu.memory_space<vmem_shared>>
      %dma_start3A_182 = arith.constant 0 : i32
      %dma_start3A_183 = arith.constant 0 : i32
      %dma_start3A_184 = tpu.memref_slice %arg8[%run_scoped3A_27, %dma_start3A_182, %dma_start3A_183] : memref<4x128x64xf32, #tpu.memory_space<vmem>> -> memref<1x128x64xf32, #tpu.memory_space<vmem>>
      %dma_start3A_185 = tpu.memref_squeeze %dma_start3A_184 : memref<1x128x64xf32, #tpu.memory_space<vmem>> -> memref<128x64xf32, #tpu.memory_space<vmem>>
      tpu.enqueue_dma source(%dma_start3A_185 : memref<128x64xf32, #tpu.memory_space<vmem>>) target(%dma_start3A_181 : memref<128x64xf32, #tpu.memory_space<vmem_shared>>) target_semaphore(%run_scoped3A_173 : memref<!tpu.dma_semaphore, #tpu.memory_space<semaphore_mem>>)
      %dma_wait3A_186 = arith.constant 0 : i32
      %dma_wait3A_187 = arith.constant 0 : i32
      %dma_wait3A_188 = tpu.memref_slice %arg8[%run_scoped3A_27, %dma_wait3A_186, %dma_wait3A_187] : memref<4x128x64xf32, #tpu.memory_space<vmem>> -> memref<1x128x64xf32, #tpu.memory_space<vmem>>
      %dma_wait3A_189 = tpu.memref_squeeze %dma_wait3A_188 : memref<1x128x64xf32, #tpu.memory_space<vmem>> -> memref<128x64xf32, #tpu.memory_space<vmem>>
      %dma_wait3A_190 = arith.constant 0 : i32
      %dma_wait3A_191 = tpu.memref_slice %arg9[%add3A_26, %dma_wait3A_190] : memref<10240x64xf32, #tpu.memory_space<vmem_shared>> -> memref<128x64xf32, #tpu.memory_space<vmem_shared>>
      %dma_wait3A_192 = arith.constant 0 : i32
      %dma_wait3A_193 = tpu.memref_slice %arg9[%add3A_26, %dma_wait3A_192] : memref<10240x64xf32, #tpu.memory_space<vmem_shared>> -> memref<128x64xf32, #tpu.memory_space<vmem_shared>>
      %dma_wait3A_194 = arith.constant 0 : i32
      %dma_wait3A_195 = arith.constant 0 : i32
      %dma_wait3A_196 = tpu.memref_slice %arg8[%run_scoped3A_27, %dma_wait3A_194, %dma_wait3A_195] : memref<4x128x64xf32, #tpu.memory_space<vmem>> -> memref<1x128x64xf32, #tpu.memory_space<vmem>>
      %dma_wait3A_197 = tpu.memref_squeeze %dma_wait3A_196 : memref<1x128x64xf32, #tpu.memory_space<vmem>> -> memref<128x64xf32, #tpu.memory_space<vmem>>
      tpu.wait_dma2 semaphore(%run_scoped3A_173 : memref<!tpu.dma_semaphore, #tpu.memory_space<semaphore_mem>>) src(%dma_wait3A_197 : memref<128x64xf32, #tpu.memory_space<vmem>>) dst(%dma_wait3A_193 : memref<128x64xf32, #tpu.memory_space<vmem_shared>>)
      tpu.yield
    }) : () -> ()
    %barrier3A = arith.constant 0 : index
    tpu.barrier barrier_id(%barrier3A)
    %dma_start3A = arith.constant 0 : i32
    %dma_start3A_28 = arith.constant 0 : i32
    %dma_start3A_29 = arith.constant 0 : i32
    %dma_start3A_30 = arith.constant 0 : i32
    %dma_start3A_31 = arith.constant 0 : i32
    %dma_start3A_32 = tpu.memref_slice %arg8[%dma_start3A_28, %dma_start3A_30, %dma_start3A_31] : memref<4x128x64xf32, #tpu.memory_space<vmem>> -> memref<1x128x64xf32, #tpu.memory_space<vmem>>
    %dma_start3A_33 = tpu.memref_squeeze %dma_start3A_32 : memref<1x128x64xf32, #tpu.memory_space<vmem>> -> memref<128x64xf32, #tpu.memory_space<vmem>>
    %dma_start3A_34 = arith.constant 0 : i32
    %dma_start3A_35 = tpu.memref_slice %arg6[%dma_start3A, %dma_start3A_34] : memref<160x128xi32, #tpu.memory_space<vmem>> -> memref<1x128xi32, #tpu.memory_space<vmem>>
    %dma_start3A_36 = tpu.memref_squeeze %dma_start3A_35 : memref<1x128xi32, #tpu.memory_space<vmem>> -> memref<128xi32, #tpu.memory_space<vmem>>
    %dma_start3A_37 = arith.constant 0 : i32
    %dma_start3A_38 = arith.constant 0 : i32
    %dma_start3A_39 = tpu.memref_slice %arg2[%arg0, %dma_start3A_37, %dma_start3A_38] : memref<2x10000x64xf32, #tpu.memory_space<hbm>> -> memref<1x10000x64xf32, #tpu.memory_space<hbm>>
    %dma_start3A_40 = tpu.memref_squeeze %dma_start3A_39 : memref<1x10000x64xf32, #tpu.memory_space<hbm>> -> memref<10000x64xf32, #tpu.memory_space<hbm>>
    %dma_start3A_41 = arith.constant 0 : i32
    %dma_start3A_42 = arith.constant 0 : i32
    %dma_start3A_43 = tpu.memref_slice %dma_start3A_40[%dma_start3A_41, %dma_start3A_42] : memref<10000x64xf32, #tpu.memory_space<hbm>> -> memref<10000x64xf32, #tpu.memory_space<hbm>>
    %dma_start3A_44 = tpu.memref_slice %arg10[%dma_start3A_29] : memref<4x!tpu.dma_semaphore, #tpu.memory_space<semaphore_mem>> -> memref<1x!tpu.dma_semaphore, #tpu.memory_space<semaphore_mem>>
    %dma_start3A_45 = tpu.memref_squeeze %dma_start3A_44 : memref<1x!tpu.dma_semaphore, #tpu.memory_space<semaphore_mem>> -> memref<!tpu.dma_semaphore, #tpu.memory_space<semaphore_mem>>
    tpu.enqueue_indirect_dma source(%dma_start3A_43 : memref<10000x64xf32, #tpu.memory_space<hbm>>) target(%dma_start3A_33 : memref<128x64xf32, #tpu.memory_space<vmem>>) offsets(%dma_start3A_36 : memref<128xi32, #tpu.memory_space<vmem>>) semaphore(%dma_start3A_45 : memref<!tpu.dma_semaphore, #tpu.memory_space<semaphore_mem>>)
    %dma_start3A_46 = arith.constant 1 : i32
    %dma_start3A_47 = arith.constant 1 : i32
    %dma_start3A_48 = arith.constant 1 : i32
    %dma_start3A_49 = arith.constant 0 : i32
    %dma_start3A_50 = arith.constant 0 : i32
    %dma_start3A_51 = tpu.memref_slice %arg8[%dma_start3A_47, %dma_start3A_49, %dma_start3A_50] : memref<4x128x64xf32, #tpu.memory_space<vmem>> -> memref<1x128x64xf32, #tpu.memory_space<vmem>>
    %dma_start3A_52 = tpu.memref_squeeze %dma_start3A_51 : memref<1x128x64xf32, #tpu.memory_space<vmem>> -> memref<128x64xf32, #tpu.memory_space<vmem>>
    %dma_start3A_53 = arith.constant 0 : i32
    %dma_start3A_54 = tpu.memref_slice %arg6[%dma_start3A_46, %dma_start3A_53] : memref<160x128xi32, #tpu.memory_space<vmem>> -> memref<1x128xi32, #tpu.memory_space<vmem>>
    %dma_start3A_55 = tpu.memref_squeeze %dma_start3A_54 : memref<1x128xi32, #tpu.memory_space<vmem>> -> memref<128xi32, #tpu.memory_space<vmem>>
    %dma_start3A_56 = arith.constant 0 : i32
    %dma_start3A_57 = arith.constant 0 : i32
    %dma_start3A_58 = tpu.memref_slice %arg2[%arg0, %dma_start3A_56, %dma_start3A_57] : memref<2x10000x64xf32, #tpu.memory_space<hbm>> -> memref<1x10000x64xf32, #tpu.memory_space<hbm>>
    %dma_start3A_59 = tpu.memref_squeeze %dma_start3A_58 : memref<1x10000x64xf32, #tpu.memory_space<hbm>> -> memref<10000x64xf32, #tpu.memory_space<hbm>>
    %dma_start3A_60 = arith.constant 0 : i32
    %dma_start3A_61 = arith.constant 0 : i32
    %dma_start3A_62 = tpu.memref_slice %dma_start3A_59[%dma_start3A_60, %dma_start3A_61] : memref<10000x64xf32, #tpu.memory_space<hbm>> -> memref<10000x64xf32, #tpu.memory_space<hbm>>
    %dma_start3A_63 = tpu.memref_slice %arg10[%dma_start3A_48] : memref<4x!tpu.dma_semaphore, #tpu.memory_space<semaphore_mem>> -> memref<1x!tpu.dma_semaphore, #tpu.memory_space<semaphore_mem>>
    %dma_start3A_64 = tpu.memref_squeeze %dma_start3A_63 : memref<1x!tpu.dma_semaphore, #tpu.memory_space<semaphore_mem>> -> memref<!tpu.dma_semaphore, #tpu.memory_space<semaphore_mem>>
    tpu.enqueue_indirect_dma source(%dma_start3A_62 : memref<10000x64xf32, #tpu.memory_space<hbm>>) target(%dma_start3A_52 : memref<128x64xf32, #tpu.memory_space<vmem>>) offsets(%dma_start3A_55 : memref<128xi32, #tpu.memory_space<vmem>>) semaphore(%dma_start3A_64 : memref<!tpu.dma_semaphore, #tpu.memory_space<semaphore_mem>>)
    %dma_start3A_65 = arith.constant 2 : i32
    %dma_start3A_66 = arith.constant 2 : i32
    %dma_start3A_67 = arith.constant 2 : i32
    %dma_start3A_68 = arith.constant 0 : i32
    %dma_start3A_69 = arith.constant 0 : i32
    %dma_start3A_70 = tpu.memref_slice %arg8[%dma_start3A_66, %dma_start3A_68, %dma_start3A_69] : memref<4x128x64xf32, #tpu.memory_space<vmem>> -> memref<1x128x64xf32, #tpu.memory_space<vmem>>
    %dma_start3A_71 = tpu.memref_squeeze %dma_start3A_70 : memref<1x128x64xf32, #tpu.memory_space<vmem>> -> memref<128x64xf32, #tpu.memory_space<vmem>>
    %dma_start3A_72 = arith.constant 0 : i32
    %dma_start3A_73 = tpu.memref_slice %arg6[%dma_start3A_65, %dma_start3A_72] : memref<160x128xi32, #tpu.memory_space<vmem>> -> memref<1x128xi32, #tpu.memory_space<vmem>>
    %dma_start3A_74 = tpu.memref_squeeze %dma_start3A_73 : memref<1x128xi32, #tpu.memory_space<vmem>> -> memref<128xi32, #tpu.memory_space<vmem>>
    %dma_start3A_75 = arith.constant 0 : i32
    %dma_start3A_76 = arith.constant 0 : i32
    %dma_start3A_77 = tpu.memref_slice %arg2[%arg0, %dma_start3A_75, %dma_start3A_76] : memref<2x10000x64xf32, #tpu.memory_space<hbm>> -> memref<1x10000x64xf32, #tpu.memory_space<hbm>>
    %dma_start3A_78 = tpu.memref_squeeze %dma_start3A_77 : memref<1x10000x64xf32, #tpu.memory_space<hbm>> -> memref<10000x64xf32, #tpu.memory_space<hbm>>
    %dma_start3A_79 = arith.constant 0 : i32
    %dma_start3A_80 = arith.constant 0 : i32
    %dma_start3A_81 = tpu.memref_slice %dma_start3A_78[%dma_start3A_79, %dma_start3A_80] : memref<10000x64xf32, #tpu.memory_space<hbm>> -> memref<10000x64xf32, #tpu.memory_space<hbm>>
    %dma_start3A_82 = tpu.memref_slice %arg10[%dma_start3A_67] : memref<4x!tpu.dma_semaphore, #tpu.memory_space<semaphore_mem>> -> memref<1x!tpu.dma_semaphore, #tpu.memory_space<semaphore_mem>>
    %dma_start3A_83 = tpu.memref_squeeze %dma_start3A_82 : memref<1x!tpu.dma_semaphore, #tpu.memory_space<semaphore_mem>> -> memref<!tpu.dma_semaphore, #tpu.memory_space<semaphore_mem>>
    tpu.enqueue_indirect_dma source(%dma_start3A_81 : memref<10000x64xf32, #tpu.memory_space<hbm>>) target(%dma_start3A_71 : memref<128x64xf32, #tpu.memory_space<vmem>>) offsets(%dma_start3A_74 : memref<128xi32, #tpu.memory_space<vmem>>) semaphore(%dma_start3A_83 : memref<!tpu.dma_semaphore, #tpu.memory_space<semaphore_mem>>)
    %dma_start3A_84 = arith.constant 3 : i32
    %dma_start3A_85 = arith.constant 3 : i32
    %dma_start3A_86 = arith.constant 3 : i32
    %dma_start3A_87 = arith.constant 0 : i32
    %dma_start3A_88 = arith.constant 0 : i32
    %dma_start3A_89 = tpu.memref_slice %arg8[%dma_start3A_85, %dma_start3A_87, %dma_start3A_88] : memref<4x128x64xf32, #tpu.memory_space<vmem>> -> memref<1x128x64xf32, #tpu.memory_space<vmem>>
    %dma_start3A_90 = tpu.memref_squeeze %dma_start3A_89 : memref<1x128x64xf32, #tpu.memory_space<vmem>> -> memref<128x64xf32, #tpu.memory_space<vmem>>
    %dma_start3A_91 = arith.constant 0 : i32
    %dma_start3A_92 = tpu.memref_slice %arg6[%dma_start3A_84, %dma_start3A_91] : memref<160x128xi32, #tpu.memory_space<vmem>> -> memref<1x128xi32, #tpu.memory_space<vmem>>
    %dma_start3A_93 = tpu.memref_squeeze %dma_start3A_92 : memref<1x128xi32, #tpu.memory_space<vmem>> -> memref<128xi32, #tpu.memory_space<vmem>>
    %dma_start3A_94 = arith.constant 0 : i32
    %dma_start3A_95 = arith.constant 0 : i32
    %dma_start3A_96 = tpu.memref_slice %arg2[%arg0, %dma_start3A_94, %dma_start3A_95] : memref<2x10000x64xf32, #tpu.memory_space<hbm>> -> memref<1x10000x64xf32, #tpu.memory_space<hbm>>
    %dma_start3A_97 = tpu.memref_squeeze %dma_start3A_96 : memref<1x10000x64xf32, #tpu.memory_space<hbm>> -> memref<10000x64xf32, #tpu.memory_space<hbm>>
    %dma_start3A_98 = arith.constant 0 : i32
    %dma_start3A_99 = arith.constant 0 : i32
    %dma_start3A_100 = tpu.memref_slice %dma_start3A_97[%dma_start3A_98, %dma_start3A_99] : memref<10000x64xf32, #tpu.memory_space<hbm>> -> memref<10000x64xf32, #tpu.memory_space<hbm>>
    %dma_start3A_101 = tpu.memref_slice %arg10[%dma_start3A_86] : memref<4x!tpu.dma_semaphore, #tpu.memory_space<semaphore_mem>> -> memref<1x!tpu.dma_semaphore, #tpu.memory_space<semaphore_mem>>
    %dma_start3A_102 = tpu.memref_squeeze %dma_start3A_101 : memref<1x!tpu.dma_semaphore, #tpu.memory_space<semaphore_mem>> -> memref<!tpu.dma_semaphore, #tpu.memory_space<semaphore_mem>>
    tpu.enqueue_indirect_dma source(%dma_start3A_100 : memref<10000x64xf32, #tpu.memory_space<hbm>>) target(%dma_start3A_90 : memref<128x64xf32, #tpu.memory_space<vmem>>) offsets(%dma_start3A_93 : memref<128xi32, #tpu.memory_space<vmem>>) semaphore(%dma_start3A_102 : memref<!tpu.dma_semaphore, #tpu.memory_space<semaphore_mem>>)
    %scan3A_103 = arith.constant 0 : i32
    %scan3A_104 = arith.constant 0 : i32
    %scan3A_105 = arith.constant 40 : i32
    %scan3A_106 = arith.addi %scan3A_104, %scan3A_105 : i32
    %scan3A_107 = arith.constant 1 : i32
    scf.for %scan3A_173 = %scan3A_104 to %scan3A_106 step %scan3A_107  : i32 {
      %mul3A_174 = arith.constant 4 : i32
      %mul3A_175 = arith.muli %mul3A_174, %scan3A_173 : i32
      %eq3A = arith.constant 0 : i32
      %eq3A_176 = arith.cmpi eq, %arg0, %eq3A : i32
      %lt3A = arith.constant 80 : i32
      %lt3A_177 = arith.cmpi slt, %mul3A_175, %lt3A : i32
      %ge3A = arith.constant 80 : i32
      %ge3A_178 = arith.cmpi sge, %mul3A_175, %ge3A : i32
      %select_n3A = arith.select %eq3A_176, %lt3A_177, %ge3A_178 : i1
      %add3A_179 = arith.constant 0 : i32
      %add3A_180 = arith.addi %mul3A_175, %add3A_179 : i32
      %dma_wait3A_181 = arith.constant 0 : i32
      %dma_wait3A_182 = arith.constant 0 : i32
      %dma_wait3A_183 = arith.constant 0 : i32
      %dma_wait3A_184 = arith.constant 0 : i32
      %dma_wait3A_185 = tpu.memref_slice %arg8[%dma_wait3A_181, %dma_wait3A_183, %dma_wait3A_184] : memref<4x128x64xf32, #tpu.memory_space<vmem>> -> memref<1x128x64xf32, #tpu.memory_space<vmem>>
      %dma_wait3A_186 = tpu.memref_squeeze %dma_wait3A_185 : memref<1x128x64xf32, #tpu.memory_space<vmem>> -> memref<128x64xf32, #tpu.memory_space<vmem>>
      %dma_wait3A_187 = arith.constant 0 : i32
      %dma_wait3A_188 = tpu.memref_slice %arg6[%add3A_180, %dma_wait3A_187] : memref<160x128xi32, #tpu.memory_space<vmem>> -> memref<1x128xi32, #tpu.memory_space<vmem>>
      %dma_wait3A_189 = tpu.memref_squeeze %dma_wait3A_188 : memref<1x128xi32, #tpu.memory_space<vmem>> -> memref<128xi32, #tpu.memory_space<vmem>>
      %dma_wait3A_190 = arith.constant 0 : i32
      %dma_wait3A_191 = arith.constant 0 : i32
      %dma_wait3A_192 = tpu.memref_slice %arg2[%arg0, %dma_wait3A_190, %dma_wait3A_191] : memref<2x10000x64xf32, #tpu.memory_space<hbm>> -> memref<1x10000x64xf32, #tpu.memory_space<hbm>>
      %dma_wait3A_193 = tpu.memref_squeeze %dma_wait3A_192 : memref<1x10000x64xf32, #tpu.memory_space<hbm>> -> memref<10000x64xf32, #tpu.memory_space<hbm>>
      %dma_wait3A_194 = arith.constant 0 : i32
      %dma_wait3A_195 = arith.constant 0 : i32
      %dma_wait3A_196 = tpu.memref_slice %dma_wait3A_193[%dma_wait3A_194, %dma_wait3A_195] : memref<10000x64xf32, #tpu.memory_space<hbm>> -> memref<10000x64xf32, #tpu.memory_space<hbm>>
      %dma_wait3A_197 = tpu.memref_slice %arg10[%dma_wait3A_182] : memref<4x!tpu.dma_semaphore, #tpu.memory_space<semaphore_mem>> -> memref<1x!tpu.dma_semaphore, #tpu.memory_space<semaphore_mem>>
      %dma_wait3A_198 = tpu.memref_squeeze %dma_wait3A_197 : memref<1x!tpu.dma_semaphore, #tpu.memory_space<semaphore_mem>> -> memref<!tpu.dma_semaphore, #tpu.memory_space<semaphore_mem>>
      tpu.wait_indirect_dma semaphore(%dma_wait3A_198 : memref<!tpu.dma_semaphore, #tpu.memory_space<semaphore_mem>>) src(%dma_wait3A_196 : memref<10000x64xf32, #tpu.memory_space<hbm>>) dst(%dma_wait3A_186 : memref<128x64xf32, #tpu.memory_space<vmem>>)
      %dma_start3A_199 = arith.constant 0 : i32
      %dma_start3A_200 = arith.constant 0 : i32
      %dma_start3A_201 = arith.constant 0 : i32
      %dma_start3A_202 = arith.constant 0 : i32
      %dma_start3A_203 = tpu.memref_slice %arg8[%dma_start3A_199, %dma_start3A_201, %dma_start3A_202] : memref<4x128x64xf32, #tpu.memory_space<vmem>> -> memref<1x128x64xf32, #tpu.memory_space<vmem>>
      %dma_start3A_204 = tpu.memref_squeeze %dma_start3A_203 : memref<1x128x64xf32, #tpu.memory_space<vmem>> -> memref<128x64xf32, #tpu.memory_space<vmem>>
      %dma_start3A_205 = arith.constant 0 : i32
      %dma_start3A_206 = tpu.memref_slice %arg7[%add3A_180, %dma_start3A_205] : memref<160x128xi32, #tpu.memory_space<vmem>> -> memref<1x128xi32, #tpu.memory_space<vmem>>
      %dma_start3A_207 = tpu.memref_squeeze %dma_start3A_206 : memref<1x128xi32, #tpu.memory_space<vmem>> -> memref<128xi32, #tpu.memory_space<vmem>>
      %dma_start3A_208 = arith.constant 0 : i32
      %dma_start3A_209 = arith.constant 0 : i32
      %dma_start3A_210 = tpu.memref_slice %arg9[%dma_start3A_208, %dma_start3A_209] : memref<10240x64xf32, #tpu.memory_space<vmem_shared>> -> memref<10240x64xf32, #tpu.memory_space<vmem_shared>>
      %dma_start3A_211 = tpu.memref_slice %arg11[%dma_start3A_200] : memref<4x!tpu.dma_semaphore, #tpu.memory_space<semaphore_mem>> -> memref<1x!tpu.dma_semaphore, #tpu.memory_space<semaphore_mem>>
      %dma_start3A_212 = tpu.memref_squeeze %dma_start3A_211 : memref<1x!tpu.dma_semaphore, #tpu.memory_space<semaphore_mem>> -> memref<!tpu.dma_semaphore, #tpu.memory_space<semaphore_mem>>
      tpu.enqueue_indirect_dma source(%dma_start3A_204 : memref<128x64xf32, #tpu.memory_space<vmem>>) target(%dma_start3A_210 : memref<10240x64xf32, #tpu.memory_space<vmem_shared>>) offsets(%dma_start3A_207 : memref<128xi32, #tpu.memory_space<vmem>>) semaphore(%dma_start3A_212 : memref<!tpu.dma_semaphore, #tpu.memory_space<semaphore_mem>>) {add = true}
      %add3A_213 = arith.constant 1 : i32
      %add3A_214 = arith.addi %mul3A_175, %add3A_213 : i32
      %dma_wait3A_215 = arith.constant 1 : i32
      %dma_wait3A_216 = arith.constant 1 : i32
      %dma_wait3A_217 = arith.constant 0 : i32
      %dma_wait3A_218 = arith.constant 0 : i32
      %dma_wait3A_219 = tpu.memref_slice %arg8[%dma_wait3A_215, %dma_wait3A_217, %dma_wait3A_218] : memref<4x128x64xf32, #tpu.memory_space<vmem>> -> memref<1x128x64xf32, #tpu.memory_space<vmem>>
      %dma_wait3A_220 = tpu.memref_squeeze %dma_wait3A_219 : memref<1x128x64xf32, #tpu.memory_space<vmem>> -> memref<128x64xf32, #tpu.memory_space<vmem>>
      %dma_wait3A_221 = arith.constant 0 : i32
      %dma_wait3A_222 = tpu.memref_slice %arg6[%add3A_214, %dma_wait3A_221] : memref<160x128xi32, #tpu.memory_space<vmem>> -> memref<1x128xi32, #tpu.memory_space<vmem>>
      %dma_wait3A_223 = tpu.memref_squeeze %dma_wait3A_222 : memref<1x128xi32, #tpu.memory_space<vmem>> -> memref<128xi32, #tpu.memory_space<vmem>>
      %dma_wait3A_224 = arith.constant 0 : i32
      %dma_wait3A_225 = arith.constant 0 : i32
      %dma_wait3A_226 = tpu.memref_slice %arg2[%arg0, %dma_wait3A_224, %dma_wait3A_225] : memref<2x10000x64xf32, #tpu.memory_space<hbm>> -> memref<1x10000x64xf32, #tpu.memory_space<hbm>>
      %dma_wait3A_227 = tpu.memref_squeeze %dma_wait3A_226 : memref<1x10000x64xf32, #tpu.memory_space<hbm>> -> memref<10000x64xf32, #tpu.memory_space<hbm>>
      %dma_wait3A_228 = arith.constant 0 : i32
      %dma_wait3A_229 = arith.constant 0 : i32
      %dma_wait3A_230 = tpu.memref_slice %dma_wait3A_227[%dma_wait3A_228, %dma_wait3A_229] : memref<10000x64xf32, #tpu.memory_space<hbm>> -> memref<10000x64xf32, #tpu.memory_space<hbm>>
      %dma_wait3A_231 = tpu.memref_slice %arg10[%dma_wait3A_216] : memref<4x!tpu.dma_semaphore, #tpu.memory_space<semaphore_mem>> -> memref<1x!tpu.dma_semaphore, #tpu.memory_space<semaphore_mem>>
      %dma_wait3A_232 = tpu.memref_squeeze %dma_wait3A_231 : memref<1x!tpu.dma_semaphore, #tpu.memory_space<semaphore_mem>> -> memref<!tpu.dma_semaphore, #tpu.memory_space<semaphore_mem>>
      tpu.wait_indirect_dma semaphore(%dma_wait3A_232 : memref<!tpu.dma_semaphore, #tpu.memory_space<semaphore_mem>>) src(%dma_wait3A_230 : memref<10000x64xf32, #tpu.memory_space<hbm>>) dst(%dma_wait3A_220 : memref<128x64xf32, #tpu.memory_space<vmem>>)
      %dma_start3A_233 = arith.constant 1 : i32
      %dma_start3A_234 = arith.constant 1 : i32
      %dma_start3A_235 = arith.constant 0 : i32
      %dma_start3A_236 = arith.constant 0 : i32
      %dma_start3A_237 = tpu.memref_slice %arg8[%dma_start3A_233, %dma_start3A_235, %dma_start3A_236] : memref<4x128x64xf32, #tpu.memory_space<vmem>> -> memref<1x128x64xf32, #tpu.memory_space<vmem>>
      %dma_start3A_238 = tpu.memref_squeeze %dma_start3A_237 : memref<1x128x64xf32, #tpu.memory_space<vmem>> -> memref<128x64xf32, #tpu.memory_space<vmem>>
      %dma_start3A_239 = arith.constant 0 : i32
      %dma_start3A_240 = tpu.memref_slice %arg7[%add3A_214, %dma_start3A_239] : memref<160x128xi32, #tpu.memory_space<vmem>> -> memref<1x128xi32, #tpu.memory_space<vmem>>
      %dma_start3A_241 = tpu.memref_squeeze %dma_start3A_240 : memref<1x128xi32, #tpu.memory_space<vmem>> -> memref<128xi32, #tpu.memory_space<vmem>>
      %dma_start3A_242 = arith.constant 0 : i32
      %dma_start3A_243 = arith.constant 0 : i32
      %dma_start3A_244 = tpu.memref_slice %arg9[%dma_start3A_242, %dma_start3A_243] : memref<10240x64xf32, #tpu.memory_space<vmem_shared>> -> memref<10240x64xf32, #tpu.memory_space<vmem_shared>>
      %dma_start3A_245 = tpu.memref_slice %arg11[%dma_start3A_234] : memref<4x!tpu.dma_semaphore, #tpu.memory_space<semaphore_mem>> -> memref<1x!tpu.dma_semaphore, #tpu.memory_space<semaphore_mem>>
      %dma_start3A_246 = tpu.memref_squeeze %dma_start3A_245 : memref<1x!tpu.dma_semaphore, #tpu.memory_space<semaphore_mem>> -> memref<!tpu.dma_semaphore, #tpu.memory_space<semaphore_mem>>
      tpu.enqueue_indirect_dma source(%dma_start3A_238 : memref<128x64xf32, #tpu.memory_space<vmem>>) target(%dma_start3A_244 : memref<10240x64xf32, #tpu.memory_space<vmem_shared>>) offsets(%dma_start3A_241 : memref<128xi32, #tpu.memory_space<vmem>>) semaphore(%dma_start3A_246 : memref<!tpu.dma_semaphore, #tpu.memory_space<semaphore_mem>>) {add = true}
      %add3A_247 = arith.constant 2 : i32
      %add3A_248 = arith.addi %mul3A_175, %add3A_247 : i32
      %dma_wait3A_249 = arith.constant 2 : i32
      %dma_wait3A_250 = arith.constant 2 : i32
      %dma_wait3A_251 = arith.constant 0 : i32
      %dma_wait3A_252 = arith.constant 0 : i32
      %dma_wait3A_253 = tpu.memref_slice %arg8[%dma_wait3A_249, %dma_wait3A_251, %dma_wait3A_252] : memref<4x128x64xf32, #tpu.memory_space<vmem>> -> memref<1x128x64xf32, #tpu.memory_space<vmem>>
      %dma_wait3A_254 = tpu.memref_squeeze %dma_wait3A_253 : memref<1x128x64xf32, #tpu.memory_space<vmem>> -> memref<128x64xf32, #tpu.memory_space<vmem>>
      %dma_wait3A_255 = arith.constant 0 : i32
      %dma_wait3A_256 = tpu.memref_slice %arg6[%add3A_248, %dma_wait3A_255] : memref<160x128xi32, #tpu.memory_space<vmem>> -> memref<1x128xi32, #tpu.memory_space<vmem>>
      %dma_wait3A_257 = tpu.memref_squeeze %dma_wait3A_256 : memref<1x128xi32, #tpu.memory_space<vmem>> -> memref<128xi32, #tpu.memory_space<vmem>>
      %dma_wait3A_258 = arith.constant 0 : i32
      %dma_wait3A_259 = arith.constant 0 : i32
      %dma_wait3A_260 = tpu.memref_slice %arg2[%arg0, %dma_wait3A_258, %dma_wait3A_259] : memref<2x10000x64xf32, #tpu.memory_space<hbm>> -> memref<1x10000x64xf32, #tpu.memory_space<hbm>>
      %dma_wait3A_261 = tpu.memref_squeeze %dma_wait3A_260 : memref<1x10000x64xf32, #tpu.memory_space<hbm>> -> memref<10000x64xf32, #tpu.memory_space<hbm>>
      %dma_wait3A_262 = arith.constant 0 : i32
      %dma_wait3A_263 = arith.constant 0 : i32
      %dma_wait3A_264 = tpu.memref_slice %dma_wait3A_261[%dma_wait3A_262, %dma_wait3A_263] : memref<10000x64xf32, #tpu.memory_space<hbm>> -> memref<10000x64xf32, #tpu.memory_space<hbm>>
      %dma_wait3A_265 = tpu.memref_slice %arg10[%dma_wait3A_250] : memref<4x!tpu.dma_semaphore, #tpu.memory_space<semaphore_mem>> -> memref<1x!tpu.dma_semaphore, #tpu.memory_space<semaphore_mem>>
      %dma_wait3A_266 = tpu.memref_squeeze %dma_wait3A_265 : memref<1x!tpu.dma_semaphore, #tpu.memory_space<semaphore_mem>> -> memref<!tpu.dma_semaphore, #tpu.memory_space<semaphore_mem>>
      tpu.wait_indirect_dma semaphore(%dma_wait3A_266 : memref<!tpu.dma_semaphore, #tpu.memory_space<semaphore_mem>>) src(%dma_wait3A_264 : memref<10000x64xf32, #tpu.memory_space<hbm>>) dst(%dma_wait3A_254 : memref<128x64xf32, #tpu.memory_space<vmem>>)
      %dma_start3A_267 = arith.constant 2 : i32
      %dma_start3A_268 = arith.constant 2 : i32
      %dma_start3A_269 = arith.constant 0 : i32
      %dma_start3A_270 = arith.constant 0 : i32
      %dma_start3A_271 = tpu.memref_slice %arg8[%dma_start3A_267, %dma_start3A_269, %dma_start3A_270] : memref<4x128x64xf32, #tpu.memory_space<vmem>> -> memref<1x128x64xf32, #tpu.memory_space<vmem>>
      %dma_start3A_272 = tpu.memref_squeeze %dma_start3A_271 : memref<1x128x64xf32, #tpu.memory_space<vmem>> -> memref<128x64xf32, #tpu.memory_space<vmem>>
      %dma_start3A_273 = arith.constant 0 : i32
      %dma_start3A_274 = tpu.memref_slice %arg7[%add3A_248, %dma_start3A_273] : memref<160x128xi32, #tpu.memory_space<vmem>> -> memref<1x128xi32, #tpu.memory_space<vmem>>
      %dma_start3A_275 = tpu.memref_squeeze %dma_start3A_274 : memref<1x128xi32, #tpu.memory_space<vmem>> -> memref<128xi32, #tpu.memory_space<vmem>>
      %dma_start3A_276 = arith.constant 0 : i32
      %dma_start3A_277 = arith.constant 0 : i32
      %dma_start3A_278 = tpu.memref_slice %arg9[%dma_start3A_276, %dma_start3A_277] : memref<10240x64xf32, #tpu.memory_space<vmem_shared>> -> memref<10240x64xf32, #tpu.memory_space<vmem_shared>>
      %dma_start3A_279 = tpu.memref_slice %arg11[%dma_start3A_268] : memref<4x!tpu.dma_semaphore, #tpu.memory_space<semaphore_mem>> -> memref<1x!tpu.dma_semaphore, #tpu.memory_space<semaphore_mem>>
      %dma_start3A_280 = tpu.memref_squeeze %dma_start3A_279 : memref<1x!tpu.dma_semaphore, #tpu.memory_space<semaphore_mem>> -> memref<!tpu.dma_semaphore, #tpu.memory_space<semaphore_mem>>
      tpu.enqueue_indirect_dma source(%dma_start3A_272 : memref<128x64xf32, #tpu.memory_space<vmem>>) target(%dma_start3A_278 : memref<10240x64xf32, #tpu.memory_space<vmem_shared>>) offsets(%dma_start3A_275 : memref<128xi32, #tpu.memory_space<vmem>>) semaphore(%dma_start3A_280 : memref<!tpu.dma_semaphore, #tpu.memory_space<semaphore_mem>>) {add = true}
      %add3A_281 = arith.constant 3 : i32
      %add3A_282 = arith.addi %mul3A_175, %add3A_281 : i32
      %dma_wait3A_283 = arith.constant 3 : i32
      %dma_wait3A_284 = arith.constant 3 : i32
      %dma_wait3A_285 = arith.constant 0 : i32
      %dma_wait3A_286 = arith.constant 0 : i32
      %dma_wait3A_287 = tpu.memref_slice %arg8[%dma_wait3A_283, %dma_wait3A_285, %dma_wait3A_286] : memref<4x128x64xf32, #tpu.memory_space<vmem>> -> memref<1x128x64xf32, #tpu.memory_space<vmem>>
      %dma_wait3A_288 = tpu.memref_squeeze %dma_wait3A_287 : memref<1x128x64xf32, #tpu.memory_space<vmem>> -> memref<128x64xf32, #tpu.memory_space<vmem>>
      %dma_wait3A_289 = arith.constant 0 : i32
      %dma_wait3A_290 = tpu.memref_slice %arg6[%add3A_282, %dma_wait3A_289] : memref<160x128xi32, #tpu.memory_space<vmem>> -> memref<1x128xi32, #tpu.memory_space<vmem>>
      %dma_wait3A_291 = tpu.memref_squeeze %dma_wait3A_290 : memref<1x128xi32, #tpu.memory_space<vmem>> -> memref<128xi32, #tpu.memory_space<vmem>>
      %dma_wait3A_292 = arith.constant 0 : i32
      %dma_wait3A_293 = arith.constant 0 : i32
      %dma_wait3A_294 = tpu.memref_slice %arg2[%arg0, %dma_wait3A_292, %dma_wait3A_293] : memref<2x10000x64xf32, #tpu.memory_space<hbm>> -> memref<1x10000x64xf32, #tpu.memory_space<hbm>>
      %dma_wait3A_295 = tpu.memref_squeeze %dma_wait3A_294 : memref<1x10000x64xf32, #tpu.memory_space<hbm>> -> memref<10000x64xf32, #tpu.memory_space<hbm>>
      %dma_wait3A_296 = arith.constant 0 : i32
      %dma_wait3A_297 = arith.constant 0 : i32
      %dma_wait3A_298 = tpu.memref_slice %dma_wait3A_295[%dma_wait3A_296, %dma_wait3A_297] : memref<10000x64xf32, #tpu.memory_space<hbm>> -> memref<10000x64xf32, #tpu.memory_space<hbm>>
      %dma_wait3A_299 = tpu.memref_slice %arg10[%dma_wait3A_284] : memref<4x!tpu.dma_semaphore, #tpu.memory_space<semaphore_mem>> -> memref<1x!tpu.dma_semaphore, #tpu.memory_space<semaphore_mem>>
      %dma_wait3A_300 = tpu.memref_squeeze %dma_wait3A_299 : memref<1x!tpu.dma_semaphore, #tpu.memory_space<semaphore_mem>> -> memref<!tpu.dma_semaphore, #tpu.memory_space<semaphore_mem>>
      tpu.wait_indirect_dma semaphore(%dma_wait3A_300 : memref<!tpu.dma_semaphore, #tpu.memory_space<semaphore_mem>>) src(%dma_wait3A_298 : memref<10000x64xf32, #tpu.memory_space<hbm>>) dst(%dma_wait3A_288 : memref<128x64xf32, #tpu.memory_space<vmem>>)
      %dma_start3A_301 = arith.constant 3 : i32
      %dma_start3A_302 = arith.constant 3 : i32
      %dma_start3A_303 = arith.constant 0 : i32
      %dma_start3A_304 = arith.constant 0 : i32
      %dma_start3A_305 = tpu.memref_slice %arg8[%dma_start3A_301, %dma_start3A_303, %dma_start3A_304] : memref<4x128x64xf32, #tpu.memory_space<vmem>> -> memref<1x128x64xf32, #tpu.memory_space<vmem>>
      %dma_start3A_306 = tpu.memref_squeeze %dma_start3A_305 : memref<1x128x64xf32, #tpu.memory_space<vmem>> -> memref<128x64xf32, #tpu.memory_space<vmem>>
      %dma_start3A_307 = arith.constant 0 : i32
      %dma_start3A_308 = tpu.memref_slice %arg7[%add3A_282, %dma_start3A_307] : memref<160x128xi32, #tpu.memory_space<vmem>> -> memref<1x128xi32, #tpu.memory_space<vmem>>
      %dma_start3A_309 = tpu.memref_squeeze %dma_start3A_308 : memref<1x128xi32, #tpu.memory_space<vmem>> -> memref<128xi32, #tpu.memory_space<vmem>>
      %dma_start3A_310 = arith.constant 0 : i32
      %dma_start3A_311 = arith.constant 0 : i32
      %dma_start3A_312 = tpu.memref_slice %arg9[%dma_start3A_310, %dma_start3A_311] : memref<10240x64xf32, #tpu.memory_space<vmem_shared>> -> memref<10240x64xf32, #tpu.memory_space<vmem_shared>>
      %dma_start3A_313 = tpu.memref_slice %arg11[%dma_start3A_302] : memref<4x!tpu.dma_semaphore, #tpu.memory_space<semaphore_mem>> -> memref<1x!tpu.dma_semaphore, #tpu.memory_space<semaphore_mem>>
      %dma_start3A_314 = tpu.memref_squeeze %dma_start3A_313 : memref<1x!tpu.dma_semaphore, #tpu.memory_space<semaphore_mem>> -> memref<!tpu.dma_semaphore, #tpu.memory_space<semaphore_mem>>
      tpu.enqueue_indirect_dma source(%dma_start3A_306 : memref<128x64xf32, #tpu.memory_space<vmem>>) target(%dma_start3A_312 : memref<10240x64xf32, #tpu.memory_space<vmem_shared>>) offsets(%dma_start3A_309 : memref<128xi32, #tpu.memory_space<vmem>>) semaphore(%dma_start3A_314 : memref<!tpu.dma_semaphore, #tpu.memory_space<semaphore_mem>>) {add = true}
      %lt3A_315 = arith.constant 39 : i32
      %lt3A_316 = arith.cmpi slt, %scan3A_173, %lt3A_315 : i32
      %convert_element_type3A = arith.extui %lt3A_316 : i1 to i32
      %cond3A = arith.constant 0 : i32
      %cond3A_317 = arith.cmpi ne, %convert_element_type3A, %cond3A : i32
      scf.if %cond3A_317 {
        %add3A_318 = arith.constant 0 : i32
        %add3A_319 = arith.addi %mul3A_175, %add3A_318 : i32
        %dma_wait3A_320 = arith.constant 0 : i32
        %dma_wait3A_321 = arith.constant 0 : i32
        %dma_wait3A_322 = arith.constant 0 : i32
        %dma_wait3A_323 = arith.constant 0 : i32
        %dma_wait3A_324 = tpu.memref_slice %arg8[%dma_wait3A_320, %dma_wait3A_322, %dma_wait3A_323] : memref<4x128x64xf32, #tpu.memory_space<vmem>> -> memref<1x128x64xf32, #tpu.memory_space<vmem>>
        %dma_wait3A_325 = tpu.memref_squeeze %dma_wait3A_324 : memref<1x128x64xf32, #tpu.memory_space<vmem>> -> memref<128x64xf32, #tpu.memory_space<vmem>>
        %dma_wait3A_326 = arith.constant 0 : i32
        %dma_wait3A_327 = tpu.memref_slice %arg7[%add3A_319, %dma_wait3A_326] : memref<160x128xi32, #tpu.memory_space<vmem>> -> memref<1x128xi32, #tpu.memory_space<vmem>>
        %dma_wait3A_328 = tpu.memref_squeeze %dma_wait3A_327 : memref<1x128xi32, #tpu.memory_space<vmem>> -> memref<128xi32, #tpu.memory_space<vmem>>
        %dma_wait3A_329 = arith.constant 0 : i32
        %dma_wait3A_330 = arith.constant 0 : i32
        %dma_wait3A_331 = tpu.memref_slice %arg9[%dma_wait3A_329, %dma_wait3A_330] : memref<10240x64xf32, #tpu.memory_space<vmem_shared>> -> memref<10240x64xf32, #tpu.memory_space<vmem_shared>>
        %dma_wait3A_332 = tpu.memref_slice %arg11[%dma_wait3A_321] : memref<4x!tpu.dma_semaphore, #tpu.memory_space<semaphore_mem>> -> memref<1x!tpu.dma_semaphore, #tpu.memory_space<semaphore_mem>>
        %dma_wait3A_333 = tpu.memref_squeeze %dma_wait3A_332 : memref<1x!tpu.dma_semaphore, #tpu.memory_space<semaphore_mem>> -> memref<!tpu.dma_semaphore, #tpu.memory_space<semaphore_mem>>
        tpu.wait_indirect_dma semaphore(%dma_wait3A_333 : memref<!tpu.dma_semaphore, #tpu.memory_space<semaphore_mem>>) src(%dma_wait3A_325 : memref<128x64xf32, #tpu.memory_space<vmem>>) dst(%dma_wait3A_331 : memref<10240x64xf32, #tpu.memory_space<vmem_shared>>)
        %add3A_334 = arith.constant 4 : i32
        %add3A_335 = arith.addi %add3A_319, %add3A_334 : i32
        %dma_start3A_336 = arith.constant 0 : i32
        %dma_start3A_337 = arith.constant 0 : i32
        %dma_start3A_338 = arith.constant 0 : i32
        %dma_start3A_339 = arith.constant 0 : i32
        %dma_start3A_340 = tpu.memref_slice %arg8[%dma_start3A_336, %dma_start3A_338, %dma_start3A_339] : memref<4x128x64xf32, #tpu.memory_space<vmem>> -> memref<1x128x64xf32, #tpu.memory_space<vmem>>
        %dma_start3A_341 = tpu.memref_squeeze %dma_start3A_340 : memref<1x128x64xf32, #tpu.memory_space<vmem>> -> memref<128x64xf32, #tpu.memory_space<vmem>>
        %dma_start3A_342 = arith.constant 0 : i32
        %dma_start3A_343 = tpu.memref_slice %arg6[%add3A_335, %dma_start3A_342] : memref<160x128xi32, #tpu.memory_space<vmem>> -> memref<1x128xi32, #tpu.memory_space<vmem>>
        %dma_start3A_344 = tpu.memref_squeeze %dma_start3A_343 : memref<1x128xi32, #tpu.memory_space<vmem>> -> memref<128xi32, #tpu.memory_space<vmem>>
        %dma_start3A_345 = arith.constant 0 : i32
        %dma_start3A_346 = arith.constant 0 : i32
        %dma_start3A_347 = tpu.memref_slice %arg2[%arg0, %dma_start3A_345, %dma_start3A_346] : memref<2x10000x64xf32, #tpu.memory_space<hbm>> -> memref<1x10000x64xf32, #tpu.memory_space<hbm>>
        %dma_start3A_348 = tpu.memref_squeeze %dma_start3A_347 : memref<1x10000x64xf32, #tpu.memory_space<hbm>> -> memref<10000x64xf32, #tpu.memory_space<hbm>>
        %dma_start3A_349 = arith.constant 0 : i32
        %dma_start3A_350 = arith.constant 0 : i32
        %dma_start3A_351 = tpu.memref_slice %dma_start3A_348[%dma_start3A_349, %dma_start3A_350] : memref<10000x64xf32, #tpu.memory_space<hbm>> -> memref<10000x64xf32, #tpu.memory_space<hbm>>
        %dma_start3A_352 = tpu.memref_slice %arg10[%dma_start3A_337] : memref<4x!tpu.dma_semaphore, #tpu.memory_space<semaphore_mem>> -> memref<1x!tpu.dma_semaphore, #tpu.memory_space<semaphore_mem>>
        %dma_start3A_353 = tpu.memref_squeeze %dma_start3A_352 : memref<1x!tpu.dma_semaphore, #tpu.memory_space<semaphore_mem>> -> memref<!tpu.dma_semaphore, #tpu.memory_space<semaphore_mem>>
        tpu.enqueue_indirect_dma source(%dma_start3A_351 : memref<10000x64xf32, #tpu.memory_space<hbm>>) target(%dma_start3A_341 : memref<128x64xf32, #tpu.memory_space<vmem>>) offsets(%dma_start3A_344 : memref<128xi32, #tpu.memory_space<vmem>>) semaphore(%dma_start3A_353 : memref<!tpu.dma_semaphore, #tpu.memory_space<semaphore_mem>>)
        %add3A_354 = arith.constant 1 : i32
        %add3A_355 = arith.addi %mul3A_175, %add3A_354 : i32
        %dma_wait3A_356 = arith.constant 1 : i32
        %dma_wait3A_357 = arith.constant 1 : i32
        %dma_wait3A_358 = arith.constant 0 : i32
        %dma_wait3A_359 = arith.constant 0 : i32
        %dma_wait3A_360 = tpu.memref_slice %arg8[%dma_wait3A_356, %dma_wait3A_358, %dma_wait3A_359] : memref<4x128x64xf32, #tpu.memory_space<vmem>> -> memref<1x128x64xf32, #tpu.memory_space<vmem>>
        %dma_wait3A_361 = tpu.memref_squeeze %dma_wait3A_360 : memref<1x128x64xf32, #tpu.memory_space<vmem>> -> memref<128x64xf32, #tpu.memory_space<vmem>>
        %dma_wait3A_362 = arith.constant 0 : i32
        %dma_wait3A_363 = tpu.memref_slice %arg7[%add3A_355, %dma_wait3A_362] : memref<160x128xi32, #tpu.memory_space<vmem>> -> memref<1x128xi32, #tpu.memory_space<vmem>>
        %dma_wait3A_364 = tpu.memref_squeeze %dma_wait3A_363 : memref<1x128xi32, #tpu.memory_space<vmem>> -> memref<128xi32, #tpu.memory_space<vmem>>
        %dma_wait3A_365 = arith.constant 0 : i32
        %dma_wait3A_366 = arith.constant 0 : i32
        %dma_wait3A_367 = tpu.memref_slice %arg9[%dma_wait3A_365, %dma_wait3A_366] : memref<10240x64xf32, #tpu.memory_space<vmem_shared>> -> memref<10240x64xf32, #tpu.memory_space<vmem_shared>>
        %dma_wait3A_368 = tpu.memref_slice %arg11[%dma_wait3A_357] : memref<4x!tpu.dma_semaphore, #tpu.memory_space<semaphore_mem>> -> memref<1x!tpu.dma_semaphore, #tpu.memory_space<semaphore_mem>>
        %dma_wait3A_369 = tpu.memref_squeeze %dma_wait3A_368 : memref<1x!tpu.dma_semaphore, #tpu.memory_space<semaphore_mem>> -> memref<!tpu.dma_semaphore, #tpu.memory_space<semaphore_mem>>
        tpu.wait_indirect_dma semaphore(%dma_wait3A_369 : memref<!tpu.dma_semaphore, #tpu.memory_space<semaphore_mem>>) src(%dma_wait3A_361 : memref<128x64xf32, #tpu.memory_space<vmem>>) dst(%dma_wait3A_367 : memref<10240x64xf32, #tpu.memory_space<vmem_shared>>)
        %add3A_370 = arith.constant 4 : i32
        %add3A_371 = arith.addi %add3A_355, %add3A_370 : i32
        %dma_start3A_372 = arith.constant 1 : i32
        %dma_start3A_373 = arith.constant 1 : i32
        %dma_start3A_374 = arith.constant 0 : i32
        %dma_start3A_375 = arith.constant 0 : i32
        %dma_start3A_376 = tpu.memref_slice %arg8[%dma_start3A_372, %dma_start3A_374, %dma_start3A_375] : memref<4x128x64xf32, #tpu.memory_space<vmem>> -> memref<1x128x64xf32, #tpu.memory_space<vmem>>
        %dma_start3A_377 = tpu.memref_squeeze %dma_start3A_376 : memref<1x128x64xf32, #tpu.memory_space<vmem>> -> memref<128x64xf32, #tpu.memory_space<vmem>>
        %dma_start3A_378 = arith.constant 0 : i32
        %dma_start3A_379 = tpu.memref_slice %arg6[%add3A_371, %dma_start3A_378] : memref<160x128xi32, #tpu.memory_space<vmem>> -> memref<1x128xi32, #tpu.memory_space<vmem>>
        %dma_start3A_380 = tpu.memref_squeeze %dma_start3A_379 : memref<1x128xi32, #tpu.memory_space<vmem>> -> memref<128xi32, #tpu.memory_space<vmem>>
        %dma_start3A_381 = arith.constant 0 : i32
        %dma_start3A_382 = arith.constant 0 : i32
        %dma_start3A_383 = tpu.memref_slice %arg2[%arg0, %dma_start3A_381, %dma_start3A_382] : memref<2x10000x64xf32, #tpu.memory_space<hbm>> -> memref<1x10000x64xf32, #tpu.memory_space<hbm>>
        %dma_start3A_384 = tpu.memref_squeeze %dma_start3A_383 : memref<1x10000x64xf32, #tpu.memory_space<hbm>> -> memref<10000x64xf32, #tpu.memory_space<hbm>>
        %dma_start3A_385 = arith.constant 0 : i32
        %dma_start3A_386 = arith.constant 0 : i32
        %dma_start3A_387 = tpu.memref_slice %dma_start3A_384[%dma_start3A_385, %dma_start3A_386] : memref<10000x64xf32, #tpu.memory_space<hbm>> -> memref<10000x64xf32, #tpu.memory_space<hbm>>
        %dma_start3A_388 = tpu.memref_slice %arg10[%dma_start3A_373] : memref<4x!tpu.dma_semaphore, #tpu.memory_space<semaphore_mem>> -> memref<1x!tpu.dma_semaphore, #tpu.memory_space<semaphore_mem>>
        %dma_start3A_389 = tpu.memref_squeeze %dma_start3A_388 : memref<1x!tpu.dma_semaphore, #tpu.memory_space<semaphore_mem>> -> memref<!tpu.dma_semaphore, #tpu.memory_space<semaphore_mem>>
        tpu.enqueue_indirect_dma source(%dma_start3A_387 : memref<10000x64xf32, #tpu.memory_space<hbm>>) target(%dma_start3A_377 : memref<128x64xf32, #tpu.memory_space<vmem>>) offsets(%dma_start3A_380 : memref<128xi32, #tpu.memory_space<vmem>>) semaphore(%dma_start3A_389 : memref<!tpu.dma_semaphore, #tpu.memory_space<semaphore_mem>>)
        %add3A_390 = arith.constant 2 : i32
        %add3A_391 = arith.addi %mul3A_175, %add3A_390 : i32
        %dma_wait3A_392 = arith.constant 2 : i32
        %dma_wait3A_393 = arith.constant 2 : i32
        %dma_wait3A_394 = arith.constant 0 : i32
        %dma_wait3A_395 = arith.constant 0 : i32
        %dma_wait3A_396 = tpu.memref_slice %arg8[%dma_wait3A_392, %dma_wait3A_394, %dma_wait3A_395] : memref<4x128x64xf32, #tpu.memory_space<vmem>> -> memref<1x128x64xf32, #tpu.memory_space<vmem>>
        %dma_wait3A_397 = tpu.memref_squeeze %dma_wait3A_396 : memref<1x128x64xf32, #tpu.memory_space<vmem>> -> memref<128x64xf32, #tpu.memory_space<vmem>>
        %dma_wait3A_398 = arith.constant 0 : i32
        %dma_wait3A_399 = tpu.memref_slice %arg7[%add3A_391, %dma_wait3A_398] : memref<160x128xi32, #tpu.memory_space<vmem>> -> memref<1x128xi32, #tpu.memory_space<vmem>>
        %dma_wait3A_400 = tpu.memref_squeeze %dma_wait3A_399 : memref<1x128xi32, #tpu.memory_space<vmem>> -> memref<128xi32, #tpu.memory_space<vmem>>
        %dma_wait3A_401 = arith.constant 0 : i32
        %dma_wait3A_402 = arith.constant 0 : i32
        %dma_wait3A_403 = tpu.memref_slice %arg9[%dma_wait3A_401, %dma_wait3A_402] : memref<10240x64xf32, #tpu.memory_space<vmem_shared>> -> memref<10240x64xf32, #tpu.memory_space<vmem_shared>>
        %dma_wait3A_404 = tpu.memref_slice %arg11[%dma_wait3A_393] : memref<4x!tpu.dma_semaphore, #tpu.memory_space<semaphore_mem>> -> memref<1x!tpu.dma_semaphore, #tpu.memory_space<semaphore_mem>>
        %dma_wait3A_405 = tpu.memref_squeeze %dma_wait3A_404 : memref<1x!tpu.dma_semaphore, #tpu.memory_space<semaphore_mem>> -> memref<!tpu.dma_semaphore, #tpu.memory_space<semaphore_mem>>
        tpu.wait_indirect_dma semaphore(%dma_wait3A_405 : memref<!tpu.dma_semaphore, #tpu.memory_space<semaphore_mem>>) src(%dma_wait3A_397 : memref<128x64xf32, #tpu.memory_space<vmem>>) dst(%dma_wait3A_403 : memref<10240x64xf32, #tpu.memory_space<vmem_shared>>)
        %add3A_406 = arith.constant 4 : i32
        %add3A_407 = arith.addi %add3A_391, %add3A_406 : i32
        %dma_start3A_408 = arith.constant 2 : i32
        %dma_start3A_409 = arith.constant 2 : i32
        %dma_start3A_410 = arith.constant 0 : i32
        %dma_start3A_411 = arith.constant 0 : i32
        %dma_start3A_412 = tpu.memref_slice %arg8[%dma_start3A_408, %dma_start3A_410, %dma_start3A_411] : memref<4x128x64xf32, #tpu.memory_space<vmem>> -> memref<1x128x64xf32, #tpu.memory_space<vmem>>
        %dma_start3A_413 = tpu.memref_squeeze %dma_start3A_412 : memref<1x128x64xf32, #tpu.memory_space<vmem>> -> memref<128x64xf32, #tpu.memory_space<vmem>>
        %dma_start3A_414 = arith.constant 0 : i32
        %dma_start3A_415 = tpu.memref_slice %arg6[%add3A_407, %dma_start3A_414] : memref<160x128xi32, #tpu.memory_space<vmem>> -> memref<1x128xi32, #tpu.memory_space<vmem>>
        %dma_start3A_416 = tpu.memref_squeeze %dma_start3A_415 : memref<1x128xi32, #tpu.memory_space<vmem>> -> memref<128xi32, #tpu.memory_space<vmem>>
        %dma_start3A_417 = arith.constant 0 : i32
        %dma_start3A_418 = arith.constant 0 : i32
        %dma_start3A_419 = tpu.memref_slice %arg2[%arg0, %dma_start3A_417, %dma_start3A_418] : memref<2x10000x64xf32, #tpu.memory_space<hbm>> -> memref<1x10000x64xf32, #tpu.memory_space<hbm>>
        %dma_start3A_420 = tpu.memref_squeeze %dma_start3A_419 : memref<1x10000x64xf32, #tpu.memory_space<hbm>> -> memref<10000x64xf32, #tpu.memory_space<hbm>>
        %dma_start3A_421 = arith.constant 0 : i32
        %dma_start3A_422 = arith.constant 0 : i32
        %dma_start3A_423 = tpu.memref_slice %dma_start3A_420[%dma_start3A_421, %dma_start3A_422] : memref<10000x64xf32, #tpu.memory_space<hbm>> -> memref<10000x64xf32, #tpu.memory_space<hbm>>
        %dma_start3A_424 = tpu.memref_slice %arg10[%dma_start3A_409] : memref<4x!tpu.dma_semaphore, #tpu.memory_space<semaphore_mem>> -> memref<1x!tpu.dma_semaphore, #tpu.memory_space<semaphore_mem>>
        %dma_start3A_425 = tpu.memref_squeeze %dma_start3A_424 : memref<1x!tpu.dma_semaphore, #tpu.memory_space<semaphore_mem>> -> memref<!tpu.dma_semaphore, #tpu.memory_space<semaphore_mem>>
        tpu.enqueue_indirect_dma source(%dma_start3A_423 : memref<10000x64xf32, #tpu.memory_space<hbm>>) target(%dma_start3A_413 : memref<128x64xf32, #tpu.memory_space<vmem>>) offsets(%dma_start3A_416 : memref<128xi32, #tpu.memory_space<vmem>>) semaphore(%dma_start3A_425 : memref<!tpu.dma_semaphore, #tpu.memory_space<semaphore_mem>>)
        %add3A_426 = arith.constant 3 : i32
        %add3A_427 = arith.addi %mul3A_175, %add3A_426 : i32
        %dma_wait3A_428 = arith.constant 3 : i32
        %dma_wait3A_429 = arith.constant 3 : i32
        %dma_wait3A_430 = arith.constant 0 : i32
        %dma_wait3A_431 = arith.constant 0 : i32
        %dma_wait3A_432 = tpu.memref_slice %arg8[%dma_wait3A_428, %dma_wait3A_430, %dma_wait3A_431] : memref<4x128x64xf32, #tpu.memory_space<vmem>> -> memref<1x128x64xf32, #tpu.memory_space<vmem>>
        %dma_wait3A_433 = tpu.memref_squeeze %dma_wait3A_432 : memref<1x128x64xf32, #tpu.memory_space<vmem>> -> memref<128x64xf32, #tpu.memory_space<vmem>>
        %dma_wait3A_434 = arith.constant 0 : i32
        %dma_wait3A_435 = tpu.memref_slice %arg7[%add3A_427, %dma_wait3A_434] : memref<160x128xi32, #tpu.memory_space<vmem>> -> memref<1x128xi32, #tpu.memory_space<vmem>>
        %dma_wait3A_436 = tpu.memref_squeeze %dma_wait3A_435 : memref<1x128xi32, #tpu.memory_space<vmem>> -> memref<128xi32, #tpu.memory_space<vmem>>
        %dma_wait3A_437 = arith.constant 0 : i32
        %dma_wait3A_438 = arith.constant 0 : i32
        %dma_wait3A_439 = tpu.memref_slice %arg9[%dma_wait3A_437, %dma_wait3A_438] : memref<10240x64xf32, #tpu.memory_space<vmem_shared>> -> memref<10240x64xf32, #tpu.memory_space<vmem_shared>>
        %dma_wait3A_440 = tpu.memref_slice %arg11[%dma_wait3A_429] : memref<4x!tpu.dma_semaphore, #tpu.memory_space<semaphore_mem>> -> memref<1x!tpu.dma_semaphore, #tpu.memory_space<semaphore_mem>>
        %dma_wait3A_441 = tpu.memref_squeeze %dma_wait3A_440 : memref<1x!tpu.dma_semaphore, #tpu.memory_space<semaphore_mem>> -> memref<!tpu.dma_semaphore, #tpu.memory_space<semaphore_mem>>
        tpu.wait_indirect_dma semaphore(%dma_wait3A_441 : memref<!tpu.dma_semaphore, #tpu.memory_space<semaphore_mem>>) src(%dma_wait3A_433 : memref<128x64xf32, #tpu.memory_space<vmem>>) dst(%dma_wait3A_439 : memref<10240x64xf32, #tpu.memory_space<vmem_shared>>)
        %add3A_442 = arith.constant 4 : i32
        %add3A_443 = arith.addi %add3A_427, %add3A_442 : i32
        %dma_start3A_444 = arith.constant 3 : i32
        %dma_start3A_445 = arith.constant 3 : i32
        %dma_start3A_446 = arith.constant 0 : i32
        %dma_start3A_447 = arith.constant 0 : i32
        %dma_start3A_448 = tpu.memref_slice %arg8[%dma_start3A_444, %dma_start3A_446, %dma_start3A_447] : memref<4x128x64xf32, #tpu.memory_space<vmem>> -> memref<1x128x64xf32, #tpu.memory_space<vmem>>
        %dma_start3A_449 = tpu.memref_squeeze %dma_start3A_448 : memref<1x128x64xf32, #tpu.memory_space<vmem>> -> memref<128x64xf32, #tpu.memory_space<vmem>>
        %dma_start3A_450 = arith.constant 0 : i32
        %dma_start3A_451 = tpu.memref_slice %arg6[%add3A_443, %dma_start3A_450] : memref<160x128xi32, #tpu.memory_space<vmem>> -> memref<1x128xi32, #tpu.memory_space<vmem>>
        %dma_start3A_452 = tpu.memref_squeeze %dma_start3A_451 : memref<1x128xi32, #tpu.memory_space<vmem>> -> memref<128xi32, #tpu.memory_space<vmem>>
        %dma_start3A_453 = arith.constant 0 : i32
        %dma_start3A_454 = arith.constant 0 : i32
        %dma_start3A_455 = tpu.memref_slice %arg2[%arg0, %dma_start3A_453, %dma_start3A_454] : memref<2x10000x64xf32, #tpu.memory_space<hbm>> -> memref<1x10000x64xf32, #tpu.memory_space<hbm>>
        %dma_start3A_456 = tpu.memref_squeeze %dma_start3A_455 : memref<1x10000x64xf32, #tpu.memory_space<hbm>> -> memref<10000x64xf32, #tpu.memory_space<hbm>>
        %dma_start3A_457 = arith.constant 0 : i32
        %dma_start3A_458 = arith.constant 0 : i32
        %dma_start3A_459 = tpu.memref_slice %dma_start3A_456[%dma_start3A_457, %dma_start3A_458] : memref<10000x64xf32, #tpu.memory_space<hbm>> -> memref<10000x64xf32, #tpu.memory_space<hbm>>
        %dma_start3A_460 = tpu.memref_slice %arg10[%dma_start3A_445] : memref<4x!tpu.dma_semaphore, #tpu.memory_space<semaphore_mem>> -> memref<1x!tpu.dma_semaphore, #tpu.memory_space<semaphore_mem>>
        %dma_start3A_461 = tpu.memref_squeeze %dma_start3A_460 : memref<1x!tpu.dma_semaphore, #tpu.memory_space<semaphore_mem>> -> memref<!tpu.dma_semaphore, #tpu.memory_space<semaphore_mem>>
        tpu.enqueue_indirect_dma source(%dma_start3A_459 : memref<10000x64xf32, #tpu.memory_space<hbm>>) target(%dma_start3A_449 : memref<128x64xf32, #tpu.memory_space<vmem>>) offsets(%dma_start3A_452 : memref<128xi32, #tpu.memory_space<vmem>>) semaphore(%dma_start3A_461 : memref<!tpu.dma_semaphore, #tpu.memory_space<semaphore_mem>>)
      } else {
      }
    }
    %scan3A_108 = arith.constant 40 : i32
    %dma_wait3A = arith.constant 0 : i32
    %dma_wait3A_109 = arith.constant 156 : i32
    %dma_wait3A_110 = arith.constant 0 : i32
    %dma_wait3A_111 = arith.constant 0 : i32
    %dma_wait3A_112 = arith.constant 0 : i32
    %dma_wait3A_113 = tpu.memref_slice %arg8[%dma_wait3A, %dma_wait3A_111, %dma_wait3A_112] : memref<4x128x64xf32, #tpu.memory_space<vmem>> -> memref<1x128x64xf32, #tpu.memory_space<vmem>>
    %dma_wait3A_114 = tpu.memref_squeeze %dma_wait3A_113 : memref<1x128x64xf32, #tpu.memory_space<vmem>> -> memref<128x64xf32, #tpu.memory_space<vmem>>
    %dma_wait3A_115 = arith.constant 0 : i32
    %dma_wait3A_116 = tpu.memref_slice %arg7[%dma_wait3A_109, %dma_wait3A_115] : memref<160x128xi32, #tpu.memory_space<vmem>> -> memref<1x128xi32, #tpu.memory_space<vmem>>
    %dma_wait3A_117 = tpu.memref_squeeze %dma_wait3A_116 : memref<1x128xi32, #tpu.memory_space<vmem>> -> memref<128xi32, #tpu.memory_space<vmem>>
    %dma_wait3A_118 = arith.constant 0 : i32
    %dma_wait3A_119 = arith.constant 0 : i32
    %dma_wait3A_120 = tpu.memref_slice %arg9[%dma_wait3A_118, %dma_wait3A_119] : memref<10240x64xf32, #tpu.memory_space<vmem_shared>> -> memref<10240x64xf32, #tpu.memory_space<vmem_shared>>
    %dma_wait3A_121 = tpu.memref_slice %arg11[%dma_wait3A_110] : memref<4x!tpu.dma_semaphore, #tpu.memory_space<semaphore_mem>> -> memref<1x!tpu.dma_semaphore, #tpu.memory_space<semaphore_mem>>
    %dma_wait3A_122 = tpu.memref_squeeze %dma_wait3A_121 : memref<1x!tpu.dma_semaphore, #tpu.memory_space<semaphore_mem>> -> memref<!tpu.dma_semaphore, #tpu.memory_space<semaphore_mem>>
    tpu.wait_indirect_dma semaphore(%dma_wait3A_122 : memref<!tpu.dma_semaphore, #tpu.memory_space<semaphore_mem>>) src(%dma_wait3A_114 : memref<128x64xf32, #tpu.memory_space<vmem>>) dst(%dma_wait3A_120 : memref<10240x64xf32, #tpu.memory_space<vmem_shared>>)
    %dma_wait3A_123 = arith.constant 1 : i32
    %dma_wait3A_124 = arith.constant 157 : i32
    %dma_wait3A_125 = arith.constant 1 : i32
    %dma_wait3A_126 = arith.constant 0 : i32
    %dma_wait3A_127 = arith.constant 0 : i32
    %dma_wait3A_128 = tpu.memref_slice %arg8[%dma_wait3A_123, %dma_wait3A_126, %dma_wait3A_127] : memref<4x128x64xf32, #tpu.memory_space<vmem>> -> memref<1x128x64xf32, #tpu.memory_space<vmem>>
    %dma_wait3A_129 = tpu.memref_squeeze %dma_wait3A_128 : memref<1x128x64xf32, #tpu.memory_space<vmem>> -> memref<128x64xf32, #tpu.memory_space<vmem>>
    %dma_wait3A_130 = arith.constant 0 : i32
    %dma_wait3A_131 = tpu.memref_slice %arg7[%dma_wait3A_124, %dma_wait3A_130] : memref<160x128xi32, #tpu.memory_space<vmem>> -> memref<1x128xi32, #tpu.memory_space<vmem>>
    %dma_wait3A_132 = tpu.memref_squeeze %dma_wait3A_131 : memref<1x128xi32, #tpu.memory_space<vmem>> -> memref<128xi32, #tpu.memory_space<vmem>>
    %dma_wait3A_133 = arith.constant 0 : i32
    %dma_wait3A_134 = arith.constant 0 : i32
    %dma_wait3A_135 = tpu.memref_slice %arg9[%dma_wait3A_133, %dma_wait3A_134] : memref<10240x64xf32, #tpu.memory_space<vmem_shared>> -> memref<10240x64xf32, #tpu.memory_space<vmem_shared>>
    %dma_wait3A_136 = tpu.memref_slice %arg11[%dma_wait3A_125] : memref<4x!tpu.dma_semaphore, #tpu.memory_space<semaphore_mem>> -> memref<1x!tpu.dma_semaphore, #tpu.memory_space<semaphore_mem>>
    %dma_wait3A_137 = tpu.memref_squeeze %dma_wait3A_136 : memref<1x!tpu.dma_semaphore, #tpu.memory_space<semaphore_mem>> -> memref<!tpu.dma_semaphore, #tpu.memory_space<semaphore_mem>>
    tpu.wait_indirect_dma semaphore(%dma_wait3A_137 : memref<!tpu.dma_semaphore, #tpu.memory_space<semaphore_mem>>) src(%dma_wait3A_129 : memref<128x64xf32, #tpu.memory_space<vmem>>) dst(%dma_wait3A_135 : memref<10240x64xf32, #tpu.memory_space<vmem_shared>>)
    %dma_wait3A_138 = arith.constant 2 : i32
    %dma_wait3A_139 = arith.constant 158 : i32
    %dma_wait3A_140 = arith.constant 2 : i32
    %dma_wait3A_141 = arith.constant 0 : i32
    %dma_wait3A_142 = arith.constant 0 : i32
    %dma_wait3A_143 = tpu.memref_slice %arg8[%dma_wait3A_138, %dma_wait3A_141, %dma_wait3A_142] : memref<4x128x64xf32, #tpu.memory_space<vmem>> -> memref<1x128x64xf32, #tpu.memory_space<vmem>>
    %dma_wait3A_144 = tpu.memref_squeeze %dma_wait3A_143 : memref<1x128x64xf32, #tpu.memory_space<vmem>> -> memref<128x64xf32, #tpu.memory_space<vmem>>
    %dma_wait3A_145 = arith.constant 0 : i32
    %dma_wait3A_146 = tpu.memref_slice %arg7[%dma_wait3A_139, %dma_wait3A_145] : memref<160x128xi32, #tpu.memory_space<vmem>> -> memref<1x128xi32, #tpu.memory_space<vmem>>
    %dma_wait3A_147 = tpu.memref_squeeze %dma_wait3A_146 : memref<1x128xi32, #tpu.memory_space<vmem>> -> memref<128xi32, #tpu.memory_space<vmem>>
    %dma_wait3A_148 = arith.constant 0 : i32
    %dma_wait3A_149 = arith.constant 0 : i32
    %dma_wait3A_150 = tpu.memref_slice %arg9[%dma_wait3A_148, %dma_wait3A_149] : memref<10240x64xf32, #tpu.memory_space<vmem_shared>> -> memref<10240x64xf32, #tpu.memory_space<vmem_shared>>
    %dma_wait3A_151 = tpu.memref_slice %arg11[%dma_wait3A_140] : memref<4x!tpu.dma_semaphore, #tpu.memory_space<semaphore_mem>> -> memref<1x!tpu.dma_semaphore, #tpu.memory_space<semaphore_mem>>
    %dma_wait3A_152 = tpu.memref_squeeze %dma_wait3A_151 : memref<1x!tpu.dma_semaphore, #tpu.memory_space<semaphore_mem>> -> memref<!tpu.dma_semaphore, #tpu.memory_space<semaphore_mem>>
    tpu.wait_indirect_dma semaphore(%dma_wait3A_152 : memref<!tpu.dma_semaphore, #tpu.memory_space<semaphore_mem>>) src(%dma_wait3A_144 : memref<128x64xf32, #tpu.memory_space<vmem>>) dst(%dma_wait3A_150 : memref<10240x64xf32, #tpu.memory_space<vmem_shared>>)
    %dma_wait3A_153 = arith.constant 3 : i32
    %dma_wait3A_154 = arith.constant 159 : i32
    %dma_wait3A_155 = arith.constant 3 : i32
    %dma_wait3A_156 = arith.constant 0 : i32
    %dma_wait3A_157 = arith.constant 0 : i32
    %dma_wait3A_158 = tpu.memref_slice %arg8[%dma_wait3A_153, %dma_wait3A_156, %dma_wait3A_157] : memref<4x128x64xf32, #tpu.memory_space<vmem>> -> memref<1x128x64xf32, #tpu.memory_space<vmem>>
    %dma_wait3A_159 = tpu.memref_squeeze %dma_wait3A_158 : memref<1x128x64xf32, #tpu.memory_space<vmem>> -> memref<128x64xf32, #tpu.memory_space<vmem>>
    %dma_wait3A_160 = arith.constant 0 : i32
    %dma_wait3A_161 = tpu.memref_slice %arg7[%dma_wait3A_154, %dma_wait3A_160] : memref<160x128xi32, #tpu.memory_space<vmem>> -> memref<1x128xi32, #tpu.memory_space<vmem>>
    %dma_wait3A_162 = tpu.memref_squeeze %dma_wait3A_161 : memref<1x128xi32, #tpu.memory_space<vmem>> -> memref<128xi32, #tpu.memory_space<vmem>>
    %dma_wait3A_163 = arith.constant 0 : i32
    %dma_wait3A_164 = arith.constant 0 : i32
    %dma_wait3A_165 = tpu.memref_slice %arg9[%dma_wait3A_163, %dma_wait3A_164] : memref<10240x64xf32, #tpu.memory_space<vmem_shared>> -> memref<10240x64xf32, #tpu.memory_space<vmem_shared>>
    %dma_wait3A_166 = tpu.memref_slice %arg11[%dma_wait3A_155] : memref<4x!tpu.dma_semaphore, #tpu.memory_space<semaphore_mem>> -> memref<1x!tpu.dma_semaphore, #tpu.memory_space<semaphore_mem>>
    %dma_wait3A_167 = tpu.memref_squeeze %dma_wait3A_166 : memref<1x!tpu.dma_semaphore, #tpu.memory_space<semaphore_mem>> -> memref<!tpu.dma_semaphore, #tpu.memory_space<semaphore_mem>>
    tpu.wait_indirect_dma semaphore(%dma_wait3A_167 : memref<!tpu.dma_semaphore, #tpu.memory_space<semaphore_mem>>) src(%dma_wait3A_159 : memref<128x64xf32, #tpu.memory_space<vmem>>) dst(%dma_wait3A_165 : memref<10240x64xf32, #tpu.memory_space<vmem_shared>>)
    %barrier3A_168 = arith.constant 0 : index
    tpu.barrier barrier_id(%barrier3A_168)
    %mul3A_169 = arith.constant 640 : i32
    %mul3A_170 = arith.muli %arg1, %mul3A_169 : i32
    %mul3A_171 = arith.constant 640 : i32
    %mul3A_172 = arith.muli %arg1, %mul3A_171 : i32
    "tpu.region"() ({
      %run_scoped3A_173 = tpu.sem_alloc : memref<!tpu.dma_semaphore, #tpu.memory_space<semaphore_mem>>
      %dma_start3A_174 = arith.constant 0 : i32
      %dma_start3A_175 = tpu.memref_slice %arg5[%arg0, %mul3A_172, %dma_start3A_174] : memref<2x10240x64xf32, #tpu.memory_space<hbm>> -> memref<1x640x64xf32, #tpu.memory_space<hbm>>
      %dma_start3A_176 = tpu.memref_squeeze %dma_start3A_175 : memref<1x640x64xf32, #tpu.memory_space<hbm>> -> memref<640x64xf32, #tpu.memory_space<hbm>>
      %dma_start3A_177 = arith.constant 0 : i32
      %dma_start3A_178 = tpu.memref_slice %arg9[%mul3A_170, %dma_start3A_177] : memref<10240x64xf32, #tpu.memory_space<vmem_shared>> -> memref<640x64xf32, #tpu.memory_space<vmem_shared>>
      tpu.enqueue_dma source(%dma_start3A_178 : memref<640x64xf32, #tpu.memory_space<vmem_shared>>) target(%dma_start3A_176 : memref<640x64xf32, #tpu.memory_space<hbm>>) target_semaphore(%run_scoped3A_173 : memref<!tpu.dma_semaphore, #tpu.memory_space<semaphore_mem>>)
      %dma_wait3A_179 = arith.constant 0 : i32
      %dma_wait3A_180 = tpu.memref_slice %arg5[%arg0, %mul3A_172, %dma_wait3A_179] : memref<2x10240x64xf32, #tpu.memory_space<hbm>> -> memref<1x640x64xf32, #tpu.memory_space<hbm>>
      %dma_wait3A_181 = tpu.memref_squeeze %dma_wait3A_180 : memref<1x640x64xf32, #tpu.memory_space<hbm>> -> memref<640x64xf32, #tpu.memory_space<hbm>>
      %dma_wait3A_182 = arith.constant 0 : i32
      %dma_wait3A_183 = tpu.memref_slice %arg9[%mul3A_170, %dma_wait3A_182] : memref<10240x64xf32, #tpu.memory_space<vmem_shared>> -> memref<640x64xf32, #tpu.memory_space<vmem_shared>>
      tpu.wait_dma2 semaphore(%run_scoped3A_173 : memref<!tpu.dma_semaphore, #tpu.memory_space<semaphore_mem>>) src(%dma_wait3A_183 : memref<640x64xf32, #tpu.memory_space<vmem_shared>>) dst(%dma_wait3A_181 : memref<640x64xf32, #tpu.memory_space<hbm>>)
      tpu.yield
    }) : () -> ()
    return
  }
}

#map = affine_map<(d0, d1) -> (0, 0, 0)>
module attributes {stable_mosaic.version = 14 : i64} {
  func.func @_sc_agg_body(%arg0: i32, %arg1: i32, %arg2: memref<2x10000x64xf32, #tpu.memory_space<hbm>>, %arg3: memref<16x160x128xi32, #tpu.memory_space<hbm>>, %arg4: memref<16x160x128xi32, #tpu.memory_space<hbm>>, %arg5: memref<2x10240x64xf32, #tpu.memory_space<hbm>>, %arg6: memref<2x10240x16xf32, #tpu.memory_space<hbm>>, %arg7: memref<160x128xi32, #tpu.memory_space<vmem>>, %arg8: memref<160x128xi32, #tpu.memory_space<vmem>>, %arg9: memref<4x128x64xf32, #tpu.memory_space<vmem>>, %arg10: memref<128x16xf32, #tpu.memory_space<vmem>>, %arg11: memref<128x16xf32, #tpu.memory_space<vmem>>, %arg12: memref<10240x64xf32, #tpu.memory_space<vmem_shared>>, %arg13: memref<10240x16xf32, #tpu.memory_space<vmem_shared>>, %arg14: memref<4x!tpu.dma_semaphore, #tpu.memory_space<semaphore_mem>>, %arg15: memref<4x!tpu.dma_semaphore, #tpu.memory_space<semaphore_mem>>, %arg16: memref<!tpu.dma_semaphore, #tpu.memory_space<semaphore_mem>>) attributes {dimension_semantics = [#tpu.dimension_semantics<core_parallel>, #tpu.dimension_semantics<subcore_parallel>], iteration_bounds = array<i64: 2, 16>, scalar_prefetch = 0 : i64, scratch_operands = 10 : i64, tpu.core_type = #tpu.core_type<sc_vector_subcore>, window_params = [{transform_indices = #map}, {transform_indices = #map}, {transform_indices = #map}, {transform_indices = #map}, {transform_indices = #map}]} {
    "tpu.region"() ({
      %run_scoped3A_222 = tpu.sem_alloc : memref<!tpu.dma_semaphore, #tpu.memory_space<semaphore_mem>>
      %dma_start3A_223 = arith.constant 0 : i32
      %dma_start3A_224 = arith.constant 0 : i32
      %dma_start3A_225 = tpu.memref_slice %arg3[%arg1, %dma_start3A_223, %dma_start3A_224] : memref<16x160x128xi32, #tpu.memory_space<hbm>> -> memref<1x160x128xi32, #tpu.memory_space<hbm>>
      %dma_start3A_226 = tpu.memref_squeeze %dma_start3A_225 : memref<1x160x128xi32, #tpu.memory_space<hbm>> -> memref<160x128xi32, #tpu.memory_space<hbm>>
      %dma_start3A_227 = arith.constant 0 : i32
      %dma_start3A_228 = arith.constant 0 : i32
      %dma_start3A_229 = tpu.memref_slice %arg3[%arg1, %dma_start3A_227, %dma_start3A_228] : memref<16x160x128xi32, #tpu.memory_space<hbm>> -> memref<1x160x128xi32, #tpu.memory_space<hbm>>
      %dma_start3A_230 = tpu.memref_squeeze %dma_start3A_229 : memref<1x160x128xi32, #tpu.memory_space<hbm>> -> memref<160x128xi32, #tpu.memory_space<hbm>>
      tpu.enqueue_dma source(%dma_start3A_230 : memref<160x128xi32, #tpu.memory_space<hbm>>) target(%arg7 : memref<160x128xi32, #tpu.memory_space<vmem>>) target_semaphore(%run_scoped3A_222 : memref<!tpu.dma_semaphore, #tpu.memory_space<semaphore_mem>>)
      %dma_wait3A_231 = arith.constant 0 : i32
      %dma_wait3A_232 = arith.constant 0 : i32
      %dma_wait3A_233 = tpu.memref_slice %arg3[%arg1, %dma_wait3A_231, %dma_wait3A_232] : memref<16x160x128xi32, #tpu.memory_space<hbm>> -> memref<1x160x128xi32, #tpu.memory_space<hbm>>
      %dma_wait3A_234 = tpu.memref_squeeze %dma_wait3A_233 : memref<1x160x128xi32, #tpu.memory_space<hbm>> -> memref<160x128xi32, #tpu.memory_space<hbm>>
      %dma_wait3A_235 = arith.constant 0 : i32
      %dma_wait3A_236 = arith.constant 0 : i32
      %dma_wait3A_237 = tpu.memref_slice %arg3[%arg1, %dma_wait3A_235, %dma_wait3A_236] : memref<16x160x128xi32, #tpu.memory_space<hbm>> -> memref<1x160x128xi32, #tpu.memory_space<hbm>>
      %dma_wait3A_238 = tpu.memref_squeeze %dma_wait3A_237 : memref<1x160x128xi32, #tpu.memory_space<hbm>> -> memref<160x128xi32, #tpu.memory_space<hbm>>
      tpu.wait_dma2 semaphore(%run_scoped3A_222 : memref<!tpu.dma_semaphore, #tpu.memory_space<semaphore_mem>>) src(%dma_wait3A_238 : memref<160x128xi32, #tpu.memory_space<hbm>>) dst(%arg7 : memref<160x128xi32, #tpu.memory_space<vmem>>)
      tpu.yield
    }) : () -> ()
    "tpu.region"() ({
      %run_scoped3A_222 = tpu.sem_alloc : memref<!tpu.dma_semaphore, #tpu.memory_space<semaphore_mem>>
      %dma_start3A_223 = arith.constant 0 : i32
      %dma_start3A_224 = arith.constant 0 : i32
      %dma_start3A_225 = tpu.memref_slice %arg4[%arg1, %dma_start3A_223, %dma_start3A_224] : memref<16x160x128xi32, #tpu.memory_space<hbm>> -> memref<1x160x128xi32, #tpu.memory_space<hbm>>
      %dma_start3A_226 = tpu.memref_squeeze %dma_start3A_225 : memref<1x160x128xi32, #tpu.memory_space<hbm>> -> memref<160x128xi32, #tpu.memory_space<hbm>>
      %dma_start3A_227 = arith.constant 0 : i32
      %dma_start3A_228 = arith.constant 0 : i32
      %dma_start3A_229 = tpu.memref_slice %arg4[%arg1, %dma_start3A_227, %dma_start3A_228] : memref<16x160x128xi32, #tpu.memory_space<hbm>> -> memref<1x160x128xi32, #tpu.memory_space<hbm>>
      %dma_start3A_230 = tpu.memref_squeeze %dma_start3A_229 : memref<1x160x128xi32, #tpu.memory_space<hbm>> -> memref<160x128xi32, #tpu.memory_space<hbm>>
      tpu.enqueue_dma source(%dma_start3A_230 : memref<160x128xi32, #tpu.memory_space<hbm>>) target(%arg8 : memref<160x128xi32, #tpu.memory_space<vmem>>) target_semaphore(%run_scoped3A_222 : memref<!tpu.dma_semaphore, #tpu.memory_space<semaphore_mem>>)
      %dma_wait3A_231 = arith.constant 0 : i32
      %dma_wait3A_232 = arith.constant 0 : i32
      %dma_wait3A_233 = tpu.memref_slice %arg4[%arg1, %dma_wait3A_231, %dma_wait3A_232] : memref<16x160x128xi32, #tpu.memory_space<hbm>> -> memref<1x160x128xi32, #tpu.memory_space<hbm>>
      %dma_wait3A_234 = tpu.memref_squeeze %dma_wait3A_233 : memref<1x160x128xi32, #tpu.memory_space<hbm>> -> memref<160x128xi32, #tpu.memory_space<hbm>>
      %dma_wait3A_235 = arith.constant 0 : i32
      %dma_wait3A_236 = arith.constant 0 : i32
      %dma_wait3A_237 = tpu.memref_slice %arg4[%arg1, %dma_wait3A_235, %dma_wait3A_236] : memref<16x160x128xi32, #tpu.memory_space<hbm>> -> memref<1x160x128xi32, #tpu.memory_space<hbm>>
      %dma_wait3A_238 = tpu.memref_squeeze %dma_wait3A_237 : memref<1x160x128xi32, #tpu.memory_space<hbm>> -> memref<160x128xi32, #tpu.memory_space<hbm>>
      tpu.wait_dma2 semaphore(%run_scoped3A_222 : memref<!tpu.dma_semaphore, #tpu.memory_space<semaphore_mem>>) src(%dma_wait3A_238 : memref<160x128xi32, #tpu.memory_space<hbm>>) dst(%arg8 : memref<160x128xi32, #tpu.memory_space<vmem>>)
      tpu.yield
    }) : () -> ()
    %broadcast_in_dim3A = arith.constant 0.000000e+00 : f32
    %broadcast_in_dim3A_0 = vector.broadcast %broadcast_in_dim3A : f32 to vector<16xf32>
    %scan3A = arith.constant 0 : i32
    %scan3A_1 = arith.constant 0 : i32
    %scan3A_2 = arith.constant 128 : i32
    %scan3A_3 = arith.addi %scan3A_1, %scan3A_2 : i32
    %scan3A_4 = arith.constant 1 : i32
    scf.for %scan3A_222 = %scan3A_1 to %scan3A_3 step %scan3A_4  : i32 {
      %swap3A = arith.constant 0 : i32
      %swap3A_223 = arith.index_cast %swap3A : i32 to index
      %swap3A_224 = arith.index_cast %scan3A_222 : i32 to index
      %swap3A_225 = arith.constant 0 : index
      %swap3A_226 = tpu.vector_load %arg9[%swap3A_223, %swap3A_224, %swap3A_225] {strides = array<i32>} : memref<4x128x64xf32, #tpu.memory_space<vmem>>, vector<1x1x16xf32>,
      %swap3A_227 = vector.shape_cast %swap3A_226 : vector<1x1x16xf32> to vector<16xf32>
      %swap3A_228 = vector.shape_cast %broadcast_in_dim3A_0 : vector<16xf32> to vector<1x1x16xf32>
      tpu.vector_store %arg9[%swap3A_223, %swap3A_224, %swap3A_225], %swap3A_228 {strides = array<i32>} : memref<4x128x64xf32, #tpu.memory_space<vmem>>, vector<1x1x16xf32>,
      %swap3A_229 = arith.constant 0 : i32
      %swap3A_230 = arith.index_cast %swap3A_229 : i32 to index
      %swap3A_231 = arith.index_cast %scan3A_222 : i32 to index
      %swap3A_232 = arith.constant 16 : index
      %swap3A_233 = tpu.vector_load %arg9[%swap3A_230, %swap3A_231, %swap3A_232] {strides = array<i32>} : memref<4x128x64xf32, #tpu.memory_space<vmem>>, vector<1x1x16xf32>,
      %swap3A_234 = vector.shape_cast %swap3A_233 : vector<1x1x16xf32> to vector<16xf32>
      %swap3A_235 = vector.shape_cast %broadcast_in_dim3A_0 : vector<16xf32> to vector<1x1x16xf32>
      tpu.vector_store %arg9[%swap3A_230, %swap3A_231, %swap3A_232], %swap3A_235 {strides = array<i32>} : memref<4x128x64xf32, #tpu.memory_space<vmem>>, vector<1x1x16xf32>,
      %swap3A_236 = arith.constant 0 : i32
      %swap3A_237 = arith.index_cast %swap3A_236 : i32 to index
      %swap3A_238 = arith.index_cast %scan3A_222 : i32 to index
      %swap3A_239 = arith.constant 32 : index
      %swap3A_240 = tpu.vector_load %arg9[%swap3A_237, %swap3A_238, %swap3A_239] {strides = array<i32>} : memref<4x128x64xf32, #tpu.memory_space<vmem>>, vector<1x1x16xf32>,
      %swap3A_241 = vector.shape_cast %swap3A_240 : vector<1x1x16xf32> to vector<16xf32>
      %swap3A_242 = vector.shape_cast %broadcast_in_dim3A_0 : vector<16xf32> to vector<1x1x16xf32>
      tpu.vector_store %arg9[%swap3A_237, %swap3A_238, %swap3A_239], %swap3A_242 {strides = array<i32>} : memref<4x128x64xf32, #tpu.memory_space<vmem>>, vector<1x1x16xf32>,
      %swap3A_243 = arith.constant 0 : i32
      %swap3A_244 = arith.index_cast %swap3A_243 : i32 to index
      %swap3A_245 = arith.index_cast %scan3A_222 : i32 to index
      %swap3A_246 = arith.constant 48 : index
      %swap3A_247 = tpu.vector_load %arg9[%swap3A_244, %swap3A_245, %swap3A_246] {strides = array<i32>} : memref<4x128x64xf32, #tpu.memory_space<vmem>>, vector<1x1x16xf32>,
      %swap3A_248 = vector.shape_cast %swap3A_247 : vector<1x1x16xf32> to vector<16xf32>
      %swap3A_249 = vector.shape_cast %broadcast_in_dim3A_0 : vector<16xf32> to vector<1x1x16xf32>
      tpu.vector_store %arg9[%swap3A_244, %swap3A_245, %swap3A_246], %swap3A_249 {strides = array<i32>} : memref<4x128x64xf32, #tpu.memory_space<vmem>>, vector<1x1x16xf32>,
    }
    %scan3A_5 = arith.constant 128 : i32
    %mul3A = arith.constant 640 : i32
    %mul3A_6 = arith.muli %arg1, %mul3A : i32
    %add3A = arith.constant 0 : i32
    %add3A_7 = arith.addi %mul3A_6, %add3A : i32
    %run_scoped3A = arith.constant 0 : i32
    "tpu.region"() ({
      %run_scoped3A_222 = tpu.sem_alloc : memref<!tpu.dma_semaphore, #tpu.memory_space<semaphore_mem>>
      %dma_start3A_223 = arith.constant 0 : i32
      %dma_start3A_224 = arith.constant 0 : i32
      %dma_start3A_225 = tpu.memref_slice %arg9[%run_scoped3A, %dma_start3A_223, %dma_start3A_224] : memref<4x128x64xf32, #tpu.memory_space<vmem>> -> memref<1x128x64xf32, #tpu.memory_space<vmem>>
      %dma_start3A_226 = tpu.memref_squeeze %dma_start3A_225 : memref<1x128x64xf32, #tpu.memory_space<vmem>> -> memref<128x64xf32, #tpu.memory_space<vmem>>
      %dma_start3A_227 = arith.constant 0 : i32
      %dma_start3A_228 = tpu.memref_slice %arg12[%add3A_7, %dma_start3A_227] : memref<10240x64xf32, #tpu.memory_space<vmem_shared>> -> memref<128x64xf32, #tpu.memory_space<vmem_shared>>
      %dma_start3A_229 = arith.constant 0 : i32
      %dma_start3A_230 = tpu.memref_slice %arg12[%add3A_7, %dma_start3A_229] : memref<10240x64xf32, #tpu.memory_space<vmem_shared>> -> memref<128x64xf32, #tpu.memory_space<vmem_shared>>
      %dma_start3A_231 = arith.constant 0 : i32
      %dma_start3A_232 = arith.constant 0 : i32
      %dma_start3A_233 = tpu.memref_slice %arg9[%run_scoped3A, %dma_start3A_231, %dma_start3A_232] : memref<4x128x64xf32, #tpu.memory_space<vmem>> -> memref<1x128x64xf32, #tpu.memory_space<vmem>>
      %dma_start3A_234 = tpu.memref_squeeze %dma_start3A_233 : memref<1x128x64xf32, #tpu.memory_space<vmem>> -> memref<128x64xf32, #tpu.memory_space<vmem>>
      tpu.enqueue_dma source(%dma_start3A_234 : memref<128x64xf32, #tpu.memory_space<vmem>>) target(%dma_start3A_230 : memref<128x64xf32, #tpu.memory_space<vmem_shared>>) target_semaphore(%run_scoped3A_222 : memref<!tpu.dma_semaphore, #tpu.memory_space<semaphore_mem>>)
      %dma_wait3A_235 = arith.constant 0 : i32
      %dma_wait3A_236 = arith.constant 0 : i32
      %dma_wait3A_237 = tpu.memref_slice %arg9[%run_scoped3A, %dma_wait3A_235, %dma_wait3A_236] : memref<4x128x64xf32, #tpu.memory_space<vmem>> -> memref<1x128x64xf32, #tpu.memory_space<vmem>>
      %dma_wait3A_238 = tpu.memref_squeeze %dma_wait3A_237 : memref<1x128x64xf32, #tpu.memory_space<vmem>> -> memref<128x64xf32, #tpu.memory_space<vmem>>
      %dma_wait3A_239 = arith.constant 0 : i32
      %dma_wait3A_240 = tpu.memref_slice %arg12[%add3A_7, %dma_wait3A_239] : memref<10240x64xf32, #tpu.memory_space<vmem_shared>> -> memref<128x64xf32, #tpu.memory_space<vmem_shared>>
      %dma_wait3A_241 = arith.constant 0 : i32
      %dma_wait3A_242 = tpu.memref_slice %arg12[%add3A_7, %dma_wait3A_241] : memref<10240x64xf32, #tpu.memory_space<vmem_shared>> -> memref<128x64xf32, #tpu.memory_space<vmem_shared>>
      %dma_wait3A_243 = arith.constant 0 : i32
      %dma_wait3A_244 = arith.constant 0 : i32
      %dma_wait3A_245 = tpu.memref_slice %arg9[%run_scoped3A, %dma_wait3A_243, %dma_wait3A_244] : memref<4x128x64xf32, #tpu.memory_space<vmem>> -> memref<1x128x64xf32, #tpu.memory_space<vmem>>
      %dma_wait3A_246 = tpu.memref_squeeze %dma_wait3A_245 : memref<1x128x64xf32, #tpu.memory_space<vmem>> -> memref<128x64xf32, #tpu.memory_space<vmem>>
      tpu.wait_dma2 semaphore(%run_scoped3A_222 : memref<!tpu.dma_semaphore, #tpu.memory_space<semaphore_mem>>) src(%dma_wait3A_246 : memref<128x64xf32, #tpu.memory_space<vmem>>) dst(%dma_wait3A_242 : memref<128x64xf32, #tpu.memory_space<vmem_shared>>)
      tpu.yield
    }) : () -> ()
    %mul3A_8 = arith.constant 640 : i32
    %mul3A_9 = arith.muli %arg1, %mul3A_8 : i32
    %add3A_10 = arith.constant 128 : i32
    %add3A_11 = arith.addi %mul3A_9, %add3A_10 : i32
    %run_scoped3A_12 = arith.constant 0 : i32
    "tpu.region"() ({
      %run_scoped3A_222 = tpu.sem_alloc : memref<!tpu.dma_semaphore, #tpu.memory_space<semaphore_mem>>
      %dma_start3A_223 = arith.constant 0 : i32
      %dma_start3A_224 = arith.constant 0 : i32
      %dma_start3A_225 = tpu.memref_slice %arg9[%run_scoped3A_12, %dma_start3A_223, %dma_start3A_224] : memref<4x128x64xf32, #tpu.memory_space<vmem>> -> memref<1x128x64xf32, #tpu.memory_space<vmem>>
      %dma_start3A_226 = tpu.memref_squeeze %dma_start3A_225 : memref<1x128x64xf32, #tpu.memory_space<vmem>> -> memref<128x64xf32, #tpu.memory_space<vmem>>
      %dma_start3A_227 = arith.constant 0 : i32
      %dma_start3A_228 = tpu.memref_slice %arg12[%add3A_11, %dma_start3A_227] : memref<10240x64xf32, #tpu.memory_space<vmem_shared>> -> memref<128x64xf32, #tpu.memory_space<vmem_shared>>
      %dma_start3A_229 = arith.constant 0 : i32
      %dma_start3A_230 = tpu.memref_slice %arg12[%add3A_11, %dma_start3A_229] : memref<10240x64xf32, #tpu.memory_space<vmem_shared>> -> memref<128x64xf32, #tpu.memory_space<vmem_shared>>
      %dma_start3A_231 = arith.constant 0 : i32
      %dma_start3A_232 = arith.constant 0 : i32
      %dma_start3A_233 = tpu.memref_slice %arg9[%run_scoped3A_12, %dma_start3A_231, %dma_start3A_232] : memref<4x128x64xf32, #tpu.memory_space<vmem>> -> memref<1x128x64xf32, #tpu.memory_space<vmem>>
      %dma_start3A_234 = tpu.memref_squeeze %dma_start3A_233 : memref<1x128x64xf32, #tpu.memory_space<vmem>> -> memref<128x64xf32, #tpu.memory_space<vmem>>
      tpu.enqueue_dma source(%dma_start3A_234 : memref<128x64xf32, #tpu.memory_space<vmem>>) target(%dma_start3A_230 : memref<128x64xf32, #tpu.memory_space<vmem_shared>>) target_semaphore(%run_scoped3A_222 : memref<!tpu.dma_semaphore, #tpu.memory_space<semaphore_mem>>)
      %dma_wait3A_235 = arith.constant 0 : i32
      %dma_wait3A_236 = arith.constant 0 : i32
      %dma_wait3A_237 = tpu.memref_slice %arg9[%run_scoped3A_12, %dma_wait3A_235, %dma_wait3A_236] : memref<4x128x64xf32, #tpu.memory_space<vmem>> -> memref<1x128x64xf32, #tpu.memory_space<vmem>>
      %dma_wait3A_238 = tpu.memref_squeeze %dma_wait3A_237 : memref<1x128x64xf32, #tpu.memory_space<vmem>> -> memref<128x64xf32, #tpu.memory_space<vmem>>
      %dma_wait3A_239 = arith.constant 0 : i32
      %dma_wait3A_240 = tpu.memref_slice %arg12[%add3A_11, %dma_wait3A_239] : memref<10240x64xf32, #tpu.memory_space<vmem_shared>> -> memref<128x64xf32, #tpu.memory_space<vmem_shared>>
      %dma_wait3A_241 = arith.constant 0 : i32
      %dma_wait3A_242 = tpu.memref_slice %arg12[%add3A_11, %dma_wait3A_241] : memref<10240x64xf32, #tpu.memory_space<vmem_shared>> -> memref<128x64xf32, #tpu.memory_space<vmem_shared>>
      %dma_wait3A_243 = arith.constant 0 : i32
      %dma_wait3A_244 = arith.constant 0 : i32
      %dma_wait3A_245 = tpu.memref_slice %arg9[%run_scoped3A_12, %dma_wait3A_243, %dma_wait3A_244] : memref<4x128x64xf32, #tpu.memory_space<vmem>> -> memref<1x128x64xf32, #tpu.memory_space<vmem>>
      %dma_wait3A_246 = tpu.memref_squeeze %dma_wait3A_245 : memref<1x128x64xf32, #tpu.memory_space<vmem>> -> memref<128x64xf32, #tpu.memory_space<vmem>>
      tpu.wait_dma2 semaphore(%run_scoped3A_222 : memref<!tpu.dma_semaphore, #tpu.memory_space<semaphore_mem>>) src(%dma_wait3A_246 : memref<128x64xf32, #tpu.memory_space<vmem>>) dst(%dma_wait3A_242 : memref<128x64xf32, #tpu.memory_space<vmem_shared>>)
      tpu.yield
    }) : () -> ()
    %mul3A_13 = arith.constant 640 : i32
    %mul3A_14 = arith.muli %arg1, %mul3A_13 : i32
    %add3A_15 = arith.constant 256 : i32
    %add3A_16 = arith.addi %mul3A_14, %add3A_15 : i32
    %run_scoped3A_17 = arith.constant 0 : i32
    "tpu.region"() ({
      %run_scoped3A_222 = tpu.sem_alloc : memref<!tpu.dma_semaphore, #tpu.memory_space<semaphore_mem>>
      %dma_start3A_223 = arith.constant 0 : i32
      %dma_start3A_224 = arith.constant 0 : i32
      %dma_start3A_225 = tpu.memref_slice %arg9[%run_scoped3A_17, %dma_start3A_223, %dma_start3A_224] : memref<4x128x64xf32, #tpu.memory_space<vmem>> -> memref<1x128x64xf32, #tpu.memory_space<vmem>>
      %dma_start3A_226 = tpu.memref_squeeze %dma_start3A_225 : memref<1x128x64xf32, #tpu.memory_space<vmem>> -> memref<128x64xf32, #tpu.memory_space<vmem>>
      %dma_start3A_227 = arith.constant 0 : i32
      %dma_start3A_228 = tpu.memref_slice %arg12[%add3A_16, %dma_start3A_227] : memref<10240x64xf32, #tpu.memory_space<vmem_shared>> -> memref<128x64xf32, #tpu.memory_space<vmem_shared>>
      %dma_start3A_229 = arith.constant 0 : i32
      %dma_start3A_230 = tpu.memref_slice %arg12[%add3A_16, %dma_start3A_229] : memref<10240x64xf32, #tpu.memory_space<vmem_shared>> -> memref<128x64xf32, #tpu.memory_space<vmem_shared>>
      %dma_start3A_231 = arith.constant 0 : i32
      %dma_start3A_232 = arith.constant 0 : i32
      %dma_start3A_233 = tpu.memref_slice %arg9[%run_scoped3A_17, %dma_start3A_231, %dma_start3A_232] : memref<4x128x64xf32, #tpu.memory_space<vmem>> -> memref<1x128x64xf32, #tpu.memory_space<vmem>>
      %dma_start3A_234 = tpu.memref_squeeze %dma_start3A_233 : memref<1x128x64xf32, #tpu.memory_space<vmem>> -> memref<128x64xf32, #tpu.memory_space<vmem>>
      tpu.enqueue_dma source(%dma_start3A_234 : memref<128x64xf32, #tpu.memory_space<vmem>>) target(%dma_start3A_230 : memref<128x64xf32, #tpu.memory_space<vmem_shared>>) target_semaphore(%run_scoped3A_222 : memref<!tpu.dma_semaphore, #tpu.memory_space<semaphore_mem>>)
      %dma_wait3A_235 = arith.constant 0 : i32
      %dma_wait3A_236 = arith.constant 0 : i32
      %dma_wait3A_237 = tpu.memref_slice %arg9[%run_scoped3A_17, %dma_wait3A_235, %dma_wait3A_236] : memref<4x128x64xf32, #tpu.memory_space<vmem>> -> memref<1x128x64xf32, #tpu.memory_space<vmem>>
      %dma_wait3A_238 = tpu.memref_squeeze %dma_wait3A_237 : memref<1x128x64xf32, #tpu.memory_space<vmem>> -> memref<128x64xf32, #tpu.memory_space<vmem>>
      %dma_wait3A_239 = arith.constant 0 : i32
      %dma_wait3A_240 = tpu.memref_slice %arg12[%add3A_16, %dma_wait3A_239] : memref<10240x64xf32, #tpu.memory_space<vmem_shared>> -> memref<128x64xf32, #tpu.memory_space<vmem_shared>>
      %dma_wait3A_241 = arith.constant 0 : i32
      %dma_wait3A_242 = tpu.memref_slice %arg12[%add3A_16, %dma_wait3A_241] : memref<10240x64xf32, #tpu.memory_space<vmem_shared>> -> memref<128x64xf32, #tpu.memory_space<vmem_shared>>
      %dma_wait3A_243 = arith.constant 0 : i32
      %dma_wait3A_244 = arith.constant 0 : i32
      %dma_wait3A_245 = tpu.memref_slice %arg9[%run_scoped3A_17, %dma_wait3A_243, %dma_wait3A_244] : memref<4x128x64xf32, #tpu.memory_space<vmem>> -> memref<1x128x64xf32, #tpu.memory_space<vmem>>
      %dma_wait3A_246 = tpu.memref_squeeze %dma_wait3A_245 : memref<1x128x64xf32, #tpu.memory_space<vmem>> -> memref<128x64xf32, #tpu.memory_space<vmem>>
      tpu.wait_dma2 semaphore(%run_scoped3A_222 : memref<!tpu.dma_semaphore, #tpu.memory_space<semaphore_mem>>) src(%dma_wait3A_246 : memref<128x64xf32, #tpu.memory_space<vmem>>) dst(%dma_wait3A_242 : memref<128x64xf32, #tpu.memory_space<vmem_shared>>)
      tpu.yield
    }) : () -> ()
    %mul3A_18 = arith.constant 640 : i32
    %mul3A_19 = arith.muli %arg1, %mul3A_18 : i32
    %add3A_20 = arith.constant 384 : i32
    %add3A_21 = arith.addi %mul3A_19, %add3A_20 : i32
    %run_scoped3A_22 = arith.constant 0 : i32
    "tpu.region"() ({
      %run_scoped3A_222 = tpu.sem_alloc : memref<!tpu.dma_semaphore, #tpu.memory_space<semaphore_mem>>
      %dma_start3A_223 = arith.constant 0 : i32
      %dma_start3A_224 = arith.constant 0 : i32
      %dma_start3A_225 = tpu.memref_slice %arg9[%run_scoped3A_22, %dma_start3A_223, %dma_start3A_224] : memref<4x128x64xf32, #tpu.memory_space<vmem>> -> memref<1x128x64xf32, #tpu.memory_space<vmem>>
      %dma_start3A_226 = tpu.memref_squeeze %dma_start3A_225 : memref<1x128x64xf32, #tpu.memory_space<vmem>> -> memref<128x64xf32, #tpu.memory_space<vmem>>
      %dma_start3A_227 = arith.constant 0 : i32
      %dma_start3A_228 = tpu.memref_slice %arg12[%add3A_21, %dma_start3A_227] : memref<10240x64xf32, #tpu.memory_space<vmem_shared>> -> memref<128x64xf32, #tpu.memory_space<vmem_shared>>
      %dma_start3A_229 = arith.constant 0 : i32
      %dma_start3A_230 = tpu.memref_slice %arg12[%add3A_21, %dma_start3A_229] : memref<10240x64xf32, #tpu.memory_space<vmem_shared>> -> memref<128x64xf32, #tpu.memory_space<vmem_shared>>
      %dma_start3A_231 = arith.constant 0 : i32
      %dma_start3A_232 = arith.constant 0 : i32
      %dma_start3A_233 = tpu.memref_slice %arg9[%run_scoped3A_22, %dma_start3A_231, %dma_start3A_232] : memref<4x128x64xf32, #tpu.memory_space<vmem>> -> memref<1x128x64xf32, #tpu.memory_space<vmem>>
      %dma_start3A_234 = tpu.memref_squeeze %dma_start3A_233 : memref<1x128x64xf32, #tpu.memory_space<vmem>> -> memref<128x64xf32, #tpu.memory_space<vmem>>
      tpu.enqueue_dma source(%dma_start3A_234 : memref<128x64xf32, #tpu.memory_space<vmem>>) target(%dma_start3A_230 : memref<128x64xf32, #tpu.memory_space<vmem_shared>>) target_semaphore(%run_scoped3A_222 : memref<!tpu.dma_semaphore, #tpu.memory_space<semaphore_mem>>)
      %dma_wait3A_235 = arith.constant 0 : i32
      %dma_wait3A_236 = arith.constant 0 : i32
      %dma_wait3A_237 = tpu.memref_slice %arg9[%run_scoped3A_22, %dma_wait3A_235, %dma_wait3A_236] : memref<4x128x64xf32, #tpu.memory_space<vmem>> -> memref<1x128x64xf32, #tpu.memory_space<vmem>>
      %dma_wait3A_238 = tpu.memref_squeeze %dma_wait3A_237 : memref<1x128x64xf32, #tpu.memory_space<vmem>> -> memref<128x64xf32, #tpu.memory_space<vmem>>
      %dma_wait3A_239 = arith.constant 0 : i32
      %dma_wait3A_240 = tpu.memref_slice %arg12[%add3A_21, %dma_wait3A_239] : memref<10240x64xf32, #tpu.memory_space<vmem_shared>> -> memref<128x64xf32, #tpu.memory_space<vmem_shared>>
      %dma_wait3A_241 = arith.constant 0 : i32
      %dma_wait3A_242 = tpu.memref_slice %arg12[%add3A_21, %dma_wait3A_241] : memref<10240x64xf32, #tpu.memory_space<vmem_shared>> -> memref<128x64xf32, #tpu.memory_space<vmem_shared>>
      %dma_wait3A_243 = arith.constant 0 : i32
      %dma_wait3A_244 = arith.constant 0 : i32
      %dma_wait3A_245 = tpu.memref_slice %arg9[%run_scoped3A_22, %dma_wait3A_243, %dma_wait3A_244] : memref<4x128x64xf32, #tpu.memory_space<vmem>> -> memref<1x128x64xf32, #tpu.memory_space<vmem>>
      %dma_wait3A_246 = tpu.memref_squeeze %dma_wait3A_245 : memref<1x128x64xf32, #tpu.memory_space<vmem>> -> memref<128x64xf32, #tpu.memory_space<vmem>>
      tpu.wait_dma2 semaphore(%run_scoped3A_222 : memref<!tpu.dma_semaphore, #tpu.memory_space<semaphore_mem>>) src(%dma_wait3A_246 : memref<128x64xf32, #tpu.memory_space<vmem>>) dst(%dma_wait3A_242 : memref<128x64xf32, #tpu.memory_space<vmem_shared>>)
      tpu.yield
    }) : () -> ()
    %mul3A_23 = arith.constant 640 : i32
    %mul3A_24 = arith.muli %arg1, %mul3A_23 : i32
    %add3A_25 = arith.constant 512 : i32
    %add3A_26 = arith.addi %mul3A_24, %add3A_25 : i32
    %run_scoped3A_27 = arith.constant 0 : i32
    "tpu.region"() ({
      %run_scoped3A_222 = tpu.sem_alloc : memref<!tpu.dma_semaphore, #tpu.memory_space<semaphore_mem>>
      %dma_start3A_223 = arith.constant 0 : i32
      %dma_start3A_224 = arith.constant 0 : i32
      %dma_start3A_225 = tpu.memref_slice %arg9[%run_scoped3A_27, %dma_start3A_223, %dma_start3A_224] : memref<4x128x64xf32, #tpu.memory_space<vmem>> -> memref<1x128x64xf32, #tpu.memory_space<vmem>>
      %dma_start3A_226 = tpu.memref_squeeze %dma_start3A_225 : memref<1x128x64xf32, #tpu.memory_space<vmem>> -> memref<128x64xf32, #tpu.memory_space<vmem>>
      %dma_start3A_227 = arith.constant 0 : i32
      %dma_start3A_228 = tpu.memref_slice %arg12[%add3A_26, %dma_start3A_227] : memref<10240x64xf32, #tpu.memory_space<vmem_shared>> -> memref<128x64xf32, #tpu.memory_space<vmem_shared>>
      %dma_start3A_229 = arith.constant 0 : i32
      %dma_start3A_230 = tpu.memref_slice %arg12[%add3A_26, %dma_start3A_229] : memref<10240x64xf32, #tpu.memory_space<vmem_shared>> -> memref<128x64xf32, #tpu.memory_space<vmem_shared>>
      %dma_start3A_231 = arith.constant 0 : i32
      %dma_start3A_232 = arith.constant 0 : i32
      %dma_start3A_233 = tpu.memref_slice %arg9[%run_scoped3A_27, %dma_start3A_231, %dma_start3A_232] : memref<4x128x64xf32, #tpu.memory_space<vmem>> -> memref<1x128x64xf32, #tpu.memory_space<vmem>>
      %dma_start3A_234 = tpu.memref_squeeze %dma_start3A_233 : memref<1x128x64xf32, #tpu.memory_space<vmem>> -> memref<128x64xf32, #tpu.memory_space<vmem>>
      tpu.enqueue_dma source(%dma_start3A_234 : memref<128x64xf32, #tpu.memory_space<vmem>>) target(%dma_start3A_230 : memref<128x64xf32, #tpu.memory_space<vmem_shared>>) target_semaphore(%run_scoped3A_222 : memref<!tpu.dma_semaphore, #tpu.memory_space<semaphore_mem>>)
      %dma_wait3A_235 = arith.constant 0 : i32
      %dma_wait3A_236 = arith.constant 0 : i32
      %dma_wait3A_237 = tpu.memref_slice %arg9[%run_scoped3A_27, %dma_wait3A_235, %dma_wait3A_236] : memref<4x128x64xf32, #tpu.memory_space<vmem>> -> memref<1x128x64xf32, #tpu.memory_space<vmem>>
      %dma_wait3A_238 = tpu.memref_squeeze %dma_wait3A_237 : memref<1x128x64xf32, #tpu.memory_space<vmem>> -> memref<128x64xf32, #tpu.memory_space<vmem>>
      %dma_wait3A_239 = arith.constant 0 : i32
      %dma_wait3A_240 = tpu.memref_slice %arg12[%add3A_26, %dma_wait3A_239] : memref<10240x64xf32, #tpu.memory_space<vmem_shared>> -> memref<128x64xf32, #tpu.memory_space<vmem_shared>>
      %dma_wait3A_241 = arith.constant 0 : i32
      %dma_wait3A_242 = tpu.memref_slice %arg12[%add3A_26, %dma_wait3A_241] : memref<10240x64xf32, #tpu.memory_space<vmem_shared>> -> memref<128x64xf32, #tpu.memory_space<vmem_shared>>
      %dma_wait3A_243 = arith.constant 0 : i32
      %dma_wait3A_244 = arith.constant 0 : i32
      %dma_wait3A_245 = tpu.memref_slice %arg9[%run_scoped3A_27, %dma_wait3A_243, %dma_wait3A_244] : memref<4x128x64xf32, #tpu.memory_space<vmem>> -> memref<1x128x64xf32, #tpu.memory_space<vmem>>
      %dma_wait3A_246 = tpu.memref_squeeze %dma_wait3A_245 : memref<1x128x64xf32, #tpu.memory_space<vmem>> -> memref<128x64xf32, #tpu.memory_space<vmem>>
      tpu.wait_dma2 semaphore(%run_scoped3A_222 : memref<!tpu.dma_semaphore, #tpu.memory_space<semaphore_mem>>) src(%dma_wait3A_246 : memref<128x64xf32, #tpu.memory_space<vmem>>) dst(%dma_wait3A_242 : memref<128x64xf32, #tpu.memory_space<vmem_shared>>)
      tpu.yield
    }) : () -> ()
    %broadcast_in_dim3A_28 = arith.constant 1.000000e+00 : f32
    %broadcast_in_dim3A_29 = vector.broadcast %broadcast_in_dim3A_28 : f32 to vector<16xf32>
    %scan3A_30 = arith.constant 0 : i32
    %scan3A_31 = arith.constant 0 : i32
    %scan3A_32 = arith.constant 128 : i32
    %scan3A_33 = arith.addi %scan3A_31, %scan3A_32 : i32
    %scan3A_34 = arith.constant 1 : i32
    scf.for %scan3A_222 = %scan3A_31 to %scan3A_33 step %scan3A_34  : i32 {
      %swap3A = arith.index_cast %scan3A_222 : i32 to index
      %swap3A_223 = arith.constant 0 : index
      %swap3A_224 = tpu.vector_load %arg10[%swap3A, %swap3A_223] {strides = array<i32>} : memref<128x16xf32, #tpu.memory_space<vmem>>, vector<1x16xf32>,
      %swap3A_225 = vector.shape_cast %swap3A_224 : vector<1x16xf32> to vector<16xf32>
      %swap3A_226 = vector.shape_cast %broadcast_in_dim3A_29 : vector<16xf32> to vector<1x16xf32>
      tpu.vector_store %arg10[%swap3A, %swap3A_223], %swap3A_226 {strides = array<i32>} : memref<128x16xf32, #tpu.memory_space<vmem>>, vector<1x16xf32>,
      %swap3A_227 = arith.index_cast %scan3A_222 : i32 to index
      %swap3A_228 = arith.constant 0 : index
      %swap3A_229 = tpu.vector_load %arg11[%swap3A_227, %swap3A_228] {strides = array<i32>} : memref<128x16xf32, #tpu.memory_space<vmem>>, vector<1x16xf32>,
      %swap3A_230 = vector.shape_cast %swap3A_229 : vector<1x16xf32> to vector<16xf32>
      %swap3A_231 = vector.shape_cast %broadcast_in_dim3A_0 : vector<16xf32> to vector<1x16xf32>
      tpu.vector_store %arg11[%swap3A_227, %swap3A_228], %swap3A_231 {strides = array<i32>} : memref<128x16xf32, #tpu.memory_space<vmem>>, vector<1x16xf32>,
    }
    %scan3A_35 = arith.constant 128 : i32
    %mul3A_36 = arith.constant 640 : i32
    %mul3A_37 = arith.muli %arg1, %mul3A_36 : i32
    %add3A_38 = arith.constant 0 : i32
    %add3A_39 = arith.addi %mul3A_37, %add3A_38 : i32
    "tpu.region"() ({
      %run_scoped3A_222 = tpu.sem_alloc : memref<!tpu.dma_semaphore, #tpu.memory_space<semaphore_mem>>
      %dma_start3A_223 = arith.constant 0 : i32
      %dma_start3A_224 = tpu.memref_slice %arg13[%add3A_39, %dma_start3A_223] : memref<10240x16xf32, #tpu.memory_space<vmem_shared>> -> memref<128x16xf32, #tpu.memory_space<vmem_shared>>
      %dma_start3A_225 = arith.constant 0 : i32
      %dma_start3A_226 = tpu.memref_slice %arg13[%add3A_39, %dma_start3A_225] : memref<10240x16xf32, #tpu.memory_space<vmem_shared>> -> memref<128x16xf32, #tpu.memory_space<vmem_shared>>
      tpu.enqueue_dma source(%arg11 : memref<128x16xf32, #tpu.memory_space<vmem>>) target(%dma_start3A_226 : memref<128x16xf32, #tpu.memory_space<vmem_shared>>) target_semaphore(%run_scoped3A_222 : memref<!tpu.dma_semaphore, #tpu.memory_space<semaphore_mem>>)
      %dma_wait3A_227 = arith.constant 0 : i32
      %dma_wait3A_228 = tpu.memref_slice %arg13[%add3A_39, %dma_wait3A_227] : memref<10240x16xf32, #tpu.memory_space<vmem_shared>> -> memref<128x16xf32, #tpu.memory_space<vmem_shared>>
      %dma_wait3A_229 = arith.constant 0 : i32
      %dma_wait3A_230 = tpu.memref_slice %arg13[%add3A_39, %dma_wait3A_229] : memref<10240x16xf32, #tpu.memory_space<vmem_shared>> -> memref<128x16xf32, #tpu.memory_space<vmem_shared>>
      tpu.wait_dma2 semaphore(%run_scoped3A_222 : memref<!tpu.dma_semaphore, #tpu.memory_space<semaphore_mem>>) src(%arg11 : memref<128x16xf32, #tpu.memory_space<vmem>>) dst(%dma_wait3A_230 : memref<128x16xf32, #tpu.memory_space<vmem_shared>>)
      tpu.yield
    }) : () -> ()
    %mul3A_40 = arith.constant 640 : i32
    %mul3A_41 = arith.muli %arg1, %mul3A_40 : i32
    %add3A_42 = arith.constant 128 : i32
    %add3A_43 = arith.addi %mul3A_41, %add3A_42 : i32
    "tpu.region"() ({
      %run_scoped3A_222 = tpu.sem_alloc : memref<!tpu.dma_semaphore, #tpu.memory_space<semaphore_mem>>
      %dma_start3A_223 = arith.constant 0 : i32
      %dma_start3A_224 = tpu.memref_slice %arg13[%add3A_43, %dma_start3A_223] : memref<10240x16xf32, #tpu.memory_space<vmem_shared>> -> memref<128x16xf32, #tpu.memory_space<vmem_shared>>
      %dma_start3A_225 = arith.constant 0 : i32
      %dma_start3A_226 = tpu.memref_slice %arg13[%add3A_43, %dma_start3A_225] : memref<10240x16xf32, #tpu.memory_space<vmem_shared>> -> memref<128x16xf32, #tpu.memory_space<vmem_shared>>
      tpu.enqueue_dma source(%arg11 : memref<128x16xf32, #tpu.memory_space<vmem>>) target(%dma_start3A_226 : memref<128x16xf32, #tpu.memory_space<vmem_shared>>) target_semaphore(%run_scoped3A_222 : memref<!tpu.dma_semaphore, #tpu.memory_space<semaphore_mem>>)
      %dma_wait3A_227 = arith.constant 0 : i32
      %dma_wait3A_228 = tpu.memref_slice %arg13[%add3A_43, %dma_wait3A_227] : memref<10240x16xf32, #tpu.memory_space<vmem_shared>> -> memref<128x16xf32, #tpu.memory_space<vmem_shared>>
      %dma_wait3A_229 = arith.constant 0 : i32
      %dma_wait3A_230 = tpu.memref_slice %arg13[%add3A_43, %dma_wait3A_229] : memref<10240x16xf32, #tpu.memory_space<vmem_shared>> -> memref<128x16xf32, #tpu.memory_space<vmem_shared>>
      tpu.wait_dma2 semaphore(%run_scoped3A_222 : memref<!tpu.dma_semaphore, #tpu.memory_space<semaphore_mem>>) src(%arg11 : memref<128x16xf32, #tpu.memory_space<vmem>>) dst(%dma_wait3A_230 : memref<128x16xf32, #tpu.memory_space<vmem_shared>>)
      tpu.yield
    }) : () -> ()
    %mul3A_44 = arith.constant 640 : i32
    %mul3A_45 = arith.muli %arg1, %mul3A_44 : i32
    %add3A_46 = arith.constant 256 : i32
    %add3A_47 = arith.addi %mul3A_45, %add3A_46 : i32
    "tpu.region"() ({
      %run_scoped3A_222 = tpu.sem_alloc : memref<!tpu.dma_semaphore, #tpu.memory_space<semaphore_mem>>
      %dma_start3A_223 = arith.constant 0 : i32
      %dma_start3A_224 = tpu.memref_slice %arg13[%add3A_47, %dma_start3A_223] : memref<10240x16xf32, #tpu.memory_space<vmem_shared>> -> memref<128x16xf32, #tpu.memory_space<vmem_shared>>
      %dma_start3A_225 = arith.constant 0 : i32
      %dma_start3A_226 = tpu.memref_slice %arg13[%add3A_47, %dma_start3A_225] : memref<10240x16xf32, #tpu.memory_space<vmem_shared>> -> memref<128x16xf32, #tpu.memory_space<vmem_shared>>
      tpu.enqueue_dma source(%arg11 : memref<128x16xf32, #tpu.memory_space<vmem>>) target(%dma_start3A_226 : memref<128x16xf32, #tpu.memory_space<vmem_shared>>) target_semaphore(%run_scoped3A_222 : memref<!tpu.dma_semaphore, #tpu.memory_space<semaphore_mem>>)
      %dma_wait3A_227 = arith.constant 0 : i32
      %dma_wait3A_228 = tpu.memref_slice %arg13[%add3A_47, %dma_wait3A_227] : memref<10240x16xf32, #tpu.memory_space<vmem_shared>> -> memref<128x16xf32, #tpu.memory_space<vmem_shared>>
      %dma_wait3A_229 = arith.constant 0 : i32
      %dma_wait3A_230 = tpu.memref_slice %arg13[%add3A_47, %dma_wait3A_229] : memref<10240x16xf32, #tpu.memory_space<vmem_shared>> -> memref<128x16xf32, #tpu.memory_space<vmem_shared>>
      tpu.wait_dma2 semaphore(%run_scoped3A_222 : memref<!tpu.dma_semaphore, #tpu.memory_space<semaphore_mem>>) src(%arg11 : memref<128x16xf32, #tpu.memory_space<vmem>>) dst(%dma_wait3A_230 : memref<128x16xf32, #tpu.memory_space<vmem_shared>>)
      tpu.yield
    }) : () -> ()
    %mul3A_48 = arith.constant 640 : i32
    %mul3A_49 = arith.muli %arg1, %mul3A_48 : i32
    %add3A_50 = arith.constant 384 : i32
    %add3A_51 = arith.addi %mul3A_49, %add3A_50 : i32
    "tpu.region"() ({
      %run_scoped3A_222 = tpu.sem_alloc : memref<!tpu.dma_semaphore, #tpu.memory_space<semaphore_mem>>
      %dma_start3A_223 = arith.constant 0 : i32
      %dma_start3A_224 = tpu.memref_slice %arg13[%add3A_51, %dma_start3A_223] : memref<10240x16xf32, #tpu.memory_space<vmem_shared>> -> memref<128x16xf32, #tpu.memory_space<vmem_shared>>
      %dma_start3A_225 = arith.constant 0 : i32
      %dma_start3A_226 = tpu.memref_slice %arg13[%add3A_51, %dma_start3A_225] : memref<10240x16xf32, #tpu.memory_space<vmem_shared>> -> memref<128x16xf32, #tpu.memory_space<vmem_shared>>
      tpu.enqueue_dma source(%arg11 : memref<128x16xf32, #tpu.memory_space<vmem>>) target(%dma_start3A_226 : memref<128x16xf32, #tpu.memory_space<vmem_shared>>) target_semaphore(%run_scoped3A_222 : memref<!tpu.dma_semaphore, #tpu.memory_space<semaphore_mem>>)
      %dma_wait3A_227 = arith.constant 0 : i32
      %dma_wait3A_228 = tpu.memref_slice %arg13[%add3A_51, %dma_wait3A_227] : memref<10240x16xf32, #tpu.memory_space<vmem_shared>> -> memref<128x16xf32, #tpu.memory_space<vmem_shared>>
      %dma_wait3A_229 = arith.constant 0 : i32
      %dma_wait3A_230 = tpu.memref_slice %arg13[%add3A_51, %dma_wait3A_229] : memref<10240x16xf32, #tpu.memory_space<vmem_shared>> -> memref<128x16xf32, #tpu.memory_space<vmem_shared>>
      tpu.wait_dma2 semaphore(%run_scoped3A_222 : memref<!tpu.dma_semaphore, #tpu.memory_space<semaphore_mem>>) src(%arg11 : memref<128x16xf32, #tpu.memory_space<vmem>>) dst(%dma_wait3A_230 : memref<128x16xf32, #tpu.memory_space<vmem_shared>>)
      tpu.yield
    }) : () -> ()
    %mul3A_52 = arith.constant 640 : i32
    %mul3A_53 = arith.muli %arg1, %mul3A_52 : i32
    %add3A_54 = arith.constant 512 : i32
    %add3A_55 = arith.addi %mul3A_53, %add3A_54 : i32
    "tpu.region"() ({
      %run_scoped3A_222 = tpu.sem_alloc : memref<!tpu.dma_semaphore, #tpu.memory_space<semaphore_mem>>
      %dma_start3A_223 = arith.constant 0 : i32
      %dma_start3A_224 = tpu.memref_slice %arg13[%add3A_55, %dma_start3A_223] : memref<10240x16xf32, #tpu.memory_space<vmem_shared>> -> memref<128x16xf32, #tpu.memory_space<vmem_shared>>
      %dma_start3A_225 = arith.constant 0 : i32
      %dma_start3A_226 = tpu.memref_slice %arg13[%add3A_55, %dma_start3A_225] : memref<10240x16xf32, #tpu.memory_space<vmem_shared>> -> memref<128x16xf32, #tpu.memory_space<vmem_shared>>
      tpu.enqueue_dma source(%arg11 : memref<128x16xf32, #tpu.memory_space<vmem>>) target(%dma_start3A_226 : memref<128x16xf32, #tpu.memory_space<vmem_shared>>) target_semaphore(%run_scoped3A_222 : memref<!tpu.dma_semaphore, #tpu.memory_space<semaphore_mem>>)
      %dma_wait3A_227 = arith.constant 0 : i32
      %dma_wait3A_228 = tpu.memref_slice %arg13[%add3A_55, %dma_wait3A_227] : memref<10240x16xf32, #tpu.memory_space<vmem_shared>> -> memref<128x16xf32, #tpu.memory_space<vmem_shared>>
      %dma_wait3A_229 = arith.constant 0 : i32
      %dma_wait3A_230 = tpu.memref_slice %arg13[%add3A_55, %dma_wait3A_229] : memref<10240x16xf32, #tpu.memory_space<vmem_shared>> -> memref<128x16xf32, #tpu.memory_space<vmem_shared>>
      tpu.wait_dma2 semaphore(%run_scoped3A_222 : memref<!tpu.dma_semaphore, #tpu.memory_space<semaphore_mem>>) src(%arg11 : memref<128x16xf32, #tpu.memory_space<vmem>>) dst(%dma_wait3A_230 : memref<128x16xf32, #tpu.memory_space<vmem_shared>>)
      tpu.yield
    }) : () -> ()
    %barrier3A = arith.constant 0 : index
    tpu.barrier barrier_id(%barrier3A)
    %dma_start3A = arith.constant 0 : i32
    %dma_start3A_56 = arith.constant 0 : i32
    %dma_start3A_57 = arith.constant 0 : i32
    %dma_start3A_58 = arith.constant 0 : i32
    %dma_start3A_59 = arith.constant 0 : i32
    %dma_start3A_60 = tpu.memref_slice %arg9[%dma_start3A_56, %dma_start3A_58, %dma_start3A_59] : memref<4x128x64xf32, #tpu.memory_space<vmem>> -> memref<1x128x64xf32, #tpu.memory_space<vmem>>
    %dma_start3A_61 = tpu.memref_squeeze %dma_start3A_60 : memref<1x128x64xf32, #tpu.memory_space<vmem>> -> memref<128x64xf32, #tpu.memory_space<vmem>>
    %dma_start3A_62 = arith.constant 0 : i32
    %dma_start3A_63 = tpu.memref_slice %arg7[%dma_start3A, %dma_start3A_62] : memref<160x128xi32, #tpu.memory_space<vmem>> -> memref<1x128xi32, #tpu.memory_space<vmem>>
    %dma_start3A_64 = tpu.memref_squeeze %dma_start3A_63 : memref<1x128xi32, #tpu.memory_space<vmem>> -> memref<128xi32, #tpu.memory_space<vmem>>
    %dma_start3A_65 = arith.constant 0 : i32
    %dma_start3A_66 = arith.constant 0 : i32
    %dma_start3A_67 = tpu.memref_slice %arg2[%arg0, %dma_start3A_65, %dma_start3A_66] : memref<2x10000x64xf32, #tpu.memory_space<hbm>> -> memref<1x10000x64xf32, #tpu.memory_space<hbm>>
    %dma_start3A_68 = tpu.memref_squeeze %dma_start3A_67 : memref<1x10000x64xf32, #tpu.memory_space<hbm>> -> memref<10000x64xf32, #tpu.memory_space<hbm>>
    %dma_start3A_69 = arith.constant 0 : i32
    %dma_start3A_70 = arith.constant 0 : i32
    %dma_start3A_71 = tpu.memref_slice %dma_start3A_68[%dma_start3A_69, %dma_start3A_70] : memref<10000x64xf32, #tpu.memory_space<hbm>> -> memref<10000x64xf32, #tpu.memory_space<hbm>>
    %dma_start3A_72 = tpu.memref_slice %arg14[%dma_start3A_57] : memref<4x!tpu.dma_semaphore, #tpu.memory_space<semaphore_mem>> -> memref<1x!tpu.dma_semaphore, #tpu.memory_space<semaphore_mem>>
    %dma_start3A_73 = tpu.memref_squeeze %dma_start3A_72 : memref<1x!tpu.dma_semaphore, #tpu.memory_space<semaphore_mem>> -> memref<!tpu.dma_semaphore, #tpu.memory_space<semaphore_mem>>
    tpu.enqueue_indirect_dma source(%dma_start3A_71 : memref<10000x64xf32, #tpu.memory_space<hbm>>) target(%dma_start3A_61 : memref<128x64xf32, #tpu.memory_space<vmem>>) offsets(%dma_start3A_64 : memref<128xi32, #tpu.memory_space<vmem>>) semaphore(%dma_start3A_73 : memref<!tpu.dma_semaphore, #tpu.memory_space<semaphore_mem>>)
    %dma_start3A_74 = arith.constant 1 : i32
    %dma_start3A_75 = arith.constant 1 : i32
    %dma_start3A_76 = arith.constant 1 : i32
    %dma_start3A_77 = arith.constant 0 : i32
    %dma_start3A_78 = arith.constant 0 : i32
    %dma_start3A_79 = tpu.memref_slice %arg9[%dma_start3A_75, %dma_start3A_77, %dma_start3A_78] : memref<4x128x64xf32, #tpu.memory_space<vmem>> -> memref<1x128x64xf32, #tpu.memory_space<vmem>>
    %dma_start3A_80 = tpu.memref_squeeze %dma_start3A_79 : memref<1x128x64xf32, #tpu.memory_space<vmem>> -> memref<128x64xf32, #tpu.memory_space<vmem>>
    %dma_start3A_81 = arith.constant 0 : i32
    %dma_start3A_82 = tpu.memref_slice %arg7[%dma_start3A_74, %dma_start3A_81] : memref<160x128xi32, #tpu.memory_space<vmem>> -> memref<1x128xi32, #tpu.memory_space<vmem>>
    %dma_start3A_83 = tpu.memref_squeeze %dma_start3A_82 : memref<1x128xi32, #tpu.memory_space<vmem>> -> memref<128xi32, #tpu.memory_space<vmem>>
    %dma_start3A_84 = arith.constant 0 : i32
    %dma_start3A_85 = arith.constant 0 : i32
    %dma_start3A_86 = tpu.memref_slice %arg2[%arg0, %dma_start3A_84, %dma_start3A_85] : memref<2x10000x64xf32, #tpu.memory_space<hbm>> -> memref<1x10000x64xf32, #tpu.memory_space<hbm>>
    %dma_start3A_87 = tpu.memref_squeeze %dma_start3A_86 : memref<1x10000x64xf32, #tpu.memory_space<hbm>> -> memref<10000x64xf32, #tpu.memory_space<hbm>>
    %dma_start3A_88 = arith.constant 0 : i32
    %dma_start3A_89 = arith.constant 0 : i32
    %dma_start3A_90 = tpu.memref_slice %dma_start3A_87[%dma_start3A_88, %dma_start3A_89] : memref<10000x64xf32, #tpu.memory_space<hbm>> -> memref<10000x64xf32, #tpu.memory_space<hbm>>
    %dma_start3A_91 = tpu.memref_slice %arg14[%dma_start3A_76] : memref<4x!tpu.dma_semaphore, #tpu.memory_space<semaphore_mem>> -> memref<1x!tpu.dma_semaphore, #tpu.memory_space<semaphore_mem>>
    %dma_start3A_92 = tpu.memref_squeeze %dma_start3A_91 : memref<1x!tpu.dma_semaphore, #tpu.memory_space<semaphore_mem>> -> memref<!tpu.dma_semaphore, #tpu.memory_space<semaphore_mem>>
    tpu.enqueue_indirect_dma source(%dma_start3A_90 : memref<10000x64xf32, #tpu.memory_space<hbm>>) target(%dma_start3A_80 : memref<128x64xf32, #tpu.memory_space<vmem>>) offsets(%dma_start3A_83 : memref<128xi32, #tpu.memory_space<vmem>>) semaphore(%dma_start3A_92 : memref<!tpu.dma_semaphore, #tpu.memory_space<semaphore_mem>>)
    %dma_start3A_93 = arith.constant 2 : i32
    %dma_start3A_94 = arith.constant 2 : i32
    %dma_start3A_95 = arith.constant 2 : i32
    %dma_start3A_96 = arith.constant 0 : i32
    %dma_start3A_97 = arith.constant 0 : i32
    %dma_start3A_98 = tpu.memref_slice %arg9[%dma_start3A_94, %dma_start3A_96, %dma_start3A_97] : memref<4x128x64xf32, #tpu.memory_space<vmem>> -> memref<1x128x64xf32, #tpu.memory_space<vmem>>
    %dma_start3A_99 = tpu.memref_squeeze %dma_start3A_98 : memref<1x128x64xf32, #tpu.memory_space<vmem>> -> memref<128x64xf32, #tpu.memory_space<vmem>>
    %dma_start3A_100 = arith.constant 0 : i32
    %dma_start3A_101 = tpu.memref_slice %arg7[%dma_start3A_93, %dma_start3A_100] : memref<160x128xi32, #tpu.memory_space<vmem>> -> memref<1x128xi32, #tpu.memory_space<vmem>>
    %dma_start3A_102 = tpu.memref_squeeze %dma_start3A_101 : memref<1x128xi32, #tpu.memory_space<vmem>> -> memref<128xi32, #tpu.memory_space<vmem>>
    %dma_start3A_103 = arith.constant 0 : i32
    %dma_start3A_104 = arith.constant 0 : i32
    %dma_start3A_105 = tpu.memref_slice %arg2[%arg0, %dma_start3A_103, %dma_start3A_104] : memref<2x10000x64xf32, #tpu.memory_space<hbm>> -> memref<1x10000x64xf32, #tpu.memory_space<hbm>>
    %dma_start3A_106 = tpu.memref_squeeze %dma_start3A_105 : memref<1x10000x64xf32, #tpu.memory_space<hbm>> -> memref<10000x64xf32, #tpu.memory_space<hbm>>
    %dma_start3A_107 = arith.constant 0 : i32
    %dma_start3A_108 = arith.constant 0 : i32
    %dma_start3A_109 = tpu.memref_slice %dma_start3A_106[%dma_start3A_107, %dma_start3A_108] : memref<10000x64xf32, #tpu.memory_space<hbm>> -> memref<10000x64xf32, #tpu.memory_space<hbm>>
    %dma_start3A_110 = tpu.memref_slice %arg14[%dma_start3A_95] : memref<4x!tpu.dma_semaphore, #tpu.memory_space<semaphore_mem>> -> memref<1x!tpu.dma_semaphore, #tpu.memory_space<semaphore_mem>>
    %dma_start3A_111 = tpu.memref_squeeze %dma_start3A_110 : memref<1x!tpu.dma_semaphore, #tpu.memory_space<semaphore_mem>> -> memref<!tpu.dma_semaphore, #tpu.memory_space<semaphore_mem>>
    tpu.enqueue_indirect_dma source(%dma_start3A_109 : memref<10000x64xf32, #tpu.memory_space<hbm>>) target(%dma_start3A_99 : memref<128x64xf32, #tpu.memory_space<vmem>>) offsets(%dma_start3A_102 : memref<128xi32, #tpu.memory_space<vmem>>) semaphore(%dma_start3A_111 : memref<!tpu.dma_semaphore, #tpu.memory_space<semaphore_mem>>)
    %dma_start3A_112 = arith.constant 3 : i32
    %dma_start3A_113 = arith.constant 3 : i32
    %dma_start3A_114 = arith.constant 3 : i32
    %dma_start3A_115 = arith.constant 0 : i32
    %dma_start3A_116 = arith.constant 0 : i32
    %dma_start3A_117 = tpu.memref_slice %arg9[%dma_start3A_113, %dma_start3A_115, %dma_start3A_116] : memref<4x128x64xf32, #tpu.memory_space<vmem>> -> memref<1x128x64xf32, #tpu.memory_space<vmem>>
    %dma_start3A_118 = tpu.memref_squeeze %dma_start3A_117 : memref<1x128x64xf32, #tpu.memory_space<vmem>> -> memref<128x64xf32, #tpu.memory_space<vmem>>
    %dma_start3A_119 = arith.constant 0 : i32
    %dma_start3A_120 = tpu.memref_slice %arg7[%dma_start3A_112, %dma_start3A_119] : memref<160x128xi32, #tpu.memory_space<vmem>> -> memref<1x128xi32, #tpu.memory_space<vmem>>
    %dma_start3A_121 = tpu.memref_squeeze %dma_start3A_120 : memref<1x128xi32, #tpu.memory_space<vmem>> -> memref<128xi32, #tpu.memory_space<vmem>>
    %dma_start3A_122 = arith.constant 0 : i32
    %dma_start3A_123 = arith.constant 0 : i32
    %dma_start3A_124 = tpu.memref_slice %arg2[%arg0, %dma_start3A_122, %dma_start3A_123] : memref<2x10000x64xf32, #tpu.memory_space<hbm>> -> memref<1x10000x64xf32, #tpu.memory_space<hbm>>
    %dma_start3A_125 = tpu.memref_squeeze %dma_start3A_124 : memref<1x10000x64xf32, #tpu.memory_space<hbm>> -> memref<10000x64xf32, #tpu.memory_space<hbm>>
    %dma_start3A_126 = arith.constant 0 : i32
    %dma_start3A_127 = arith.constant 0 : i32
    %dma_start3A_128 = tpu.memref_slice %dma_start3A_125[%dma_start3A_126, %dma_start3A_127] : memref<10000x64xf32, #tpu.memory_space<hbm>> -> memref<10000x64xf32, #tpu.memory_space<hbm>>
    %dma_start3A_129 = tpu.memref_slice %arg14[%dma_start3A_114] : memref<4x!tpu.dma_semaphore, #tpu.memory_space<semaphore_mem>> -> memref<1x!tpu.dma_semaphore, #tpu.memory_space<semaphore_mem>>
    %dma_start3A_130 = tpu.memref_squeeze %dma_start3A_129 : memref<1x!tpu.dma_semaphore, #tpu.memory_space<semaphore_mem>> -> memref<!tpu.dma_semaphore, #tpu.memory_space<semaphore_mem>>
    tpu.enqueue_indirect_dma source(%dma_start3A_128 : memref<10000x64xf32, #tpu.memory_space<hbm>>) target(%dma_start3A_118 : memref<128x64xf32, #tpu.memory_space<vmem>>) offsets(%dma_start3A_121 : memref<128xi32, #tpu.memory_space<vmem>>) semaphore(%dma_start3A_130 : memref<!tpu.dma_semaphore, #tpu.memory_space<semaphore_mem>>)
    %scan3A_131 = arith.constant 0 : i32
    %scan3A_132 = arith.constant 0 : i32
    %scan3A_133 = arith.constant 40 : i32
    %scan3A_134 = arith.addi %scan3A_132, %scan3A_133 : i32
    %scan3A_135 = arith.constant 1 : i32
    scf.for %scan3A_222 = %scan3A_132 to %scan3A_134 step %scan3A_135  : i32 {
      %mul3A_223 = arith.constant 4 : i32
      %mul3A_224 = arith.muli %mul3A_223, %scan3A_222 : i32
      %eq3A = arith.constant 0 : i32
      %eq3A_225 = arith.cmpi eq, %arg0, %eq3A : i32
      %lt3A = arith.constant 80 : i32
      %lt3A_226 = arith.cmpi slt, %mul3A_224, %lt3A : i32
      %ge3A = arith.constant 80 : i32
      %ge3A_227 = arith.cmpi sge, %mul3A_224, %ge3A : i32
      %select_n3A = arith.select %eq3A_225, %lt3A_226, %ge3A_227 : i1
      %add3A_228 = arith.constant 0 : i32
      %add3A_229 = arith.addi %mul3A_224, %add3A_228 : i32
      %dma_wait3A_230 = arith.constant 0 : i32
      %dma_wait3A_231 = arith.constant 0 : i32
      %dma_wait3A_232 = arith.constant 0 : i32
      %dma_wait3A_233 = arith.constant 0 : i32
      %dma_wait3A_234 = tpu.memref_slice %arg9[%dma_wait3A_230, %dma_wait3A_232, %dma_wait3A_233] : memref<4x128x64xf32, #tpu.memory_space<vmem>> -> memref<1x128x64xf32, #tpu.memory_space<vmem>>
      %dma_wait3A_235 = tpu.memref_squeeze %dma_wait3A_234 : memref<1x128x64xf32, #tpu.memory_space<vmem>> -> memref<128x64xf32, #tpu.memory_space<vmem>>
      %dma_wait3A_236 = arith.constant 0 : i32
      %dma_wait3A_237 = tpu.memref_slice %arg7[%add3A_229, %dma_wait3A_236] : memref<160x128xi32, #tpu.memory_space<vmem>> -> memref<1x128xi32, #tpu.memory_space<vmem>>
      %dma_wait3A_238 = tpu.memref_squeeze %dma_wait3A_237 : memref<1x128xi32, #tpu.memory_space<vmem>> -> memref<128xi32, #tpu.memory_space<vmem>>
      %dma_wait3A_239 = arith.constant 0 : i32
      %dma_wait3A_240 = arith.constant 0 : i32
      %dma_wait3A_241 = tpu.memref_slice %arg2[%arg0, %dma_wait3A_239, %dma_wait3A_240] : memref<2x10000x64xf32, #tpu.memory_space<hbm>> -> memref<1x10000x64xf32, #tpu.memory_space<hbm>>
      %dma_wait3A_242 = tpu.memref_squeeze %dma_wait3A_241 : memref<1x10000x64xf32, #tpu.memory_space<hbm>> -> memref<10000x64xf32, #tpu.memory_space<hbm>>
      %dma_wait3A_243 = arith.constant 0 : i32
      %dma_wait3A_244 = arith.constant 0 : i32
      %dma_wait3A_245 = tpu.memref_slice %dma_wait3A_242[%dma_wait3A_243, %dma_wait3A_244] : memref<10000x64xf32, #tpu.memory_space<hbm>> -> memref<10000x64xf32, #tpu.memory_space<hbm>>
      %dma_wait3A_246 = tpu.memref_slice %arg14[%dma_wait3A_231] : memref<4x!tpu.dma_semaphore, #tpu.memory_space<semaphore_mem>> -> memref<1x!tpu.dma_semaphore, #tpu.memory_space<semaphore_mem>>
      %dma_wait3A_247 = tpu.memref_squeeze %dma_wait3A_246 : memref<1x!tpu.dma_semaphore, #tpu.memory_space<semaphore_mem>> -> memref<!tpu.dma_semaphore, #tpu.memory_space<semaphore_mem>>
      tpu.wait_indirect_dma semaphore(%dma_wait3A_247 : memref<!tpu.dma_semaphore, #tpu.memory_space<semaphore_mem>>) src(%dma_wait3A_245 : memref<10000x64xf32, #tpu.memory_space<hbm>>) dst(%dma_wait3A_235 : memref<128x64xf32, #tpu.memory_space<vmem>>)
      %dma_start3A_248 = arith.constant 0 : i32
      %dma_start3A_249 = arith.constant 0 : i32
      %dma_start3A_250 = arith.constant 0 : i32
      %dma_start3A_251 = arith.constant 0 : i32
      %dma_start3A_252 = tpu.memref_slice %arg9[%dma_start3A_248, %dma_start3A_250, %dma_start3A_251] : memref<4x128x64xf32, #tpu.memory_space<vmem>> -> memref<1x128x64xf32, #tpu.memory_space<vmem>>
      %dma_start3A_253 = tpu.memref_squeeze %dma_start3A_252 : memref<1x128x64xf32, #tpu.memory_space<vmem>> -> memref<128x64xf32, #tpu.memory_space<vmem>>
      %dma_start3A_254 = arith.constant 0 : i32
      %dma_start3A_255 = tpu.memref_slice %arg8[%add3A_229, %dma_start3A_254] : memref<160x128xi32, #tpu.memory_space<vmem>> -> memref<1x128xi32, #tpu.memory_space<vmem>>
      %dma_start3A_256 = tpu.memref_squeeze %dma_start3A_255 : memref<1x128xi32, #tpu.memory_space<vmem>> -> memref<128xi32, #tpu.memory_space<vmem>>
      %dma_start3A_257 = arith.constant 0 : i32
      %dma_start3A_258 = arith.constant 0 : i32
      %dma_start3A_259 = tpu.memref_slice %arg12[%dma_start3A_257, %dma_start3A_258] : memref<10240x64xf32, #tpu.memory_space<vmem_shared>> -> memref<10240x64xf32, #tpu.memory_space<vmem_shared>>
      %dma_start3A_260 = tpu.memref_slice %arg15[%dma_start3A_249] : memref<4x!tpu.dma_semaphore, #tpu.memory_space<semaphore_mem>> -> memref<1x!tpu.dma_semaphore, #tpu.memory_space<semaphore_mem>>
      %dma_start3A_261 = tpu.memref_squeeze %dma_start3A_260 : memref<1x!tpu.dma_semaphore, #tpu.memory_space<semaphore_mem>> -> memref<!tpu.dma_semaphore, #tpu.memory_space<semaphore_mem>>
      tpu.enqueue_indirect_dma source(%dma_start3A_253 : memref<128x64xf32, #tpu.memory_space<vmem>>) target(%dma_start3A_259 : memref<10240x64xf32, #tpu.memory_space<vmem_shared>>) offsets(%dma_start3A_256 : memref<128xi32, #tpu.memory_space<vmem>>) semaphore(%dma_start3A_261 : memref<!tpu.dma_semaphore, #tpu.memory_space<semaphore_mem>>) {add = true}
      %convert_element_type3A_262 = arith.extui %select_n3A : i1 to i32
      %cond3A_263 = arith.constant 0 : i32
      %cond3A_264 = arith.cmpi ne, %convert_element_type3A_262, %cond3A_263 : i32
      scf.if %cond3A_264 {
        %dma_start3A_381 = arith.constant 0 : i32
        %dma_start3A_382 = tpu.memref_slice %arg8[%add3A_229, %dma_start3A_381] : memref<160x128xi32, #tpu.memory_space<vmem>> -> memref<1x128xi32, #tpu.memory_space<vmem>>
        %dma_start3A_383 = tpu.memref_squeeze %dma_start3A_382 : memref<1x128xi32, #tpu.memory_space<vmem>> -> memref<128xi32, #tpu.memory_space<vmem>>
        %dma_start3A_384 = arith.constant 0 : i32
        %dma_start3A_385 = arith.constant 0 : i32
        %dma_start3A_386 = tpu.memref_slice %arg13[%dma_start3A_384, %dma_start3A_385] : memref<10240x16xf32, #tpu.memory_space<vmem_shared>> -> memref<10240x16xf32, #tpu.memory_space<vmem_shared>>
        tpu.enqueue_indirect_dma source(%arg10 : memref<128x16xf32, #tpu.memory_space<vmem>>) target(%dma_start3A_386 : memref<10240x16xf32, #tpu.memory_space<vmem_shared>>) offsets(%dma_start3A_383 : memref<128xi32, #tpu.memory_space<vmem>>) semaphore(%arg16 : memref<!tpu.dma_semaphore, #tpu.memory_space<semaphore_mem>>) {add = true}
      } else {
      }
      %add3A_265 = arith.constant 1 : i32
      %add3A_266 = arith.addi %mul3A_224, %add3A_265 : i32
      %dma_wait3A_267 = arith.constant 1 : i32
      %dma_wait3A_268 = arith.constant 1 : i32
      %dma_wait3A_269 = arith.constant 0 : i32
      %dma_wait3A_270 = arith.constant 0 : i32
      %dma_wait3A_271 = tpu.memref_slice %arg9[%dma_wait3A_267, %dma_wait3A_269, %dma_wait3A_270] : memref<4x128x64xf32, #tpu.memory_space<vmem>> -> memref<1x128x64xf32, #tpu.memory_space<vmem>>
      %dma_wait3A_272 = tpu.memref_squeeze %dma_wait3A_271 : memref<1x128x64xf32, #tpu.memory_space<vmem>> -> memref<128x64xf32, #tpu.memory_space<vmem>>
      %dma_wait3A_273 = arith.constant 0 : i32
      %dma_wait3A_274 = tpu.memref_slice %arg7[%add3A_266, %dma_wait3A_273] : memref<160x128xi32, #tpu.memory_space<vmem>> -> memref<1x128xi32, #tpu.memory_space<vmem>>
      %dma_wait3A_275 = tpu.memref_squeeze %dma_wait3A_274 : memref<1x128xi32, #tpu.memory_space<vmem>> -> memref<128xi32, #tpu.memory_space<vmem>>
      %dma_wait3A_276 = arith.constant 0 : i32
      %dma_wait3A_277 = arith.constant 0 : i32
      %dma_wait3A_278 = tpu.memref_slice %arg2[%arg0, %dma_wait3A_276, %dma_wait3A_277] : memref<2x10000x64xf32, #tpu.memory_space<hbm>> -> memref<1x10000x64xf32, #tpu.memory_space<hbm>>
      %dma_wait3A_279 = tpu.memref_squeeze %dma_wait3A_278 : memref<1x10000x64xf32, #tpu.memory_space<hbm>> -> memref<10000x64xf32, #tpu.memory_space<hbm>>
      %dma_wait3A_280 = arith.constant 0 : i32
      %dma_wait3A_281 = arith.constant 0 : i32
      %dma_wait3A_282 = tpu.memref_slice %dma_wait3A_279[%dma_wait3A_280, %dma_wait3A_281] : memref<10000x64xf32, #tpu.memory_space<hbm>> -> memref<10000x64xf32, #tpu.memory_space<hbm>>
      %dma_wait3A_283 = tpu.memref_slice %arg14[%dma_wait3A_268] : memref<4x!tpu.dma_semaphore, #tpu.memory_space<semaphore_mem>> -> memref<1x!tpu.dma_semaphore, #tpu.memory_space<semaphore_mem>>
      %dma_wait3A_284 = tpu.memref_squeeze %dma_wait3A_283 : memref<1x!tpu.dma_semaphore, #tpu.memory_space<semaphore_mem>> -> memref<!tpu.dma_semaphore, #tpu.memory_space<semaphore_mem>>
      tpu.wait_indirect_dma semaphore(%dma_wait3A_284 : memref<!tpu.dma_semaphore, #tpu.memory_space<semaphore_mem>>) src(%dma_wait3A_282 : memref<10000x64xf32, #tpu.memory_space<hbm>>) dst(%dma_wait3A_272 : memref<128x64xf32, #tpu.memory_space<vmem>>)
      %dma_start3A_285 = arith.constant 1 : i32
      %dma_start3A_286 = arith.constant 1 : i32
      %dma_start3A_287 = arith.constant 0 : i32
      %dma_start3A_288 = arith.constant 0 : i32
      %dma_start3A_289 = tpu.memref_slice %arg9[%dma_start3A_285, %dma_start3A_287, %dma_start3A_288] : memref<4x128x64xf32, #tpu.memory_space<vmem>> -> memref<1x128x64xf32, #tpu.memory_space<vmem>>
      %dma_start3A_290 = tpu.memref_squeeze %dma_start3A_289 : memref<1x128x64xf32, #tpu.memory_space<vmem>> -> memref<128x64xf32, #tpu.memory_space<vmem>>
      %dma_start3A_291 = arith.constant 0 : i32
      %dma_start3A_292 = tpu.memref_slice %arg8[%add3A_266, %dma_start3A_291] : memref<160x128xi32, #tpu.memory_space<vmem>> -> memref<1x128xi32, #tpu.memory_space<vmem>>
      %dma_start3A_293 = tpu.memref_squeeze %dma_start3A_292 : memref<1x128xi32, #tpu.memory_space<vmem>> -> memref<128xi32, #tpu.memory_space<vmem>>
      %dma_start3A_294 = arith.constant 0 : i32
      %dma_start3A_295 = arith.constant 0 : i32
      %dma_start3A_296 = tpu.memref_slice %arg12[%dma_start3A_294, %dma_start3A_295] : memref<10240x64xf32, #tpu.memory_space<vmem_shared>> -> memref<10240x64xf32, #tpu.memory_space<vmem_shared>>
      %dma_start3A_297 = tpu.memref_slice %arg15[%dma_start3A_286] : memref<4x!tpu.dma_semaphore, #tpu.memory_space<semaphore_mem>> -> memref<1x!tpu.dma_semaphore, #tpu.memory_space<semaphore_mem>>
      %dma_start3A_298 = tpu.memref_squeeze %dma_start3A_297 : memref<1x!tpu.dma_semaphore, #tpu.memory_space<semaphore_mem>> -> memref<!tpu.dma_semaphore, #tpu.memory_space<semaphore_mem>>
      tpu.enqueue_indirect_dma source(%dma_start3A_290 : memref<128x64xf32, #tpu.memory_space<vmem>>) target(%dma_start3A_296 : memref<10240x64xf32, #tpu.memory_space<vmem_shared>>) offsets(%dma_start3A_293 : memref<128xi32, #tpu.memory_space<vmem>>) semaphore(%dma_start3A_298 : memref<!tpu.dma_semaphore, #tpu.memory_space<semaphore_mem>>) {add = true}
      %convert_element_type3A_299 = arith.extui %select_n3A : i1 to i32
      %cond3A_300 = arith.constant 0 : i32
      %cond3A_301 = arith.cmpi ne, %convert_element_type3A_299, %cond3A_300 : i32
      scf.if %cond3A_301 {
        %dma_start3A_381 = arith.constant 0 : i32
        %dma_start3A_382 = tpu.memref_slice %arg8[%add3A_266, %dma_start3A_381] : memref<160x128xi32, #tpu.memory_space<vmem>> -> memref<1x128xi32, #tpu.memory_space<vmem>>
        %dma_start3A_383 = tpu.memref_squeeze %dma_start3A_382 : memref<1x128xi32, #tpu.memory_space<vmem>> -> memref<128xi32, #tpu.memory_space<vmem>>
        %dma_start3A_384 = arith.constant 0 : i32
        %dma_start3A_385 = arith.constant 0 : i32
        %dma_start3A_386 = tpu.memref_slice %arg13[%dma_start3A_384, %dma_start3A_385] : memref<10240x16xf32, #tpu.memory_space<vmem_shared>> -> memref<10240x16xf32, #tpu.memory_space<vmem_shared>>
        tpu.enqueue_indirect_dma source(%arg10 : memref<128x16xf32, #tpu.memory_space<vmem>>) target(%dma_start3A_386 : memref<10240x16xf32, #tpu.memory_space<vmem_shared>>) offsets(%dma_start3A_383 : memref<128xi32, #tpu.memory_space<vmem>>) semaphore(%arg16 : memref<!tpu.dma_semaphore, #tpu.memory_space<semaphore_mem>>) {add = true}
      } else {
      }
      %add3A_302 = arith.constant 2 : i32
      %add3A_303 = arith.addi %mul3A_224, %add3A_302 : i32
      %dma_wait3A_304 = arith.constant 2 : i32
      %dma_wait3A_305 = arith.constant 2 : i32
      %dma_wait3A_306 = arith.constant 0 : i32
      %dma_wait3A_307 = arith.constant 0 : i32
      %dma_wait3A_308 = tpu.memref_slice %arg9[%dma_wait3A_304, %dma_wait3A_306, %dma_wait3A_307] : memref<4x128x64xf32, #tpu.memory_space<vmem>> -> memref<1x128x64xf32, #tpu.memory_space<vmem>>
      %dma_wait3A_309 = tpu.memref_squeeze %dma_wait3A_308 : memref<1x128x64xf32, #tpu.memory_space<vmem>> -> memref<128x64xf32, #tpu.memory_space<vmem>>
      %dma_wait3A_310 = arith.constant 0 : i32
      %dma_wait3A_311 = tpu.memref_slice %arg7[%add3A_303, %dma_wait3A_310] : memref<160x128xi32, #tpu.memory_space<vmem>> -> memref<1x128xi32, #tpu.memory_space<vmem>>
      %dma_wait3A_312 = tpu.memref_squeeze %dma_wait3A_311 : memref<1x128xi32, #tpu.memory_space<vmem>> -> memref<128xi32, #tpu.memory_space<vmem>>
      %dma_wait3A_313 = arith.constant 0 : i32
      %dma_wait3A_314 = arith.constant 0 : i32
      %dma_wait3A_315 = tpu.memref_slice %arg2[%arg0, %dma_wait3A_313, %dma_wait3A_314] : memref<2x10000x64xf32, #tpu.memory_space<hbm>> -> memref<1x10000x64xf32, #tpu.memory_space<hbm>>
      %dma_wait3A_316 = tpu.memref_squeeze %dma_wait3A_315 : memref<1x10000x64xf32, #tpu.memory_space<hbm>> -> memref<10000x64xf32, #tpu.memory_space<hbm>>
      %dma_wait3A_317 = arith.constant 0 : i32
      %dma_wait3A_318 = arith.constant 0 : i32
      %dma_wait3A_319 = tpu.memref_slice %dma_wait3A_316[%dma_wait3A_317, %dma_wait3A_318] : memref<10000x64xf32, #tpu.memory_space<hbm>> -> memref<10000x64xf32, #tpu.memory_space<hbm>>
      %dma_wait3A_320 = tpu.memref_slice %arg14[%dma_wait3A_305] : memref<4x!tpu.dma_semaphore, #tpu.memory_space<semaphore_mem>> -> memref<1x!tpu.dma_semaphore, #tpu.memory_space<semaphore_mem>>
      %dma_wait3A_321 = tpu.memref_squeeze %dma_wait3A_320 : memref<1x!tpu.dma_semaphore, #tpu.memory_space<semaphore_mem>> -> memref<!tpu.dma_semaphore, #tpu.memory_space<semaphore_mem>>
      tpu.wait_indirect_dma semaphore(%dma_wait3A_321 : memref<!tpu.dma_semaphore, #tpu.memory_space<semaphore_mem>>) src(%dma_wait3A_319 : memref<10000x64xf32, #tpu.memory_space<hbm>>) dst(%dma_wait3A_309 : memref<128x64xf32, #tpu.memory_space<vmem>>)
      %dma_start3A_322 = arith.constant 2 : i32
      %dma_start3A_323 = arith.constant 2 : i32
      %dma_start3A_324 = arith.constant 0 : i32
      %dma_start3A_325 = arith.constant 0 : i32
      %dma_start3A_326 = tpu.memref_slice %arg9[%dma_start3A_322, %dma_start3A_324, %dma_start3A_325] : memref<4x128x64xf32, #tpu.memory_space<vmem>> -> memref<1x128x64xf32, #tpu.memory_space<vmem>>
      %dma_start3A_327 = tpu.memref_squeeze %dma_start3A_326 : memref<1x128x64xf32, #tpu.memory_space<vmem>> -> memref<128x64xf32, #tpu.memory_space<vmem>>
      %dma_start3A_328 = arith.constant 0 : i32
      %dma_start3A_329 = tpu.memref_slice %arg8[%add3A_303, %dma_start3A_328] : memref<160x128xi32, #tpu.memory_space<vmem>> -> memref<1x128xi32, #tpu.memory_space<vmem>>
      %dma_start3A_330 = tpu.memref_squeeze %dma_start3A_329 : memref<1x128xi32, #tpu.memory_space<vmem>> -> memref<128xi32, #tpu.memory_space<vmem>>
      %dma_start3A_331 = arith.constant 0 : i32
      %dma_start3A_332 = arith.constant 0 : i32
      %dma_start3A_333 = tpu.memref_slice %arg12[%dma_start3A_331, %dma_start3A_332] : memref<10240x64xf32, #tpu.memory_space<vmem_shared>> -> memref<10240x64xf32, #tpu.memory_space<vmem_shared>>
      %dma_start3A_334 = tpu.memref_slice %arg15[%dma_start3A_323] : memref<4x!tpu.dma_semaphore, #tpu.memory_space<semaphore_mem>> -> memref<1x!tpu.dma_semaphore, #tpu.memory_space<semaphore_mem>>
      %dma_start3A_335 = tpu.memref_squeeze %dma_start3A_334 : memref<1x!tpu.dma_semaphore, #tpu.memory_space<semaphore_mem>> -> memref<!tpu.dma_semaphore, #tpu.memory_space<semaphore_mem>>
      tpu.enqueue_indirect_dma source(%dma_start3A_327 : memref<128x64xf32, #tpu.memory_space<vmem>>) target(%dma_start3A_333 : memref<10240x64xf32, #tpu.memory_space<vmem_shared>>) offsets(%dma_start3A_330 : memref<128xi32, #tpu.memory_space<vmem>>) semaphore(%dma_start3A_335 : memref<!tpu.dma_semaphore, #tpu.memory_space<semaphore_mem>>) {add = true}
      %convert_element_type3A_336 = arith.extui %select_n3A : i1 to i32
      %cond3A_337 = arith.constant 0 : i32
      %cond3A_338 = arith.cmpi ne, %convert_element_type3A_336, %cond3A_337 : i32
      scf.if %cond3A_338 {
        %dma_start3A_381 = arith.constant 0 : i32
        %dma_start3A_382 = tpu.memref_slice %arg8[%add3A_303, %dma_start3A_381] : memref<160x128xi32, #tpu.memory_space<vmem>> -> memref<1x128xi32, #tpu.memory_space<vmem>>
        %dma_start3A_383 = tpu.memref_squeeze %dma_start3A_382 : memref<1x128xi32, #tpu.memory_space<vmem>> -> memref<128xi32, #tpu.memory_space<vmem>>
        %dma_start3A_384 = arith.constant 0 : i32
        %dma_start3A_385 = arith.constant 0 : i32
        %dma_start3A_386 = tpu.memref_slice %arg13[%dma_start3A_384, %dma_start3A_385] : memref<10240x16xf32, #tpu.memory_space<vmem_shared>> -> memref<10240x16xf32, #tpu.memory_space<vmem_shared>>
        tpu.enqueue_indirect_dma source(%arg10 : memref<128x16xf32, #tpu.memory_space<vmem>>) target(%dma_start3A_386 : memref<10240x16xf32, #tpu.memory_space<vmem_shared>>) offsets(%dma_start3A_383 : memref<128xi32, #tpu.memory_space<vmem>>) semaphore(%arg16 : memref<!tpu.dma_semaphore, #tpu.memory_space<semaphore_mem>>) {add = true}
      } else {
      }
      %add3A_339 = arith.constant 3 : i32
      %add3A_340 = arith.addi %mul3A_224, %add3A_339 : i32
      %dma_wait3A_341 = arith.constant 3 : i32
      %dma_wait3A_342 = arith.constant 3 : i32
      %dma_wait3A_343 = arith.constant 0 : i32
      %dma_wait3A_344 = arith.constant 0 : i32
      %dma_wait3A_345 = tpu.memref_slice %arg9[%dma_wait3A_341, %dma_wait3A_343, %dma_wait3A_344] : memref<4x128x64xf32, #tpu.memory_space<vmem>> -> memref<1x128x64xf32, #tpu.memory_space<vmem>>
      %dma_wait3A_346 = tpu.memref_squeeze %dma_wait3A_345 : memref<1x128x64xf32, #tpu.memory_space<vmem>> -> memref<128x64xf32, #tpu.memory_space<vmem>>
      %dma_wait3A_347 = arith.constant 0 : i32
      %dma_wait3A_348 = tpu.memref_slice %arg7[%add3A_340, %dma_wait3A_347] : memref<160x128xi32, #tpu.memory_space<vmem>> -> memref<1x128xi32, #tpu.memory_space<vmem>>
      %dma_wait3A_349 = tpu.memref_squeeze %dma_wait3A_348 : memref<1x128xi32, #tpu.memory_space<vmem>> -> memref<128xi32, #tpu.memory_space<vmem>>
      %dma_wait3A_350 = arith.constant 0 : i32
      %dma_wait3A_351 = arith.constant 0 : i32
      %dma_wait3A_352 = tpu.memref_slice %arg2[%arg0, %dma_wait3A_350, %dma_wait3A_351] : memref<2x10000x64xf32, #tpu.memory_space<hbm>> -> memref<1x10000x64xf32, #tpu.memory_space<hbm>>
      %dma_wait3A_353 = tpu.memref_squeeze %dma_wait3A_352 : memref<1x10000x64xf32, #tpu.memory_space<hbm>> -> memref<10000x64xf32, #tpu.memory_space<hbm>>
      %dma_wait3A_354 = arith.constant 0 : i32
      %dma_wait3A_355 = arith.constant 0 : i32
      %dma_wait3A_356 = tpu.memref_slice %dma_wait3A_353[%dma_wait3A_354, %dma_wait3A_355] : memref<10000x64xf32, #tpu.memory_space<hbm>> -> memref<10000x64xf32, #tpu.memory_space<hbm>>
      %dma_wait3A_357 = tpu.memref_slice %arg14[%dma_wait3A_342] : memref<4x!tpu.dma_semaphore, #tpu.memory_space<semaphore_mem>> -> memref<1x!tpu.dma_semaphore, #tpu.memory_space<semaphore_mem>>
      %dma_wait3A_358 = tpu.memref_squeeze %dma_wait3A_357 : memref<1x!tpu.dma_semaphore, #tpu.memory_space<semaphore_mem>> -> memref<!tpu.dma_semaphore, #tpu.memory_space<semaphore_mem>>
      tpu.wait_indirect_dma semaphore(%dma_wait3A_358 : memref<!tpu.dma_semaphore, #tpu.memory_space<semaphore_mem>>) src(%dma_wait3A_356 : memref<10000x64xf32, #tpu.memory_space<hbm>>) dst(%dma_wait3A_346 : memref<128x64xf32, #tpu.memory_space<vmem>>)
      %dma_start3A_359 = arith.constant 3 : i32
      %dma_start3A_360 = arith.constant 3 : i32
      %dma_start3A_361 = arith.constant 0 : i32
      %dma_start3A_362 = arith.constant 0 : i32
      %dma_start3A_363 = tpu.memref_slice %arg9[%dma_start3A_359, %dma_start3A_361, %dma_start3A_362] : memref<4x128x64xf32, #tpu.memory_space<vmem>> -> memref<1x128x64xf32, #tpu.memory_space<vmem>>
      %dma_start3A_364 = tpu.memref_squeeze %dma_start3A_363 : memref<1x128x64xf32, #tpu.memory_space<vmem>> -> memref<128x64xf32, #tpu.memory_space<vmem>>
      %dma_start3A_365 = arith.constant 0 : i32
      %dma_start3A_366 = tpu.memref_slice %arg8[%add3A_340, %dma_start3A_365] : memref<160x128xi32, #tpu.memory_space<vmem>> -> memref<1x128xi32, #tpu.memory_space<vmem>>
      %dma_start3A_367 = tpu.memref_squeeze %dma_start3A_366 : memref<1x128xi32, #tpu.memory_space<vmem>> -> memref<128xi32, #tpu.memory_space<vmem>>
      %dma_start3A_368 = arith.constant 0 : i32
      %dma_start3A_369 = arith.constant 0 : i32
      %dma_start3A_370 = tpu.memref_slice %arg12[%dma_start3A_368, %dma_start3A_369] : memref<10240x64xf32, #tpu.memory_space<vmem_shared>> -> memref<10240x64xf32, #tpu.memory_space<vmem_shared>>
      %dma_start3A_371 = tpu.memref_slice %arg15[%dma_start3A_360] : memref<4x!tpu.dma_semaphore, #tpu.memory_space<semaphore_mem>> -> memref<1x!tpu.dma_semaphore, #tpu.memory_space<semaphore_mem>>
      %dma_start3A_372 = tpu.memref_squeeze %dma_start3A_371 : memref<1x!tpu.dma_semaphore, #tpu.memory_space<semaphore_mem>> -> memref<!tpu.dma_semaphore, #tpu.memory_space<semaphore_mem>>
      tpu.enqueue_indirect_dma source(%dma_start3A_364 : memref<128x64xf32, #tpu.memory_space<vmem>>) target(%dma_start3A_370 : memref<10240x64xf32, #tpu.memory_space<vmem_shared>>) offsets(%dma_start3A_367 : memref<128xi32, #tpu.memory_space<vmem>>) semaphore(%dma_start3A_372 : memref<!tpu.dma_semaphore, #tpu.memory_space<semaphore_mem>>) {add = true}
      %convert_element_type3A_373 = arith.extui %select_n3A : i1 to i32
      %cond3A_374 = arith.constant 0 : i32
      %cond3A_375 = arith.cmpi ne, %convert_element_type3A_373, %cond3A_374 : i32
      scf.if %cond3A_375 {
        %dma_start3A_381 = arith.constant 0 : i32
        %dma_start3A_382 = tpu.memref_slice %arg8[%add3A_340, %dma_start3A_381] : memref<160x128xi32, #tpu.memory_space<vmem>> -> memref<1x128xi32, #tpu.memory_space<vmem>>
        %dma_start3A_383 = tpu.memref_squeeze %dma_start3A_382 : memref<1x128xi32, #tpu.memory_space<vmem>> -> memref<128xi32, #tpu.memory_space<vmem>>
        %dma_start3A_384 = arith.constant 0 : i32
        %dma_start3A_385 = arith.constant 0 : i32
        %dma_start3A_386 = tpu.memref_slice %arg13[%dma_start3A_384, %dma_start3A_385] : memref<10240x16xf32, #tpu.memory_space<vmem_shared>> -> memref<10240x16xf32, #tpu.memory_space<vmem_shared>>
        tpu.enqueue_indirect_dma source(%arg10 : memref<128x16xf32, #tpu.memory_space<vmem>>) target(%dma_start3A_386 : memref<10240x16xf32, #tpu.memory_space<vmem_shared>>) offsets(%dma_start3A_383 : memref<128xi32, #tpu.memory_space<vmem>>) semaphore(%arg16 : memref<!tpu.dma_semaphore, #tpu.memory_space<semaphore_mem>>) {add = true}
      } else {
      }
      %lt3A_376 = arith.constant 39 : i32
      %lt3A_377 = arith.cmpi slt, %scan3A_222, %lt3A_376 : i32
      %convert_element_type3A_378 = arith.extui %lt3A_377 : i1 to i32
      %cond3A_379 = arith.constant 0 : i32
      %cond3A_380 = arith.cmpi ne, %convert_element_type3A_378, %cond3A_379 : i32
      scf.if %cond3A_380 {
        %add3A_381 = arith.constant 0 : i32
        %add3A_382 = arith.addi %mul3A_224, %add3A_381 : i32
        %dma_wait3A_383 = arith.constant 0 : i32
        %dma_wait3A_384 = arith.constant 0 : i32
        %dma_wait3A_385 = arith.constant 0 : i32
        %dma_wait3A_386 = arith.constant 0 : i32
        %dma_wait3A_387 = tpu.memref_slice %arg9[%dma_wait3A_383, %dma_wait3A_385, %dma_wait3A_386] : memref<4x128x64xf32, #tpu.memory_space<vmem>> -> memref<1x128x64xf32, #tpu.memory_space<vmem>>
        %dma_wait3A_388 = tpu.memref_squeeze %dma_wait3A_387 : memref<1x128x64xf32, #tpu.memory_space<vmem>> -> memref<128x64xf32, #tpu.memory_space<vmem>>
        %dma_wait3A_389 = arith.constant 0 : i32
        %dma_wait3A_390 = tpu.memref_slice %arg8[%add3A_382, %dma_wait3A_389] : memref<160x128xi32, #tpu.memory_space<vmem>> -> memref<1x128xi32, #tpu.memory_space<vmem>>
        %dma_wait3A_391 = tpu.memref_squeeze %dma_wait3A_390 : memref<1x128xi32, #tpu.memory_space<vmem>> -> memref<128xi32, #tpu.memory_space<vmem>>
        %dma_wait3A_392 = arith.constant 0 : i32
        %dma_wait3A_393 = arith.constant 0 : i32
        %dma_wait3A_394 = tpu.memref_slice %arg12[%dma_wait3A_392, %dma_wait3A_393] : memref<10240x64xf32, #tpu.memory_space<vmem_shared>> -> memref<10240x64xf32, #tpu.memory_space<vmem_shared>>
        %dma_wait3A_395 = tpu.memref_slice %arg15[%dma_wait3A_384] : memref<4x!tpu.dma_semaphore, #tpu.memory_space<semaphore_mem>> -> memref<1x!tpu.dma_semaphore, #tpu.memory_space<semaphore_mem>>
        %dma_wait3A_396 = tpu.memref_squeeze %dma_wait3A_395 : memref<1x!tpu.dma_semaphore, #tpu.memory_space<semaphore_mem>> -> memref<!tpu.dma_semaphore, #tpu.memory_space<semaphore_mem>>
        tpu.wait_indirect_dma semaphore(%dma_wait3A_396 : memref<!tpu.dma_semaphore, #tpu.memory_space<semaphore_mem>>) src(%dma_wait3A_388 : memref<128x64xf32, #tpu.memory_space<vmem>>) dst(%dma_wait3A_394 : memref<10240x64xf32, #tpu.memory_space<vmem_shared>>)
        %add3A_397 = arith.constant 4 : i32
        %add3A_398 = arith.addi %add3A_382, %add3A_397 : i32
        %dma_start3A_399 = arith.constant 0 : i32
        %dma_start3A_400 = arith.constant 0 : i32
        %dma_start3A_401 = arith.constant 0 : i32
        %dma_start3A_402 = arith.constant 0 : i32
        %dma_start3A_403 = tpu.memref_slice %arg9[%dma_start3A_399, %dma_start3A_401, %dma_start3A_402] : memref<4x128x64xf32, #tpu.memory_space<vmem>> -> memref<1x128x64xf32, #tpu.memory_space<vmem>>
        %dma_start3A_404 = tpu.memref_squeeze %dma_start3A_403 : memref<1x128x64xf32, #tpu.memory_space<vmem>> -> memref<128x64xf32, #tpu.memory_space<vmem>>
        %dma_start3A_405 = arith.constant 0 : i32
        %dma_start3A_406 = tpu.memref_slice %arg7[%add3A_398, %dma_start3A_405] : memref<160x128xi32, #tpu.memory_space<vmem>> -> memref<1x128xi32, #tpu.memory_space<vmem>>
        %dma_start3A_407 = tpu.memref_squeeze %dma_start3A_406 : memref<1x128xi32, #tpu.memory_space<vmem>> -> memref<128xi32, #tpu.memory_space<vmem>>
        %dma_start3A_408 = arith.constant 0 : i32
        %dma_start3A_409 = arith.constant 0 : i32
        %dma_start3A_410 = tpu.memref_slice %arg2[%arg0, %dma_start3A_408, %dma_start3A_409] : memref<2x10000x64xf32, #tpu.memory_space<hbm>> -> memref<1x10000x64xf32, #tpu.memory_space<hbm>>
        %dma_start3A_411 = tpu.memref_squeeze %dma_start3A_410 : memref<1x10000x64xf32, #tpu.memory_space<hbm>> -> memref<10000x64xf32, #tpu.memory_space<hbm>>
        %dma_start3A_412 = arith.constant 0 : i32
        %dma_start3A_413 = arith.constant 0 : i32
        %dma_start3A_414 = tpu.memref_slice %dma_start3A_411[%dma_start3A_412, %dma_start3A_413] : memref<10000x64xf32, #tpu.memory_space<hbm>> -> memref<10000x64xf32, #tpu.memory_space<hbm>>
        %dma_start3A_415 = tpu.memref_slice %arg14[%dma_start3A_400] : memref<4x!tpu.dma_semaphore, #tpu.memory_space<semaphore_mem>> -> memref<1x!tpu.dma_semaphore, #tpu.memory_space<semaphore_mem>>
        %dma_start3A_416 = tpu.memref_squeeze %dma_start3A_415 : memref<1x!tpu.dma_semaphore, #tpu.memory_space<semaphore_mem>> -> memref<!tpu.dma_semaphore, #tpu.memory_space<semaphore_mem>>
        tpu.enqueue_indirect_dma source(%dma_start3A_414 : memref<10000x64xf32, #tpu.memory_space<hbm>>) target(%dma_start3A_404 : memref<128x64xf32, #tpu.memory_space<vmem>>) offsets(%dma_start3A_407 : memref<128xi32, #tpu.memory_space<vmem>>) semaphore(%dma_start3A_416 : memref<!tpu.dma_semaphore, #tpu.memory_space<semaphore_mem>>)
        %add3A_417 = arith.constant 1 : i32
        %add3A_418 = arith.addi %mul3A_224, %add3A_417 : i32
        %dma_wait3A_419 = arith.constant 1 : i32
        %dma_wait3A_420 = arith.constant 1 : i32
        %dma_wait3A_421 = arith.constant 0 : i32
        %dma_wait3A_422 = arith.constant 0 : i32
        %dma_wait3A_423 = tpu.memref_slice %arg9[%dma_wait3A_419, %dma_wait3A_421, %dma_wait3A_422] : memref<4x128x64xf32, #tpu.memory_space<vmem>> -> memref<1x128x64xf32, #tpu.memory_space<vmem>>
        %dma_wait3A_424 = tpu.memref_squeeze %dma_wait3A_423 : memref<1x128x64xf32, #tpu.memory_space<vmem>> -> memref<128x64xf32, #tpu.memory_space<vmem>>
        %dma_wait3A_425 = arith.constant 0 : i32
        %dma_wait3A_426 = tpu.memref_slice %arg8[%add3A_418, %dma_wait3A_425] : memref<160x128xi32, #tpu.memory_space<vmem>> -> memref<1x128xi32, #tpu.memory_space<vmem>>
        %dma_wait3A_427 = tpu.memref_squeeze %dma_wait3A_426 : memref<1x128xi32, #tpu.memory_space<vmem>> -> memref<128xi32, #tpu.memory_space<vmem>>
        %dma_wait3A_428 = arith.constant 0 : i32
        %dma_wait3A_429 = arith.constant 0 : i32
        %dma_wait3A_430 = tpu.memref_slice %arg12[%dma_wait3A_428, %dma_wait3A_429] : memref<10240x64xf32, #tpu.memory_space<vmem_shared>> -> memref<10240x64xf32, #tpu.memory_space<vmem_shared>>
        %dma_wait3A_431 = tpu.memref_slice %arg15[%dma_wait3A_420] : memref<4x!tpu.dma_semaphore, #tpu.memory_space<semaphore_mem>> -> memref<1x!tpu.dma_semaphore, #tpu.memory_space<semaphore_mem>>
        %dma_wait3A_432 = tpu.memref_squeeze %dma_wait3A_431 : memref<1x!tpu.dma_semaphore, #tpu.memory_space<semaphore_mem>> -> memref<!tpu.dma_semaphore, #tpu.memory_space<semaphore_mem>>
        tpu.wait_indirect_dma semaphore(%dma_wait3A_432 : memref<!tpu.dma_semaphore, #tpu.memory_space<semaphore_mem>>) src(%dma_wait3A_424 : memref<128x64xf32, #tpu.memory_space<vmem>>) dst(%dma_wait3A_430 : memref<10240x64xf32, #tpu.memory_space<vmem_shared>>)
        %add3A_433 = arith.constant 4 : i32
        %add3A_434 = arith.addi %add3A_418, %add3A_433 : i32
        %dma_start3A_435 = arith.constant 1 : i32
        %dma_start3A_436 = arith.constant 1 : i32
        %dma_start3A_437 = arith.constant 0 : i32
        %dma_start3A_438 = arith.constant 0 : i32
        %dma_start3A_439 = tpu.memref_slice %arg9[%dma_start3A_435, %dma_start3A_437, %dma_start3A_438] : memref<4x128x64xf32, #tpu.memory_space<vmem>> -> memref<1x128x64xf32, #tpu.memory_space<vmem>>
        %dma_start3A_440 = tpu.memref_squeeze %dma_start3A_439 : memref<1x128x64xf32, #tpu.memory_space<vmem>> -> memref<128x64xf32, #tpu.memory_space<vmem>>
        %dma_start3A_441 = arith.constant 0 : i32
        %dma_start3A_442 = tpu.memref_slice %arg7[%add3A_434, %dma_start3A_441] : memref<160x128xi32, #tpu.memory_space<vmem>> -> memref<1x128xi32, #tpu.memory_space<vmem>>
        %dma_start3A_443 = tpu.memref_squeeze %dma_start3A_442 : memref<1x128xi32, #tpu.memory_space<vmem>> -> memref<128xi32, #tpu.memory_space<vmem>>
        %dma_start3A_444 = arith.constant 0 : i32
        %dma_start3A_445 = arith.constant 0 : i32
        %dma_start3A_446 = tpu.memref_slice %arg2[%arg0, %dma_start3A_444, %dma_start3A_445] : memref<2x10000x64xf32, #tpu.memory_space<hbm>> -> memref<1x10000x64xf32, #tpu.memory_space<hbm>>
        %dma_start3A_447 = tpu.memref_squeeze %dma_start3A_446 : memref<1x10000x64xf32, #tpu.memory_space<hbm>> -> memref<10000x64xf32, #tpu.memory_space<hbm>>
        %dma_start3A_448 = arith.constant 0 : i32
        %dma_start3A_449 = arith.constant 0 : i32
        %dma_start3A_450 = tpu.memref_slice %dma_start3A_447[%dma_start3A_448, %dma_start3A_449] : memref<10000x64xf32, #tpu.memory_space<hbm>> -> memref<10000x64xf32, #tpu.memory_space<hbm>>
        %dma_start3A_451 = tpu.memref_slice %arg14[%dma_start3A_436] : memref<4x!tpu.dma_semaphore, #tpu.memory_space<semaphore_mem>> -> memref<1x!tpu.dma_semaphore, #tpu.memory_space<semaphore_mem>>
        %dma_start3A_452 = tpu.memref_squeeze %dma_start3A_451 : memref<1x!tpu.dma_semaphore, #tpu.memory_space<semaphore_mem>> -> memref<!tpu.dma_semaphore, #tpu.memory_space<semaphore_mem>>
        tpu.enqueue_indirect_dma source(%dma_start3A_450 : memref<10000x64xf32, #tpu.memory_space<hbm>>) target(%dma_start3A_440 : memref<128x64xf32, #tpu.memory_space<vmem>>) offsets(%dma_start3A_443 : memref<128xi32, #tpu.memory_space<vmem>>) semaphore(%dma_start3A_452 : memref<!tpu.dma_semaphore, #tpu.memory_space<semaphore_mem>>)
        %add3A_453 = arith.constant 2 : i32
        %add3A_454 = arith.addi %mul3A_224, %add3A_453 : i32
        %dma_wait3A_455 = arith.constant 2 : i32
        %dma_wait3A_456 = arith.constant 2 : i32
        %dma_wait3A_457 = arith.constant 0 : i32
        %dma_wait3A_458 = arith.constant 0 : i32
        %dma_wait3A_459 = tpu.memref_slice %arg9[%dma_wait3A_455, %dma_wait3A_457, %dma_wait3A_458] : memref<4x128x64xf32, #tpu.memory_space<vmem>> -> memref<1x128x64xf32, #tpu.memory_space<vmem>>
        %dma_wait3A_460 = tpu.memref_squeeze %dma_wait3A_459 : memref<1x128x64xf32, #tpu.memory_space<vmem>> -> memref<128x64xf32, #tpu.memory_space<vmem>>
        %dma_wait3A_461 = arith.constant 0 : i32
        %dma_wait3A_462 = tpu.memref_slice %arg8[%add3A_454, %dma_wait3A_461] : memref<160x128xi32, #tpu.memory_space<vmem>> -> memref<1x128xi32, #tpu.memory_space<vmem>>
        %dma_wait3A_463 = tpu.memref_squeeze %dma_wait3A_462 : memref<1x128xi32, #tpu.memory_space<vmem>> -> memref<128xi32, #tpu.memory_space<vmem>>
        %dma_wait3A_464 = arith.constant 0 : i32
        %dma_wait3A_465 = arith.constant 0 : i32
        %dma_wait3A_466 = tpu.memref_slice %arg12[%dma_wait3A_464, %dma_wait3A_465] : memref<10240x64xf32, #tpu.memory_space<vmem_shared>> -> memref<10240x64xf32, #tpu.memory_space<vmem_shared>>
        %dma_wait3A_467 = tpu.memref_slice %arg15[%dma_wait3A_456] : memref<4x!tpu.dma_semaphore, #tpu.memory_space<semaphore_mem>> -> memref<1x!tpu.dma_semaphore, #tpu.memory_space<semaphore_mem>>
        %dma_wait3A_468 = tpu.memref_squeeze %dma_wait3A_467 : memref<1x!tpu.dma_semaphore, #tpu.memory_space<semaphore_mem>> -> memref<!tpu.dma_semaphore, #tpu.memory_space<semaphore_mem>>
        tpu.wait_indirect_dma semaphore(%dma_wait3A_468 : memref<!tpu.dma_semaphore, #tpu.memory_space<semaphore_mem>>) src(%dma_wait3A_460 : memref<128x64xf32, #tpu.memory_space<vmem>>) dst(%dma_wait3A_466 : memref<10240x64xf32, #tpu.memory_space<vmem_shared>>)
        %add3A_469 = arith.constant 4 : i32
        %add3A_470 = arith.addi %add3A_454, %add3A_469 : i32
        %dma_start3A_471 = arith.constant 2 : i32
        %dma_start3A_472 = arith.constant 2 : i32
        %dma_start3A_473 = arith.constant 0 : i32
        %dma_start3A_474 = arith.constant 0 : i32
        %dma_start3A_475 = tpu.memref_slice %arg9[%dma_start3A_471, %dma_start3A_473, %dma_start3A_474] : memref<4x128x64xf32, #tpu.memory_space<vmem>> -> memref<1x128x64xf32, #tpu.memory_space<vmem>>
        %dma_start3A_476 = tpu.memref_squeeze %dma_start3A_475 : memref<1x128x64xf32, #tpu.memory_space<vmem>> -> memref<128x64xf32, #tpu.memory_space<vmem>>
        %dma_start3A_477 = arith.constant 0 : i32
        %dma_start3A_478 = tpu.memref_slice %arg7[%add3A_470, %dma_start3A_477] : memref<160x128xi32, #tpu.memory_space<vmem>> -> memref<1x128xi32, #tpu.memory_space<vmem>>
        %dma_start3A_479 = tpu.memref_squeeze %dma_start3A_478 : memref<1x128xi32, #tpu.memory_space<vmem>> -> memref<128xi32, #tpu.memory_space<vmem>>
        %dma_start3A_480 = arith.constant 0 : i32
        %dma_start3A_481 = arith.constant 0 : i32
        %dma_start3A_482 = tpu.memref_slice %arg2[%arg0, %dma_start3A_480, %dma_start3A_481] : memref<2x10000x64xf32, #tpu.memory_space<hbm>> -> memref<1x10000x64xf32, #tpu.memory_space<hbm>>
        %dma_start3A_483 = tpu.memref_squeeze %dma_start3A_482 : memref<1x10000x64xf32, #tpu.memory_space<hbm>> -> memref<10000x64xf32, #tpu.memory_space<hbm>>
        %dma_start3A_484 = arith.constant 0 : i32
        %dma_start3A_485 = arith.constant 0 : i32
        %dma_start3A_486 = tpu.memref_slice %dma_start3A_483[%dma_start3A_484, %dma_start3A_485] : memref<10000x64xf32, #tpu.memory_space<hbm>> -> memref<10000x64xf32, #tpu.memory_space<hbm>>
        %dma_start3A_487 = tpu.memref_slice %arg14[%dma_start3A_472] : memref<4x!tpu.dma_semaphore, #tpu.memory_space<semaphore_mem>> -> memref<1x!tpu.dma_semaphore, #tpu.memory_space<semaphore_mem>>
        %dma_start3A_488 = tpu.memref_squeeze %dma_start3A_487 : memref<1x!tpu.dma_semaphore, #tpu.memory_space<semaphore_mem>> -> memref<!tpu.dma_semaphore, #tpu.memory_space<semaphore_mem>>
        tpu.enqueue_indirect_dma source(%dma_start3A_486 : memref<10000x64xf32, #tpu.memory_space<hbm>>) target(%dma_start3A_476 : memref<128x64xf32, #tpu.memory_space<vmem>>) offsets(%dma_start3A_479 : memref<128xi32, #tpu.memory_space<vmem>>) semaphore(%dma_start3A_488 : memref<!tpu.dma_semaphore, #tpu.memory_space<semaphore_mem>>)
        %add3A_489 = arith.constant 3 : i32
        %add3A_490 = arith.addi %mul3A_224, %add3A_489 : i32
        %dma_wait3A_491 = arith.constant 3 : i32
        %dma_wait3A_492 = arith.constant 3 : i32
        %dma_wait3A_493 = arith.constant 0 : i32
        %dma_wait3A_494 = arith.constant 0 : i32
        %dma_wait3A_495 = tpu.memref_slice %arg9[%dma_wait3A_491, %dma_wait3A_493, %dma_wait3A_494] : memref<4x128x64xf32, #tpu.memory_space<vmem>> -> memref<1x128x64xf32, #tpu.memory_space<vmem>>
        %dma_wait3A_496 = tpu.memref_squeeze %dma_wait3A_495 : memref<1x128x64xf32, #tpu.memory_space<vmem>> -> memref<128x64xf32, #tpu.memory_space<vmem>>
        %dma_wait3A_497 = arith.constant 0 : i32
        %dma_wait3A_498 = tpu.memref_slice %arg8[%add3A_490, %dma_wait3A_497] : memref<160x128xi32, #tpu.memory_space<vmem>> -> memref<1x128xi32, #tpu.memory_space<vmem>>
        %dma_wait3A_499 = tpu.memref_squeeze %dma_wait3A_498 : memref<1x128xi32, #tpu.memory_space<vmem>> -> memref<128xi32, #tpu.memory_space<vmem>>
        %dma_wait3A_500 = arith.constant 0 : i32
        %dma_wait3A_501 = arith.constant 0 : i32
        %dma_wait3A_502 = tpu.memref_slice %arg12[%dma_wait3A_500, %dma_wait3A_501] : memref<10240x64xf32, #tpu.memory_space<vmem_shared>> -> memref<10240x64xf32, #tpu.memory_space<vmem_shared>>
        %dma_wait3A_503 = tpu.memref_slice %arg15[%dma_wait3A_492] : memref<4x!tpu.dma_semaphore, #tpu.memory_space<semaphore_mem>> -> memref<1x!tpu.dma_semaphore, #tpu.memory_space<semaphore_mem>>
        %dma_wait3A_504 = tpu.memref_squeeze %dma_wait3A_503 : memref<1x!tpu.dma_semaphore, #tpu.memory_space<semaphore_mem>> -> memref<!tpu.dma_semaphore, #tpu.memory_space<semaphore_mem>>
        tpu.wait_indirect_dma semaphore(%dma_wait3A_504 : memref<!tpu.dma_semaphore, #tpu.memory_space<semaphore_mem>>) src(%dma_wait3A_496 : memref<128x64xf32, #tpu.memory_space<vmem>>) dst(%dma_wait3A_502 : memref<10240x64xf32, #tpu.memory_space<vmem_shared>>)
        %add3A_505 = arith.constant 4 : i32
        %add3A_506 = arith.addi %add3A_490, %add3A_505 : i32
        %dma_start3A_507 = arith.constant 3 : i32
        %dma_start3A_508 = arith.constant 3 : i32
        %dma_start3A_509 = arith.constant 0 : i32
        %dma_start3A_510 = arith.constant 0 : i32
        %dma_start3A_511 = tpu.memref_slice %arg9[%dma_start3A_507, %dma_start3A_509, %dma_start3A_510] : memref<4x128x64xf32, #tpu.memory_space<vmem>> -> memref<1x128x64xf32, #tpu.memory_space<vmem>>
        %dma_start3A_512 = tpu.memref_squeeze %dma_start3A_511 : memref<1x128x64xf32, #tpu.memory_space<vmem>> -> memref<128x64xf32, #tpu.memory_space<vmem>>
        %dma_start3A_513 = arith.constant 0 : i32
        %dma_start3A_514 = tpu.memref_slice %arg7[%add3A_506, %dma_start3A_513] : memref<160x128xi32, #tpu.memory_space<vmem>> -> memref<1x128xi32, #tpu.memory_space<vmem>>
        %dma_start3A_515 = tpu.memref_squeeze %dma_start3A_514 : memref<1x128xi32, #tpu.memory_space<vmem>> -> memref<128xi32, #tpu.memory_space<vmem>>
        %dma_start3A_516 = arith.constant 0 : i32
        %dma_start3A_517 = arith.constant 0 : i32
        %dma_start3A_518 = tpu.memref_slice %arg2[%arg0, %dma_start3A_516, %dma_start3A_517] : memref<2x10000x64xf32, #tpu.memory_space<hbm>> -> memref<1x10000x64xf32, #tpu.memory_space<hbm>>
        %dma_start3A_519 = tpu.memref_squeeze %dma_start3A_518 : memref<1x10000x64xf32, #tpu.memory_space<hbm>> -> memref<10000x64xf32, #tpu.memory_space<hbm>>
        %dma_start3A_520 = arith.constant 0 : i32
        %dma_start3A_521 = arith.constant 0 : i32
        %dma_start3A_522 = tpu.memref_slice %dma_start3A_519[%dma_start3A_520, %dma_start3A_521] : memref<10000x64xf32, #tpu.memory_space<hbm>> -> memref<10000x64xf32, #tpu.memory_space<hbm>>
        %dma_start3A_523 = tpu.memref_slice %arg14[%dma_start3A_508] : memref<4x!tpu.dma_semaphore, #tpu.memory_space<semaphore_mem>> -> memref<1x!tpu.dma_semaphore, #tpu.memory_space<semaphore_mem>>
        %dma_start3A_524 = tpu.memref_squeeze %dma_start3A_523 : memref<1x!tpu.dma_semaphore, #tpu.memory_space<semaphore_mem>> -> memref<!tpu.dma_semaphore, #tpu.memory_space<semaphore_mem>>
        tpu.enqueue_indirect_dma source(%dma_start3A_522 : memref<10000x64xf32, #tpu.memory_space<hbm>>) target(%dma_start3A_512 : memref<128x64xf32, #tpu.memory_space<vmem>>) offsets(%dma_start3A_515 : memref<128xi32, #tpu.memory_space<vmem>>) semaphore(%dma_start3A_524 : memref<!tpu.dma_semaphore, #tpu.memory_space<semaphore_mem>>)
        %convert_element_type3A_525 = arith.extui %select_n3A : i1 to i32
        %cond3A_526 = arith.constant 0 : i32
        %cond3A_527 = arith.cmpi ne, %convert_element_type3A_525, %cond3A_526 : i32
        scf.if %cond3A_527 {
          %add3A_528 = arith.constant 0 : i32
          %add3A_529 = arith.addi %mul3A_224, %add3A_528 : i32
          %dma_wait3A_530 = arith.constant 0 : i32
          %dma_wait3A_531 = tpu.memref_slice %arg8[%add3A_529, %dma_wait3A_530] : memref<160x128xi32, #tpu.memory_space<vmem>> -> memref<1x128xi32, #tpu.memory_space<vmem>>
          %dma_wait3A_532 = tpu.memref_squeeze %dma_wait3A_531 : memref<1x128xi32, #tpu.memory_space<vmem>> -> memref<128xi32, #tpu.memory_space<vmem>>
          %dma_wait3A_533 = arith.constant 0 : i32
          %dma_wait3A_534 = arith.constant 0 : i32
          %dma_wait3A_535 = tpu.memref_slice %arg13[%dma_wait3A_533, %dma_wait3A_534] : memref<10240x16xf32, #tpu.memory_space<vmem_shared>> -> memref<10240x16xf32, #tpu.memory_space<vmem_shared>>
          tpu.wait_indirect_dma semaphore(%arg16 : memref<!tpu.dma_semaphore, #tpu.memory_space<semaphore_mem>>) src(%arg10 : memref<128x16xf32, #tpu.memory_space<vmem>>) dst(%dma_wait3A_535 : memref<10240x16xf32, #tpu.memory_space<vmem_shared>>)
          %add3A_536 = arith.constant 1 : i32
          %add3A_537 = arith.addi %mul3A_224, %add3A_536 : i32
          %dma_wait3A_538 = arith.constant 0 : i32
          %dma_wait3A_539 = tpu.memref_slice %arg8[%add3A_537, %dma_wait3A_538] : memref<160x128xi32, #tpu.memory_space<vmem>> -> memref<1x128xi32, #tpu.memory_space<vmem>>
          %dma_wait3A_540 = tpu.memref_squeeze %dma_wait3A_539 : memref<1x128xi32, #tpu.memory_space<vmem>> -> memref<128xi32, #tpu.memory_space<vmem>>
          %dma_wait3A_541 = arith.constant 0 : i32
          %dma_wait3A_542 = arith.constant 0 : i32
          %dma_wait3A_543 = tpu.memref_slice %arg13[%dma_wait3A_541, %dma_wait3A_542] : memref<10240x16xf32, #tpu.memory_space<vmem_shared>> -> memref<10240x16xf32, #tpu.memory_space<vmem_shared>>
          tpu.wait_indirect_dma semaphore(%arg16 : memref<!tpu.dma_semaphore, #tpu.memory_space<semaphore_mem>>) src(%arg10 : memref<128x16xf32, #tpu.memory_space<vmem>>) dst(%dma_wait3A_543 : memref<10240x16xf32, #tpu.memory_space<vmem_shared>>)
          %add3A_544 = arith.constant 2 : i32
          %add3A_545 = arith.addi %mul3A_224, %add3A_544 : i32
          %dma_wait3A_546 = arith.constant 0 : i32
          %dma_wait3A_547 = tpu.memref_slice %arg8[%add3A_545, %dma_wait3A_546] : memref<160x128xi32, #tpu.memory_space<vmem>> -> memref<1x128xi32, #tpu.memory_space<vmem>>
          %dma_wait3A_548 = tpu.memref_squeeze %dma_wait3A_547 : memref<1x128xi32, #tpu.memory_space<vmem>> -> memref<128xi32, #tpu.memory_space<vmem>>
          %dma_wait3A_549 = arith.constant 0 : i32
          %dma_wait3A_550 = arith.constant 0 : i32
          %dma_wait3A_551 = tpu.memref_slice %arg13[%dma_wait3A_549, %dma_wait3A_550] : memref<10240x16xf32, #tpu.memory_space<vmem_shared>> -> memref<10240x16xf32, #tpu.memory_space<vmem_shared>>
          tpu.wait_indirect_dma semaphore(%arg16 : memref<!tpu.dma_semaphore, #tpu.memory_space<semaphore_mem>>) src(%arg10 : memref<128x16xf32, #tpu.memory_space<vmem>>) dst(%dma_wait3A_551 : memref<10240x16xf32, #tpu.memory_space<vmem_shared>>)
          %add3A_552 = arith.constant 3 : i32
          %add3A_553 = arith.addi %mul3A_224, %add3A_552 : i32
          %dma_wait3A_554 = arith.constant 0 : i32
          %dma_wait3A_555 = tpu.memref_slice %arg8[%add3A_553, %dma_wait3A_554] : memref<160x128xi32, #tpu.memory_space<vmem>> -> memref<1x128xi32, #tpu.memory_space<vmem>>
          %dma_wait3A_556 = tpu.memref_squeeze %dma_wait3A_555 : memref<1x128xi32, #tpu.memory_space<vmem>> -> memref<128xi32, #tpu.memory_space<vmem>>
          %dma_wait3A_557 = arith.constant 0 : i32
          %dma_wait3A_558 = arith.constant 0 : i32
          %dma_wait3A_559 = tpu.memref_slice %arg13[%dma_wait3A_557, %dma_wait3A_558] : memref<10240x16xf32, #tpu.memory_space<vmem_shared>> -> memref<10240x16xf32, #tpu.memory_space<vmem_shared>>
          tpu.wait_indirect_dma semaphore(%arg16 : memref<!tpu.dma_semaphore, #tpu.memory_space<semaphore_mem>>) src(%arg10 : memref<128x16xf32, #tpu.memory_space<vmem>>) dst(%dma_wait3A_559 : memref<10240x16xf32, #tpu.memory_space<vmem_shared>>)
        } else {
        }
      } else {
      }
    }
    %scan3A_136 = arith.constant 40 : i32
    %dma_wait3A = arith.constant 0 : i32
    %dma_wait3A_137 = arith.constant 156 : i32
    %dma_wait3A_138 = arith.constant 0 : i32
    %dma_wait3A_139 = arith.constant 0 : i32
    %dma_wait3A_140 = arith.constant 0 : i32
    %dma_wait3A_141 = tpu.memref_slice %arg9[%dma_wait3A, %dma_wait3A_139, %dma_wait3A_140] : memref<4x128x64xf32, #tpu.memory_space<vmem>> -> memref<1x128x64xf32, #tpu.memory_space<vmem>>
    %dma_wait3A_142 = tpu.memref_squeeze %dma_wait3A_141 : memref<1x128x64xf32, #tpu.memory_space<vmem>> -> memref<128x64xf32, #tpu.memory_space<vmem>>
    %dma_wait3A_143 = arith.constant 0 : i32
    %dma_wait3A_144 = tpu.memref_slice %arg8[%dma_wait3A_137, %dma_wait3A_143] : memref<160x128xi32, #tpu.memory_space<vmem>> -> memref<1x128xi32, #tpu.memory_space<vmem>>
    %dma_wait3A_145 = tpu.memref_squeeze %dma_wait3A_144 : memref<1x128xi32, #tpu.memory_space<vmem>> -> memref<128xi32, #tpu.memory_space<vmem>>
    %dma_wait3A_146 = arith.constant 0 : i32
    %dma_wait3A_147 = arith.constant 0 : i32
    %dma_wait3A_148 = tpu.memref_slice %arg12[%dma_wait3A_146, %dma_wait3A_147] : memref<10240x64xf32, #tpu.memory_space<vmem_shared>> -> memref<10240x64xf32, #tpu.memory_space<vmem_shared>>
    %dma_wait3A_149 = tpu.memref_slice %arg15[%dma_wait3A_138] : memref<4x!tpu.dma_semaphore, #tpu.memory_space<semaphore_mem>> -> memref<1x!tpu.dma_semaphore, #tpu.memory_space<semaphore_mem>>
    %dma_wait3A_150 = tpu.memref_squeeze %dma_wait3A_149 : memref<1x!tpu.dma_semaphore, #tpu.memory_space<semaphore_mem>> -> memref<!tpu.dma_semaphore, #tpu.memory_space<semaphore_mem>>
    tpu.wait_indirect_dma semaphore(%dma_wait3A_150 : memref<!tpu.dma_semaphore, #tpu.memory_space<semaphore_mem>>) src(%dma_wait3A_142 : memref<128x64xf32, #tpu.memory_space<vmem>>) dst(%dma_wait3A_148 : memref<10240x64xf32, #tpu.memory_space<vmem_shared>>)
    %ne3A = arith.constant 0 : i32
    %ne3A_151 = arith.cmpi ne, %arg0, %ne3A : i32
    %convert_element_type3A = arith.extui %ne3A_151 : i1 to i32
    %cond3A = arith.constant 0 : i32
    %cond3A_152 = arith.cmpi ne, %convert_element_type3A, %cond3A : i32
    scf.if %cond3A_152 {
      %dma_wait3A_222 = arith.constant 156 : i32
      %dma_wait3A_223 = arith.constant 0 : i32
      %dma_wait3A_224 = tpu.memref_slice %arg8[%dma_wait3A_222, %dma_wait3A_223] : memref<160x128xi32, #tpu.memory_space<vmem>> -> memref<1x128xi32, #tpu.memory_space<vmem>>
      %dma_wait3A_225 = tpu.memref_squeeze %dma_wait3A_224 : memref<1x128xi32, #tpu.memory_space<vmem>> -> memref<128xi32, #tpu.memory_space<vmem>>
      %dma_wait3A_226 = arith.constant 0 : i32
      %dma_wait3A_227 = arith.constant 0 : i32
      %dma_wait3A_228 = tpu.memref_slice %arg13[%dma_wait3A_226, %dma_wait3A_227] : memref<10240x16xf32, #tpu.memory_space<vmem_shared>> -> memref<10240x16xf32, #tpu.memory_space<vmem_shared>>
      tpu.wait_indirect_dma semaphore(%arg16 : memref<!tpu.dma_semaphore, #tpu.memory_space<semaphore_mem>>) src(%arg10 : memref<128x16xf32, #tpu.memory_space<vmem>>) dst(%dma_wait3A_228 : memref<10240x16xf32, #tpu.memory_space<vmem_shared>>)
    } else {
    }
    %dma_wait3A_153 = arith.constant 1 : i32
    %dma_wait3A_154 = arith.constant 157 : i32
    %dma_wait3A_155 = arith.constant 1 : i32
    %dma_wait3A_156 = arith.constant 0 : i32
    %dma_wait3A_157 = arith.constant 0 : i32
    %dma_wait3A_158 = tpu.memref_slice %arg9[%dma_wait3A_153, %dma_wait3A_156, %dma_wait3A_157] : memref<4x128x64xf32, #tpu.memory_space<vmem>> -> memref<1x128x64xf32, #tpu.memory_space<vmem>>
    %dma_wait3A_159 = tpu.memref_squeeze %dma_wait3A_158 : memref<1x128x64xf32, #tpu.memory_space<vmem>> -> memref<128x64xf32, #tpu.memory_space<vmem>>
    %dma_wait3A_160 = arith.constant 0 : i32
    %dma_wait3A_161 = tpu.memref_slice %arg8[%dma_wait3A_154, %dma_wait3A_160] : memref<160x128xi32, #tpu.memory_space<vmem>> -> memref<1x128xi32, #tpu.memory_space<vmem>>
    %dma_wait3A_162 = tpu.memref_squeeze %dma_wait3A_161 : memref<1x128xi32, #tpu.memory_space<vmem>> -> memref<128xi32, #tpu.memory_space<vmem>>
    %dma_wait3A_163 = arith.constant 0 : i32
    %dma_wait3A_164 = arith.constant 0 : i32
    %dma_wait3A_165 = tpu.memref_slice %arg12[%dma_wait3A_163, %dma_wait3A_164] : memref<10240x64xf32, #tpu.memory_space<vmem_shared>> -> memref<10240x64xf32, #tpu.memory_space<vmem_shared>>
    %dma_wait3A_166 = tpu.memref_slice %arg15[%dma_wait3A_155] : memref<4x!tpu.dma_semaphore, #tpu.memory_space<semaphore_mem>> -> memref<1x!tpu.dma_semaphore, #tpu.memory_space<semaphore_mem>>
    %dma_wait3A_167 = tpu.memref_squeeze %dma_wait3A_166 : memref<1x!tpu.dma_semaphore, #tpu.memory_space<semaphore_mem>> -> memref<!tpu.dma_semaphore, #tpu.memory_space<semaphore_mem>>
    tpu.wait_indirect_dma semaphore(%dma_wait3A_167 : memref<!tpu.dma_semaphore, #tpu.memory_space<semaphore_mem>>) src(%dma_wait3A_159 : memref<128x64xf32, #tpu.memory_space<vmem>>) dst(%dma_wait3A_165 : memref<10240x64xf32, #tpu.memory_space<vmem_shared>>)
    %ne3A_168 = arith.constant 0 : i32
    %ne3A_169 = arith.cmpi ne, %arg0, %ne3A_168 : i32
    %convert_element_type3A_170 = arith.extui %ne3A_169 : i1 to i32
    %cond3A_171 = arith.constant 0 : i32
    %cond3A_172 = arith.cmpi ne, %convert_element_type3A_170, %cond3A_171 : i32
    scf.if %cond3A_172 {
      %dma_wait3A_222 = arith.constant 157 : i32
      %dma_wait3A_223 = arith.constant 0 : i32
      %dma_wait3A_224 = tpu.memref_slice %arg8[%dma_wait3A_222, %dma_wait3A_223] : memref<160x128xi32, #tpu.memory_space<vmem>> -> memref<1x128xi32, #tpu.memory_space<vmem>>
      %dma_wait3A_225 = tpu.memref_squeeze %dma_wait3A_224 : memref<1x128xi32, #tpu.memory_space<vmem>> -> memref<128xi32, #tpu.memory_space<vmem>>
      %dma_wait3A_226 = arith.constant 0 : i32
      %dma_wait3A_227 = arith.constant 0 : i32
      %dma_wait3A_228 = tpu.memref_slice %arg13[%dma_wait3A_226, %dma_wait3A_227] : memref<10240x16xf32, #tpu.memory_space<vmem_shared>> -> memref<10240x16xf32, #tpu.memory_space<vmem_shared>>
      tpu.wait_indirect_dma semaphore(%arg16 : memref<!tpu.dma_semaphore, #tpu.memory_space<semaphore_mem>>) src(%arg10 : memref<128x16xf32, #tpu.memory_space<vmem>>) dst(%dma_wait3A_228 : memref<10240x16xf32, #tpu.memory_space<vmem_shared>>)
    } else {
    }
    %dma_wait3A_173 = arith.constant 2 : i32
    %dma_wait3A_174 = arith.constant 158 : i32
    %dma_wait3A_175 = arith.constant 2 : i32
    %dma_wait3A_176 = arith.constant 0 : i32
    %dma_wait3A_177 = arith.constant 0 : i32
    %dma_wait3A_178 = tpu.memref_slice %arg9[%dma_wait3A_173, %dma_wait3A_176, %dma_wait3A_177] : memref<4x128x64xf32, #tpu.memory_space<vmem>> -> memref<1x128x64xf32, #tpu.memory_space<vmem>>
    %dma_wait3A_179 = tpu.memref_squeeze %dma_wait3A_178 : memref<1x128x64xf32, #tpu.memory_space<vmem>> -> memref<128x64xf32, #tpu.memory_space<vmem>>
    %dma_wait3A_180 = arith.constant 0 : i32
    %dma_wait3A_181 = tpu.memref_slice %arg8[%dma_wait3A_174, %dma_wait3A_180] : memref<160x128xi32, #tpu.memory_space<vmem>> -> memref<1x128xi32, #tpu.memory_space<vmem>>
    %dma_wait3A_182 = tpu.memref_squeeze %dma_wait3A_181 : memref<1x128xi32, #tpu.memory_space<vmem>> -> memref<128xi32, #tpu.memory_space<vmem>>
    %dma_wait3A_183 = arith.constant 0 : i32
    %dma_wait3A_184 = arith.constant 0 : i32
    %dma_wait3A_185 = tpu.memref_slice %arg12[%dma_wait3A_183, %dma_wait3A_184] : memref<10240x64xf32, #tpu.memory_space<vmem_shared>> -> memref<10240x64xf32, #tpu.memory_space<vmem_shared>>
    %dma_wait3A_186 = tpu.memref_slice %arg15[%dma_wait3A_175] : memref<4x!tpu.dma_semaphore, #tpu.memory_space<semaphore_mem>> -> memref<1x!tpu.dma_semaphore, #tpu.memory_space<semaphore_mem>>
    %dma_wait3A_187 = tpu.memref_squeeze %dma_wait3A_186 : memref<1x!tpu.dma_semaphore, #tpu.memory_space<semaphore_mem>> -> memref<!tpu.dma_semaphore, #tpu.memory_space<semaphore_mem>>
    tpu.wait_indirect_dma semaphore(%dma_wait3A_187 : memref<!tpu.dma_semaphore, #tpu.memory_space<semaphore_mem>>) src(%dma_wait3A_179 : memref<128x64xf32, #tpu.memory_space<vmem>>) dst(%dma_wait3A_185 : memref<10240x64xf32, #tpu.memory_space<vmem_shared>>)
    %ne3A_188 = arith.constant 0 : i32
    %ne3A_189 = arith.cmpi ne, %arg0, %ne3A_188 : i32
    %convert_element_type3A_190 = arith.extui %ne3A_189 : i1 to i32
    %cond3A_191 = arith.constant 0 : i32
    %cond3A_192 = arith.cmpi ne, %convert_element_type3A_190, %cond3A_191 : i32
    scf.if %cond3A_192 {
      %dma_wait3A_222 = arith.constant 158 : i32
      %dma_wait3A_223 = arith.constant 0 : i32
      %dma_wait3A_224 = tpu.memref_slice %arg8[%dma_wait3A_222, %dma_wait3A_223] : memref<160x128xi32, #tpu.memory_space<vmem>> -> memref<1x128xi32, #tpu.memory_space<vmem>>
      %dma_wait3A_225 = tpu.memref_squeeze %dma_wait3A_224 : memref<1x128xi32, #tpu.memory_space<vmem>> -> memref<128xi32, #tpu.memory_space<vmem>>
      %dma_wait3A_226 = arith.constant 0 : i32
      %dma_wait3A_227 = arith.constant 0 : i32
      %dma_wait3A_228 = tpu.memref_slice %arg13[%dma_wait3A_226, %dma_wait3A_227] : memref<10240x16xf32, #tpu.memory_space<vmem_shared>> -> memref<10240x16xf32, #tpu.memory_space<vmem_shared>>
      tpu.wait_indirect_dma semaphore(%arg16 : memref<!tpu.dma_semaphore, #tpu.memory_space<semaphore_mem>>) src(%arg10 : memref<128x16xf32, #tpu.memory_space<vmem>>) dst(%dma_wait3A_228 : memref<10240x16xf32, #tpu.memory_space<vmem_shared>>)
    } else {
    }
    %dma_wait3A_193 = arith.constant 3 : i32
    %dma_wait3A_194 = arith.constant 159 : i32
    %dma_wait3A_195 = arith.constant 3 : i32
    %dma_wait3A_196 = arith.constant 0 : i32
    %dma_wait3A_197 = arith.constant 0 : i32
    %dma_wait3A_198 = tpu.memref_slice %arg9[%dma_wait3A_193, %dma_wait3A_196, %dma_wait3A_197] : memref<4x128x64xf32, #tpu.memory_space<vmem>> -> memref<1x128x64xf32, #tpu.memory_space<vmem>>
    %dma_wait3A_199 = tpu.memref_squeeze %dma_wait3A_198 : memref<1x128x64xf32, #tpu.memory_space<vmem>> -> memref<128x64xf32, #tpu.memory_space<vmem>>
    %dma_wait3A_200 = arith.constant 0 : i32
    %dma_wait3A_201 = tpu.memref_slice %arg8[%dma_wait3A_194, %dma_wait3A_200] : memref<160x128xi32, #tpu.memory_space<vmem>> -> memref<1x128xi32, #tpu.memory_space<vmem>>
    %dma_wait3A_202 = tpu.memref_squeeze %dma_wait3A_201 : memref<1x128xi32, #tpu.memory_space<vmem>> -> memref<128xi32, #tpu.memory_space<vmem>>
    %dma_wait3A_203 = arith.constant 0 : i32
    %dma_wait3A_204 = arith.constant 0 : i32
    %dma_wait3A_205 = tpu.memref_slice %arg12[%dma_wait3A_203, %dma_wait3A_204] : memref<10240x64xf32, #tpu.memory_space<vmem_shared>> -> memref<10240x64xf32, #tpu.memory_space<vmem_shared>>
    %dma_wait3A_206 = tpu.memref_slice %arg15[%dma_wait3A_195] : memref<4x!tpu.dma_semaphore, #tpu.memory_space<semaphore_mem>> -> memref<1x!tpu.dma_semaphore, #tpu.memory_space<semaphore_mem>>
    %dma_wait3A_207 = tpu.memref_squeeze %dma_wait3A_206 : memref<1x!tpu.dma_semaphore, #tpu.memory_space<semaphore_mem>> -> memref<!tpu.dma_semaphore, #tpu.memory_space<semaphore_mem>>
    tpu.wait_indirect_dma semaphore(%dma_wait3A_207 : memref<!tpu.dma_semaphore, #tpu.memory_space<semaphore_mem>>) src(%dma_wait3A_199 : memref<128x64xf32, #tpu.memory_space<vmem>>) dst(%dma_wait3A_205 : memref<10240x64xf32, #tpu.memory_space<vmem_shared>>)
    %ne3A_208 = arith.constant 0 : i32
    %ne3A_209 = arith.cmpi ne, %arg0, %ne3A_208 : i32
    %convert_element_type3A_210 = arith.extui %ne3A_209 : i1 to i32
    %cond3A_211 = arith.constant 0 : i32
    %cond3A_212 = arith.cmpi ne, %convert_element_type3A_210, %cond3A_211 : i32
    scf.if %cond3A_212 {
      %dma_wait3A_222 = arith.constant 159 : i32
      %dma_wait3A_223 = arith.constant 0 : i32
      %dma_wait3A_224 = tpu.memref_slice %arg8[%dma_wait3A_222, %dma_wait3A_223] : memref<160x128xi32, #tpu.memory_space<vmem>> -> memref<1x128xi32, #tpu.memory_space<vmem>>
      %dma_wait3A_225 = tpu.memref_squeeze %dma_wait3A_224 : memref<1x128xi32, #tpu.memory_space<vmem>> -> memref<128xi32, #tpu.memory_space<vmem>>
      %dma_wait3A_226 = arith.constant 0 : i32
      %dma_wait3A_227 = arith.constant 0 : i32
      %dma_wait3A_228 = tpu.memref_slice %arg13[%dma_wait3A_226, %dma_wait3A_227] : memref<10240x16xf32, #tpu.memory_space<vmem_shared>> -> memref<10240x16xf32, #tpu.memory_space<vmem_shared>>
      tpu.wait_indirect_dma semaphore(%arg16 : memref<!tpu.dma_semaphore, #tpu.memory_space<semaphore_mem>>) src(%arg10 : memref<128x16xf32, #tpu.memory_space<vmem>>) dst(%dma_wait3A_228 : memref<10240x16xf32, #tpu.memory_space<vmem_shared>>)
    } else {
    }
    %barrier3A_213 = arith.constant 0 : index
    tpu.barrier barrier_id(%barrier3A_213)
    %mul3A_214 = arith.constant 640 : i32
    %mul3A_215 = arith.muli %arg1, %mul3A_214 : i32
    %mul3A_216 = arith.constant 640 : i32
    %mul3A_217 = arith.muli %arg1, %mul3A_216 : i32
    "tpu.region"() ({
      %run_scoped3A_222 = tpu.sem_alloc : memref<!tpu.dma_semaphore, #tpu.memory_space<semaphore_mem>>
      %dma_start3A_223 = arith.constant 0 : i32
      %dma_start3A_224 = tpu.memref_slice %arg5[%arg0, %mul3A_217, %dma_start3A_223] : memref<2x10240x64xf32, #tpu.memory_space<hbm>> -> memref<1x640x64xf32, #tpu.memory_space<hbm>>
      %dma_start3A_225 = tpu.memref_squeeze %dma_start3A_224 : memref<1x640x64xf32, #tpu.memory_space<hbm>> -> memref<640x64xf32, #tpu.memory_space<hbm>>
      %dma_start3A_226 = arith.constant 0 : i32
      %dma_start3A_227 = tpu.memref_slice %arg12[%mul3A_215, %dma_start3A_226] : memref<10240x64xf32, #tpu.memory_space<vmem_shared>> -> memref<640x64xf32, #tpu.memory_space<vmem_shared>>
      tpu.enqueue_dma source(%dma_start3A_227 : memref<640x64xf32, #tpu.memory_space<vmem_shared>>) target(%dma_start3A_225 : memref<640x64xf32, #tpu.memory_space<hbm>>) target_semaphore(%run_scoped3A_222 : memref<!tpu.dma_semaphore, #tpu.memory_space<semaphore_mem>>)
      %dma_wait3A_228 = arith.constant 0 : i32
      %dma_wait3A_229 = tpu.memref_slice %arg5[%arg0, %mul3A_217, %dma_wait3A_228] : memref<2x10240x64xf32, #tpu.memory_space<hbm>> -> memref<1x640x64xf32, #tpu.memory_space<hbm>>
      %dma_wait3A_230 = tpu.memref_squeeze %dma_wait3A_229 : memref<1x640x64xf32, #tpu.memory_space<hbm>> -> memref<640x64xf32, #tpu.memory_space<hbm>>
      %dma_wait3A_231 = arith.constant 0 : i32
      %dma_wait3A_232 = tpu.memref_slice %arg12[%mul3A_215, %dma_wait3A_231] : memref<10240x64xf32, #tpu.memory_space<vmem_shared>> -> memref<640x64xf32, #tpu.memory_space<vmem_shared>>
      tpu.wait_dma2 semaphore(%run_scoped3A_222 : memref<!tpu.dma_semaphore, #tpu.memory_space<semaphore_mem>>) src(%dma_wait3A_232 : memref<640x64xf32, #tpu.memory_space<vmem_shared>>) dst(%dma_wait3A_230 : memref<640x64xf32, #tpu.memory_space<hbm>>)
      tpu.yield
    }) : () -> ()
    %mul3A_218 = arith.constant 640 : i32
    %mul3A_219 = arith.muli %arg1, %mul3A_218 : i32
    %mul3A_220 = arith.constant 640 : i32
    %mul3A_221 = arith.muli %arg1, %mul3A_220 : i32
    "tpu.region"() ({
      %run_scoped3A_222 = tpu.sem_alloc : memref<!tpu.dma_semaphore, #tpu.memory_space<semaphore_mem>>
      %dma_start3A_223 = arith.constant 0 : i32
      %dma_start3A_224 = tpu.memref_slice %arg6[%arg0, %mul3A_221, %dma_start3A_223] : memref<2x10240x16xf32, #tpu.memory_space<hbm>> -> memref<1x640x16xf32, #tpu.memory_space<hbm>>
      %dma_start3A_225 = tpu.memref_squeeze %dma_start3A_224 : memref<1x640x16xf32, #tpu.memory_space<hbm>> -> memref<640x16xf32, #tpu.memory_space<hbm>>
      %dma_start3A_226 = arith.constant 0 : i32
      %dma_start3A_227 = tpu.memref_slice %arg13[%mul3A_219, %dma_start3A_226] : memref<10240x16xf32, #tpu.memory_space<vmem_shared>> -> memref<640x16xf32, #tpu.memory_space<vmem_shared>>
      tpu.enqueue_dma source(%dma_start3A_227 : memref<640x16xf32, #tpu.memory_space<vmem_shared>>) target(%dma_start3A_225 : memref<640x16xf32, #tpu.memory_space<hbm>>) target_semaphore(%run_scoped3A_222 : memref<!tpu.dma_semaphore, #tpu.memory_space<semaphore_mem>>)
      %dma_wait3A_228 = arith.constant 0 : i32
      %dma_wait3A_229 = tpu.memref_slice %arg6[%arg0, %mul3A_221, %dma_wait3A_228] : memref<2x10240x16xf32, #tpu.memory_space<hbm>> -> memref<1x640x16xf32, #tpu.memory_space<hbm>>
      %dma_wait3A_230 = tpu.memref_squeeze %dma_wait3A_229 : memref<1x640x16xf32, #tpu.memory_space<hbm>> -> memref<640x16xf32, #tpu.memory_space<hbm>>
      %dma_wait3A_231 = arith.constant 0 : i32
      %dma_wait3A_232 = tpu.memref_slice %arg13[%mul3A_219, %dma_wait3A_231] : memref<10240x16xf32, #tpu.memory_space<vmem_shared>> -> memref<640x16xf32, #tpu.memory_space<vmem_shared>>
      tpu.wait_dma2 semaphore(%run_scoped3A_222 : memref<!tpu.dma_semaphore, #tpu.memory_space<semaphore_mem>>) src(%dma_wait3A_232 : memref<640x16xf32, #tpu.memory_space<vmem_shared>>) dst(%dma_wait3A_230 : memref<640x16xf32, #tpu.memory_space<hbm>>)
      tpu.yield
    }) : () -> ()
    return
  }
}

module attributes {stable_mosaic.version = 14 : i64} {
  func.func @_combine_body(%arg0: i32, %arg1: memref<2x10000x64xf32, #tpu.memory_space<vmem>>, %arg2: memref<2x10000x16xf32, #tpu.memory_space<vmem>>, %arg3: memref<2x10000x64xf32, #tpu.memory_space<vmem>>, %arg4: memref<128x128xf32, #tpu.memory_space<vmem>>, %arg5: memref<128x128xf32, #tpu.memory_space<vmem>>, %arg6: memref<1x128xf32, #tpu.memory_space<vmem>>, %arg7: memref<2x10000x64xf32, #tpu.memory_space<vmem>>) attributes {dimension_semantics = [#tpu.dimension_semantics<arbitrary>], iteration_bounds = array<i64: 1>, scalar_prefetch = 0 : i64, scratch_operands = 0 : i64, tpu.core_type = #tpu.core_type<tc>, window_params = [{transform_indices = @transform_0, window_bounds = array<i64: 2, 10000, 64>}, {transform_indices = @transform_1, window_bounds = array<i64: 2, 10000, 16>}, {transform_indices = @transform_2, window_bounds = array<i64: 2, 10000, 64>}, {pipeline_mode = #tpu.pipeline_mode<synchronous>, transform_indices = @transform_3, window_bounds = array<i64: 128, 128>}, {pipeline_mode = #tpu.pipeline_mode<synchronous>, transform_indices = @transform_4, window_bounds = array<i64: 128, 128>}, {pipeline_mode = #tpu.pipeline_mode<synchronous>, transform_indices = @transform_5, window_bounds = array<i64: 1, 128>}, {transform_indices = @transform_6, window_bounds = array<i64: 2, 10000, 64>}]} {
    %get3A = arith.constant 0 : index
    %get3A_0 = arith.constant 0 : index
    %get3A_1 = arith.constant 0 : index
    %get3A_2 = vector.load %arg1[%get3A, %get3A_0, %get3A_1] : memref<2x10000x64xf32, #tpu.memory_space<vmem>>, vector<1x10000x64xf32>
    %get3A_3 = vector.shape_cast %get3A_2 : vector<1x10000x64xf32> to vector<10000x64xf32>
    %get3A_4 = arith.constant 1 : index
    %get3A_5 = arith.constant 0 : index
    %get3A_6 = arith.constant 0 : index
    %get3A_7 = vector.load %arg1[%get3A_4, %get3A_5, %get3A_6] : memref<2x10000x64xf32, #tpu.memory_space<vmem>>, vector<1x10000x64xf32>
    %get3A_8 = vector.shape_cast %get3A_7 : vector<1x10000x64xf32> to vector<10000x64xf32>
    %concatenate3A = tpu.concatenate %get3A_3, %get3A_8 in 1 : vector<10000x64xf32>, vector<10000x64xf32> -> vector<10000x128xf32>
    %get3A_9 = arith.constant 0 : index
    %get3A_10 = arith.constant 0 : index
    %get3A_11 = arith.constant 0 : index
    %get3A_12 = vector.load %arg3[%get3A_9, %get3A_10, %get3A_11] : memref<2x10000x64xf32, #tpu.memory_space<vmem>>, vector<1x10000x64xf32>
    %get3A_13 = vector.shape_cast %get3A_12 : vector<1x10000x64xf32> to vector<10000x64xf32>
    %get3A_14 = arith.constant 1 : index
    %get3A_15 = arith.constant 0 : index
    %get3A_16 = arith.constant 0 : index
    %get3A_17 = vector.load %arg3[%get3A_14, %get3A_15, %get3A_16] : memref<2x10000x64xf32, #tpu.memory_space<vmem>>, vector<1x10000x64xf32>
    %get3A_18 = vector.shape_cast %get3A_17 : vector<1x10000x64xf32> to vector<10000x64xf32>
    %concatenate3A_19 = tpu.concatenate %get3A_13, %get3A_18 in 1 : vector<10000x64xf32>, vector<10000x64xf32> -> vector<10000x128xf32>
    %get3A_20 = arith.constant 0 : index
    %get3A_21 = arith.constant 0 : index
    %get3A_22 = arith.constant 0 : index
    %get3A_23 = vector.load %arg2[%get3A_20, %get3A_21, %get3A_22] : memref<2x10000x16xf32, #tpu.memory_space<vmem>>, vector<1x10000x1xf32>
    %get3A_24 = vector.shape_cast %get3A_23 : vector<1x10000x1xf32> to vector<10000x1xf32>
    %get3A_25 = arith.constant 1 : index
    %get3A_26 = arith.constant 0 : index
    %get3A_27 = arith.constant 0 : index
    %get3A_28 = vector.load %arg2[%get3A_25, %get3A_26, %get3A_27] : memref<2x10000x16xf32, #tpu.memory_space<vmem>>, vector<1x10000x1xf32>
    %get3A_29 = vector.shape_cast %get3A_28 : vector<1x10000x1xf32> to vector<10000x1xf32>
    %add3A = arith.addf %get3A_24, %get3A_29 : vector<10000x1xf32>
    %max3A = arith.constant 1.000000e+00 : f32
    %max3A_30 = vector.broadcast %max3A : f32 to vector<10000x1xf32>
    %max3A_31 = arith.maximumf %add3A, %max3A_30 : vector<10000x1xf32>
    %div3A = arith.constant 1.000000e+00 : f32
    %div3A_32 = vector.broadcast %div3A : f32 to vector<10000x1xf32>
    %div3A_33 = arith.divf %div3A_32, %max3A_31 : vector<10000x1xf32>
    %mul3A = vector.broadcast %div3A_33 : vector<10000x1xf32> to vector<10000x128xf32>
    %mul3A_34 = arith.mulf %concatenate3A, %mul3A : vector<10000x128xf32>
    %get3A_35 = arith.constant 0 : index
    %get3A_36 = arith.constant 0 : index
    %get3A_37 = vector.load %arg4[%get3A_35, %get3A_36] : memref<128x128xf32, #tpu.memory_space<vmem>>, vector<128x128xf32>
    %dot_general3A = arith.constant dense<0.000000e+00> : vector<10000x128xf32>
    %dot_general3A_38 = tpu.matmul %mul3A_34, %get3A_37, %dot_general3A {dimension_numbers = #tpu.dot_dimension_numbers<[1], [0], [0], [1], [0, 0, 1, 1], [], []>, transpose_lhs_hint = false} : vector<10000x128xf32>, vector<128x128xf32>, vector<10000x128xf32> -> vector<10000x128xf32>
    %get3A_39 = arith.constant 0 : index
    %get3A_40 = arith.constant 0 : index
    %get3A_41 = vector.load %arg6[%get3A_39, %get3A_40] : memref<1x128xf32, #tpu.memory_space<vmem>>, vector<1x128xf32>
    %add3A_42 = vector.broadcast %get3A_41 : vector<1x128xf32> to vector<10000x128xf32>
    %add3A_43 = arith.addf %dot_general3A_38, %add3A_42 : vector<10000x128xf32>
    %get3A_44 = arith.constant 0 : index
    %get3A_45 = arith.constant 0 : index
    %get3A_46 = vector.load %arg5[%get3A_44, %get3A_45] : memref<128x128xf32, #tpu.memory_space<vmem>>, vector<128x128xf32>
    %dot_general3A_47 = arith.constant dense<0.000000e+00> : vector<10000x128xf32>
    %dot_general3A_48 = tpu.matmul %concatenate3A_19, %get3A_46, %dot_general3A_47 {dimension_numbers = #tpu.dot_dimension_numbers<[1], [0], [0], [1], [0, 0, 1, 1], [], []>, transpose_lhs_hint = false} : vector<10000x128xf32>, vector<128x128xf32>, vector<10000x128xf32> -> vector<10000x128xf32>
    %add3A_49 = arith.addf %add3A_43, %dot_general3A_48 : vector<10000x128xf32>
    %max3A_50 = arith.constant 0.000000e+00 : f32
    %max3A_51 = vector.broadcast %max3A_50 : f32 to vector<10000x128xf32>
    %max3A_52 = arith.maximumf %add3A_49, %max3A_51 : vector<10000x128xf32>
    %slice3A = vector.extract_strided_slice %max3A_52 {offsets = [0, 0], sizes = [10000, 64], strides = [1, 1]} : vector<10000x128xf32> to vector<10000x64xf32>
    %swap3A = arith.constant 0 : index
    %swap3A_53 = arith.constant 0 : index
    %swap3A_54 = arith.constant 0 : index
    %swap3A_55 = vector.load %arg7[%swap3A, %swap3A_53, %swap3A_54] : memref<2x10000x64xf32, #tpu.memory_space<vmem>>, vector<1x10000x64xf32>
    %swap3A_56 = vector.shape_cast %swap3A_55 : vector<1x10000x64xf32> to vector<10000x64xf32>
    %swap3A_57 = vector.shape_cast %slice3A : vector<10000x64xf32> to vector<1x10000x64xf32>
    tpu.vector_store %arg7[%swap3A, %swap3A_53, %swap3A_54], %swap3A_57 {strides = array<i32>} : memref<2x10000x64xf32, #tpu.memory_space<vmem>>, vector<1x10000x64xf32>,
    %slice3A_58 = vector.extract_strided_slice %max3A_52 {offsets = [0, 64], sizes = [10000, 64], strides = [1, 1]} : vector<10000x128xf32> to vector<10000x64xf32>
    %swap3A_59 = arith.constant 1 : index
    %swap3A_60 = arith.constant 0 : index
    %swap3A_61 = arith.constant 0 : index
    %swap3A_62 = vector.load %arg7[%swap3A_59, %swap3A_60, %swap3A_61] : memref<2x10000x64xf32, #tpu.memory_space<vmem>>, vector<1x10000x64xf32>
    %swap3A_63 = vector.shape_cast %swap3A_62 : vector<1x10000x64xf32> to vector<10000x64xf32>
    %swap3A_64 = vector.shape_cast %slice3A_58 : vector<10000x64xf32> to vector<1x10000x64xf32>
    tpu.vector_store %arg7[%swap3A_59, %swap3A_60, %swap3A_61], %swap3A_64 {strides = array<i32>} : memref<2x10000x64xf32, #tpu.memory_space<vmem>>, vector<1x10000x64xf32>,
    return
  }
  func.func @transform_0(%arg0: i32) -> (i32, i32, i32) {
    %c0_i32 = arith.constant 0 : i32
    %c0_i32_0 = arith.constant 0 : i32
    %c0_i32_1 = arith.constant 0 : i32
    return %c0_i32, %arg0, %c0_i32_0 : i32, i32, i32
  }
  func.func @transform_1(%arg0: i32) -> (i32, i32, i32) {
    %c0_i32 = arith.constant 0 : i32
    %c0_i32_0 = arith.constant 0 : i32
    %c0_i32_1 = arith.constant 0 : i32
    return %c0_i32, %arg0, %c0_i32_0 : i32, i32, i32
  }
  func.func @transform_2(%arg0: i32) -> (i32, i32, i32) {
    %c0_i32 = arith.constant 0 : i32
    %c0_i32_0 = arith.constant 0 : i32
    %c0_i32_1 = arith.constant 0 : i32
    return %c0_i32, %arg0, %c0_i32_0 : i32, i32, i32
  }
  func.func @transform_3(%arg0: i32) -> (i32, i32) {
    %c0_i32 = arith.constant 0 : i32
    %c0_i32_0 = arith.constant 0 : i32
    %c0_i32_1 = arith.constant 0 : i32
    return %c0_i32, %c0_i32_0 : i32, i32
  }
  func.func @transform_4(%arg0: i32) -> (i32, i32) {
    %c0_i32 = arith.constant 0 : i32
    %c0_i32_0 = arith.constant 0 : i32
    %c0_i32_1 = arith.constant 0 : i32
    return %c0_i32, %c0_i32_0 : i32, i32
  }
  func.func @transform_5(%arg0: i32) -> (i32, i32) {
    %c0_i32 = arith.constant 0 : i32
    %c0_i32_0 = arith.constant 0 : i32
    %c0_i32_1 = arith.constant 0 : i32
    return %c0_i32, %c0_i32_0 : i32, i32
  }
  func.func @transform_6(%arg0: i32) -> (i32, i32, i32) {
    %c0_i32 = arith.constant 0 : i32
    %c0_i32_0 = arith.constant 0 : i32
    %c0_i32_1 = arith.constant 0 : i32
    return %c0_i32, %arg0, %c0_i32_0 : i32, i32, i32
  }
}

module attributes {stable_mosaic.version = 14 : i64} {
  func.func @_combine_body(%arg0: i32, %arg1: memref<2x10000x64xf32, #tpu.memory_space<vmem>>, %arg2: memref<2x10000x16xf32, #tpu.memory_space<vmem>>, %arg3: memref<2x10000x64xf32, #tpu.memory_space<vmem>>, %arg4: memref<128x128xf32, #tpu.memory_space<vmem>>, %arg5: memref<128x128xf32, #tpu.memory_space<vmem>>, %arg6: memref<1x128xf32, #tpu.memory_space<vmem>>, %arg7: memref<10000x128xf32, #tpu.memory_space<vmem>>) attributes {dimension_semantics = [#tpu.dimension_semantics<arbitrary>], iteration_bounds = array<i64: 1>, scalar_prefetch = 0 : i64, scratch_operands = 0 : i64, tpu.core_type = #tpu.core_type<tc>, window_params = [{transform_indices = @transform_0, window_bounds = array<i64: 2, 10000, 64>}, {transform_indices = @transform_1, window_bounds = array<i64: 2, 10000, 16>}, {transform_indices = @transform_2, window_bounds = array<i64: 2, 10000, 64>}, {pipeline_mode = #tpu.pipeline_mode<synchronous>, transform_indices = @transform_3, window_bounds = array<i64: 128, 128>}, {pipeline_mode = #tpu.pipeline_mode<synchronous>, transform_indices = @transform_4, window_bounds = array<i64: 128, 128>}, {pipeline_mode = #tpu.pipeline_mode<synchronous>, transform_indices = @transform_5, window_bounds = array<i64: 1, 128>}, {transform_indices = @transform_6, window_bounds = array<i64: 10000, 128>}]} {
    %get3A = arith.constant 0 : index
    %get3A_0 = arith.constant 0 : index
    %get3A_1 = arith.constant 0 : index
    %get3A_2 = vector.load %arg1[%get3A, %get3A_0, %get3A_1] : memref<2x10000x64xf32, #tpu.memory_space<vmem>>, vector<1x10000x64xf32>
    %get3A_3 = vector.shape_cast %get3A_2 : vector<1x10000x64xf32> to vector<10000x64xf32>
    %get3A_4 = arith.constant 1 : index
    %get3A_5 = arith.constant 0 : index
    %get3A_6 = arith.constant 0 : index
    %get3A_7 = vector.load %arg1[%get3A_4, %get3A_5, %get3A_6] : memref<2x10000x64xf32, #tpu.memory_space<vmem>>, vector<1x10000x64xf32>
    %get3A_8 = vector.shape_cast %get3A_7 : vector<1x10000x64xf32> to vector<10000x64xf32>
    %concatenate3A = tpu.concatenate %get3A_3, %get3A_8 in 1 : vector<10000x64xf32>, vector<10000x64xf32> -> vector<10000x128xf32>
    %get3A_9 = arith.constant 0 : index
    %get3A_10 = arith.constant 0 : index
    %get3A_11 = arith.constant 0 : index
    %get3A_12 = vector.load %arg3[%get3A_9, %get3A_10, %get3A_11] : memref<2x10000x64xf32, #tpu.memory_space<vmem>>, vector<1x10000x64xf32>
    %get3A_13 = vector.shape_cast %get3A_12 : vector<1x10000x64xf32> to vector<10000x64xf32>
    %get3A_14 = arith.constant 1 : index
    %get3A_15 = arith.constant 0 : index
    %get3A_16 = arith.constant 0 : index
    %get3A_17 = vector.load %arg3[%get3A_14, %get3A_15, %get3A_16] : memref<2x10000x64xf32, #tpu.memory_space<vmem>>, vector<1x10000x64xf32>
    %get3A_18 = vector.shape_cast %get3A_17 : vector<1x10000x64xf32> to vector<10000x64xf32>
    %concatenate3A_19 = tpu.concatenate %get3A_13, %get3A_18 in 1 : vector<10000x64xf32>, vector<10000x64xf32> -> vector<10000x128xf32>
    %get3A_20 = arith.constant 0 : index
    %get3A_21 = arith.constant 0 : index
    %get3A_22 = arith.constant 0 : index
    %get3A_23 = vector.load %arg2[%get3A_20, %get3A_21, %get3A_22] : memref<2x10000x16xf32, #tpu.memory_space<vmem>>, vector<1x10000x1xf32>
    %get3A_24 = vector.shape_cast %get3A_23 : vector<1x10000x1xf32> to vector<10000x1xf32>
    %get3A_25 = arith.constant 1 : index
    %get3A_26 = arith.constant 0 : index
    %get3A_27 = arith.constant 0 : index
    %get3A_28 = vector.load %arg2[%get3A_25, %get3A_26, %get3A_27] : memref<2x10000x16xf32, #tpu.memory_space<vmem>>, vector<1x10000x1xf32>
    %get3A_29 = vector.shape_cast %get3A_28 : vector<1x10000x1xf32> to vector<10000x1xf32>
    %add3A = arith.addf %get3A_24, %get3A_29 : vector<10000x1xf32>
    %max3A = arith.constant 1.000000e+00 : f32
    %max3A_30 = vector.broadcast %max3A : f32 to vector<10000x1xf32>
    %max3A_31 = arith.maximumf %add3A, %max3A_30 : vector<10000x1xf32>
    %div3A = arith.constant 1.000000e+00 : f32
    %div3A_32 = vector.broadcast %div3A : f32 to vector<10000x1xf32>
    %div3A_33 = arith.divf %div3A_32, %max3A_31 : vector<10000x1xf32>
    %mul3A = vector.broadcast %div3A_33 : vector<10000x1xf32> to vector<10000x128xf32>
    %mul3A_34 = arith.mulf %concatenate3A, %mul3A : vector<10000x128xf32>
    %get3A_35 = arith.constant 0 : index
    %get3A_36 = arith.constant 0 : index
    %get3A_37 = vector.load %arg4[%get3A_35, %get3A_36] : memref<128x128xf32, #tpu.memory_space<vmem>>, vector<128x128xf32>
    %dot_general3A = arith.constant dense<0.000000e+00> : vector<10000x128xf32>
    %dot_general3A_38 = tpu.matmul %mul3A_34, %get3A_37, %dot_general3A {dimension_numbers = #tpu.dot_dimension_numbers<[1], [0], [0], [1], [0, 0, 1, 1], [], []>, transpose_lhs_hint = false} : vector<10000x128xf32>, vector<128x128xf32>, vector<10000x128xf32> -> vector<10000x128xf32>
    %get3A_39 = arith.constant 0 : index
    %get3A_40 = arith.constant 0 : index
    %get3A_41 = vector.load %arg6[%get3A_39, %get3A_40] : memref<1x128xf32, #tpu.memory_space<vmem>>, vector<1x128xf32>
    %add3A_42 = vector.broadcast %get3A_41 : vector<1x128xf32> to vector<10000x128xf32>
    %add3A_43 = arith.addf %dot_general3A_38, %add3A_42 : vector<10000x128xf32>
    %get3A_44 = arith.constant 0 : index
    %get3A_45 = arith.constant 0 : index
    %get3A_46 = vector.load %arg5[%get3A_44, %get3A_45] : memref<128x128xf32, #tpu.memory_space<vmem>>, vector<128x128xf32>
    %dot_general3A_47 = arith.constant dense<0.000000e+00> : vector<10000x128xf32>
    %dot_general3A_48 = tpu.matmul %concatenate3A_19, %get3A_46, %dot_general3A_47 {dimension_numbers = #tpu.dot_dimension_numbers<[1], [0], [0], [1], [0, 0, 1, 1], [], []>, transpose_lhs_hint = false} : vector<10000x128xf32>, vector<128x128xf32>, vector<10000x128xf32> -> vector<10000x128xf32>
    %add3A_49 = arith.addf %add3A_43, %dot_general3A_48 : vector<10000x128xf32>
    %swap3A = arith.constant 0 : index
    %swap3A_50 = arith.constant 0 : index
    %swap3A_51 = vector.load %arg7[%swap3A, %swap3A_50] : memref<10000x128xf32, #tpu.memory_space<vmem>>, vector<10000x128xf32>
    tpu.vector_store %arg7[%swap3A, %swap3A_50], %add3A_49 {strides = array<i32>} : memref<10000x128xf32, #tpu.memory_space<vmem>>, vector<10000x128xf32>,
    return
  }
  func.func @transform_0(%arg0: i32) -> (i32, i32, i32) {
    %c0_i32 = arith.constant 0 : i32
    %c0_i32_0 = arith.constant 0 : i32
    %c0_i32_1 = arith.constant 0 : i32
    return %c0_i32, %arg0, %c0_i32_0 : i32, i32, i32
  }
  func.func @transform_1(%arg0: i32) -> (i32, i32, i32) {
    %c0_i32 = arith.constant 0 : i32
    %c0_i32_0 = arith.constant 0 : i32
    %c0_i32_1 = arith.constant 0 : i32
    return %c0_i32, %arg0, %c0_i32_0 : i32, i32, i32
  }
  func.func @transform_2(%arg0: i32) -> (i32, i32, i32) {
    %c0_i32 = arith.constant 0 : i32
    %c0_i32_0 = arith.constant 0 : i32
    %c0_i32_1 = arith.constant 0 : i32
    return %c0_i32, %arg0, %c0_i32_0 : i32, i32, i32
  }
  func.func @transform_3(%arg0: i32) -> (i32, i32) {
    %c0_i32 = arith.constant 0 : i32
    %c0_i32_0 = arith.constant 0 : i32
    %c0_i32_1 = arith.constant 0 : i32
    return %c0_i32, %c0_i32_0 : i32, i32
  }
  func.func @transform_4(%arg0: i32) -> (i32, i32) {
    %c0_i32 = arith.constant 0 : i32
    %c0_i32_0 = arith.constant 0 : i32
    %c0_i32_1 = arith.constant 0 : i32
    return %c0_i32, %c0_i32_0 : i32, i32
  }
  func.func @transform_5(%arg0: i32) -> (i32, i32) {
    %c0_i32 = arith.constant 0 : i32
    %c0_i32_0 = arith.constant 0 : i32
    %c0_i32_1 = arith.constant 0 : i32
    return %c0_i32, %c0_i32_0 : i32, i32
  }
  func.func @transform_6(%arg0: i32) -> (i32, i32) {
    %c0_i32 = arith.constant 0 : i32
    %c0_i32_0 = arith.constant 0 : i32
    return %arg0, %c0_i32 : i32, i32
  }
}

</mosaic_0001>

<sc_bundles>
// kernel: kernel.6.cloned.1.call-start
scs
__scs_entry_jumppad:
0x0: {  	(pc) =	sbr.rel $0x88, $3  }
0x1: {  	(tag) =	ssettag $0x0;
	lr =	simm.s32 $0x1  }
0x2: {  	[smem:$0x3F99] =	sst lr;
	_ =	strace $0xD0000000  }
0x3: {  	_ = 	snop  }
0x4: {  	_ = 	snop  }
0x5: {  	_ = 	snop  }
0x6: {  	_ = 	snop  }
0x7: {  	_ = 	snop  }
__scs_overlays_trampoline_lowered:
0x8: {  	[smem:$0x3FA8] =	sst s0  }
0x9: {  	[smem:$0x3FA9] =	sst s1  }
0xa: {  	[smem:$0x3FAA] =	sst s2  }
0xb: {  	[smem:$0x3FAB] =	sst s3  }
0xc: {  	[smem:$0x3FAC] =	sst s4  }
0xd: {  	[smem:$0x3FAD] =	sst s5  }
0xe: {  	[smem:$0x3FAE] =	sst s6  }
0xf: {  	[smem:$0x3FAF] =	sst s7  }
0x10: {  	[smem:$0x3FB0] =	sst s8  }
0x11: {  	[smem:$0x3FB1] =	sst s9;
	s0 =	simm.s32 @!p0 $0x0  }
0x12: {  	s1 =	sld [smem:$0x3F97];
	s0 =	simm.s32 @p0 $0x1  }
0x13: {  	[smem:$0x3FB2] =	sst s0;
	s0 =	simm.s32 @!p1 $0x0  }
0x14: {  	s2 =	sld [smem:$0x3F96];
	s0 =	simm.s32 @p1 $0x1  }
0x15: {  	[smem:$0x3FB3] =	sst s0;
	s0 =	simm.s32 @!p2 $0x0  }
0x16: {  	s3 =	sld [smem:$0x3FDB];
	s0 =	simm.s32 @p2 $0x1  }
0x17: {  	s4 =	simm.s32 $0x1BF5;
	[smem:$0x3FB5] =	sst s0  }
0x18: {  	s0 =	sld [smem:$0x3F98];
	_ =	swait.ge [sflag:s4], $0x0  }
0x19: {  	s7 =	sld [smem:$0x3F99]  }
0x1a: {  	s8 =	sadd.s32 $0xFFFFE003, lr  }
0x1b: {  	s9 =	sadd.s32 $0xFFFFFEF7, lr;
	s5 =	simm.s32 $0xFFFFFFFF;
	p2 =	slt.u32 s8, $0xFFFFF086  }
0x1c: {  	p1 =	slt.u32 s9, $0xF7A;
	s5 =	simm.s32 @!p2 $0x0  }
0x1d: {  	s5 =	simm.s32 @p1 $0x1;
	p0 =	seq.s32 s7, s2  }
0x1e: {  	s7 =	smul.u32 @!p0 $0xF7A, s2;
	p2 =	seq.s32 @!p0 s5, $0x0  }
0x1f: {  	s9 =	smul.u32 $0xF7A, s1;
	s8 =	simm.s32 @!p0 $0x1BF5;
	p2 =	por !p2, p0  }
0x20: {  	[sflag:s8] =	ssyncset.s32 @!p0 $0xFFFFF086;
	s6 =	sadd.s32 @!p0 s3, s7;
	s7 =	simm.s32 @!p0 $0x108  }
0x21: {  	s3 =	sadd.s32 s3, s9;
	s6 =	sadd.s32 @!p0 $0x88, s6;
	s7 =	simm.s32 @p2 $0x1082  }
0x22: {  	[simem:s7], [sflag:s8] =	dma.local @!p0 [hbm:s6], $0xF7A  }
0x23: {  	s9 =	sor.u32 $0xD0000000, s2;
	s6 =	simm.s32 $0x108;
	_ =	swait.ge @!p0 [sflag:s8], $0x0  }
0x24: {  	s3 =	sadd.s32 $0x88, s3;
	s6 =	simm.s32 @!p1 $0x1082;
	[sflag:s4] =	ssyncset.s32 $0xFFFFF086  }
0x25: {  	[simem:s6], [sflag:s4] =	dma.local [hbm:s3], $0xF7A  }
0x26: {  	[smem:$0x3F99] =	sst s1;
	(tag) =	ssettag s2;
	_ =	strace s9  }
0x27: {  	s1 =	sld [smem:$0x3FA9]  }
0x28: {  	s2 =	sld [smem:$0x3FAA]  }
0x29: {  	s4 =	sld [smem:$0x3FAC]  }
0x2a: {  	p0 =	seq.s32 s5, $0x0;
	s5 =	sld [smem:$0x3FAD]  }
0x2b: {  	s6 =	sld [smem:$0x3FAE]  }
0x2c: {  	s7 =	sld [smem:$0x3FAF]  }
0x2d: {  	s3 =	simm.s32 $0x108;
	s8 =	sld [smem:$0x3FB0]  }
0x2e: {  	s3 =	simm.s32 @!p0 $0x1082;
	s9 =	sld [smem:$0x3FB1]  }
0x2f: {  	lr =	sadd.s32 s0, s3;
	s0 =	sld [smem:$0x3FA8]  }
0x30: {  	s3 =	sld [smem:$0x3FAB]  }
0x31: {  	[smem:$0x3FB4] =	sst s10  }
0x32: {  	s10 =	sld [smem:$0x3FB2];
	_ =	sdelay $0x3  }
0x33: {  	p0 =	seq.s32 s10, $0x1;
	s10 =	sld [smem:$0x3FB4];
	_ =	sdelay $0x3  }
0x34: {  	[smem:$0x3FB4] =	sst s10  }
0x35: {  	s10 =	sld [smem:$0x3FB3];
	_ =	sdelay $0x3  }
0x36: {  	p1 =	seq.s32 s10, $0x1;
	s10 =	sld [smem:$0x3FB4];
	_ =	sdelay $0x3  }
0x37: {  	[smem:$0x3FB4] =	sst s10  }
0x38: {  	s10 =	sld [smem:$0x3FB5]  }
0x39: {  	_ = 	snop;
	(pc) =	sbr.ind lr, $3  }
0x3a: {  	_ = 	snop  }
0x3b: {  	_ = 	snop  }
0x3c: {  	p2 =	seq.s32 s10, $0x1;
	s10 =	sld [smem:$0x3FB4]  }
0x3d: {  	_ =	shalt  }
0x3e: {  	_ =	shalt  }
0x3f: {  	_ =	shalt  }
0x40: {  	_ =	shalt  }
0x41: {  	_ =	shalt  }
0x42: {  	_ =	shalt  }
0x43: {  	_ =	shalt  }
0x44: {  	_ =	shalt  }
0x45: {  	_ =	shalt  }
0x46: {  	_ =	shalt  }
0x47: {  	_ =	shalt  }
0x48: {  	_ =	shalt  }
0x49: {  	_ =	shalt  }
0x4a: {  	_ =	shalt  }
0x4b: {  	_ =	shalt  }
0x4c: {  	_ =	shalt  }
0x4d: {  	_ =	shalt  }
0x4e: {  	_ =	shalt  }
0x4f: {  	_ =	shalt  }
0x50: {  	_ =	shalt  }
0x51: {  	_ =	shalt  }
0x52: {  	_ =	shalt  }
0x53: {  	_ =	shalt  }
0x54: {  	_ =	shalt  }
0x55: {  	_ =	shalt  }
0x56: {  	_ =	shalt  }
0x57: {  	_ =	shalt  }
0x58: {  	_ =	shalt  }
0x59: {  	_ =	shalt  }
0x5a: {  	_ =	shalt  }
0x5b: {  	_ =	shalt  }
0x5c: {  	_ =	shalt  }
0x5d: {  	_ =	shalt  }
0x5e: {  	_ =	shalt  }
0x5f: {  	_ =	shalt  }
0x60: {  	_ =	shalt  }
0x61: {  	_ =	shalt  }
0x62: {  	_ =	shalt  }
0x63: {  	_ =	shalt  }
0x64: {  	_ =	shalt  }
0x65: {  	_ =	shalt  }
0x66: {  	_ =	shalt  }
0x67: {  	_ =	shalt  }
0x68: {  	_ =	shalt  }
0x69: {  	_ =	shalt  }
0x6a: {  	_ =	shalt  }
0x6b: {  	_ =	shalt  }
0x6c: {  	_ =	shalt  }
0x6d: {  	_ =	shalt  }
0x6e: {  	_ =	shalt  }
0x6f: {  	_ =	shalt  }
0x70: {  	_ =	shalt  }
0x71: {  	_ =	shalt  }
0x72: {  	_ =	shalt  }
0x73: {  	_ =	shalt  }
0x74: {  	_ =	shalt  }
0x75: {  	_ =	shalt  }
0x76: {  	_ =	shalt  }
0x77: {  	_ =	shalt  }
0x78: {  	_ =	shalt  }
0x79: {  	_ =	shalt  }
0x7a: {  	_ =	shalt  }
0x7b: {  	_ =	shalt  }
0x7c: {  	_ =	shalt  }
0x7d: {  	_ =	shalt  }
0x7e: {  	_ =	shalt  }
0x7f: {  	_ =	shalt  }
0x80: {  	_ =	shalt  }
0x81: {  	_ =	shalt  }
0x82: {  	_ =	shalt  }
0x83: {  	_ =	shalt  }
0x84: {  	_ =	shalt  }
0x85: {  	_ =	shalt  }
0x86: {  	_ =	shalt  }
0x87: {  	_ =	shalt  }
.Lfunc_end0:
.L_simem_size_0:
called_computation_lowered:
.L_overlay_start_0:
0x88: {  	s2 =	sld [smem:$0x3FD9]  }
0x89: {  	s3 =	sld [smem:$0x3FFE];
	_ =	sdelay $0x1  }
0x8a: {  	s1 =	srdreg.scid  }
0x8b: {  	s0 =	sand.u32 $0x1, s1  }
0x8c: {  	s17 =	sshll.u32 s0, $0xA;
	s2 =	sadd.s32 s3, s2  }
0x8d: {  	s2 =	sadd.s32 s2, s17  }
0x8e: {  	[smem:$0x3FC0] =	sst s2  }
0x8f: {  	_ = 	snop  }
0x90: {  	s2 =	sld [smem:$0x3FD0];
	(tm) =	ssettm $0x1  }
0x91: {  	s18 =	sld [smem:$0x3FFB];
	_ =	sdelay $0x3  }
0x92: {  	_ =	strace s18  }
0x93: {  	s3 =	sld [smem:$0x3FFC];
	_ =	sdelay $0x3  }
0x94: {  	_ =	strace s3  }
0x95: {  	s3 =	sld [smem:$0x3FFD];
	_ =	sdelay $0x3  }
0x96: {  	_ =	strace s3  }
0x97: {  	_ =	strace $0x8FFFFFFF  }
0x98: {  	s19 =	sld [smem:$0x3FDB];
	_ =	sdelay $0x1  }
0x99: {  	s4 =	simm.s32 $_scs_section_size  }
0x9a: {  	s5 =	simm.s32 $_size__tile_overlayer_lowered;
	s6 =	simm.s32 $_tile_overlayer_lowered  }
0x9b: {  	s22 =	simm.s32 $0x1BFF;
	s21 =	sshll.u32 s6, $0x1;
	s3 =	sadd.s32 s4, s19  }
0x9c: {  	s7 =	simm.s32 $0x0;
	s20 =	sshll.u32 s5, $0x1;
	s5 =	sadd.s32 s21, s3  }
0x9d: {  	[timem:s7], [sflag:s22] =	dma.local [hbm:s5], s20  }
0x9e: {  	_ =	swait.ge [sflag:s22], s20  }
0x9f: {  	s4 =	ssub.s32 $0x0, s20;
	[sflag:s22] =	ssyncset.done $0x0  }
0xa0: {  	[sflag:s22] =	ssyncadd.s32 s4;
	_ =	sdelay $0x1  }
0xa1: {  	s23 =	simm.s32 $0x1B8B  }
0xa2: {  	_ =	swait.ge [sflag:s23], $0x1  }
0xa3: {  	[sflag:s23] =	ssyncset.done $0x0  }
0xa4: {  	s25 =	simm.s32 $0x1B8E;
	s24 =	sld [smem:$0x3FFE];
	[sflag:s23] =	ssyncadd.s32 $0xFFFFFFFF  }
0xa5: {  	s26 =	simm.s32 $execute0_lowered;
	[smem:$0x3FD2] =	sst s25  }
0xa6: {  	s5 =	sshll.u32 s26, $0x1;
	_ =	strace $0x80000046;
	[dreg:$0x1] =	wrdreg $0xFFFFFFFF  }
0xa7: {  	s28 =	simm.s32 $_size_execute0_lowered;
	s3 =	sadd.s32 s3, s5;
	[dreg:$0x0] =	wrdreg $0x0  }
0xa8: {  	s5 =	sshll.u32 s28, $0x1;
	[dreg:$0x2] =	wrdreg s3  }
0xa9: {  	[dreg:$0x3] =	wrdreg s5  }
0xaa: {  	[dreg:$0x4] =	wrdreg $0xC0  }
0xab: {  	_ =	task [dreg:s7], $0x5FFFF  }
0xac: {  	[dreg:$0x1] =	wrdreg $0xFFFFFFFF  }
0xad: {  	[dreg:$0x0] =	wrdreg $0x60  }
0xae: {  	[dreg:$0x2] =	wrdreg s2  }
0xaf: {  	[dreg:$0x3] =	wrdreg s24  }
0xb0: {  	[dreg:$0x4] =	wrdreg $0x130000  }
0xb1: {  	[dreg:$0x5] =	wrdreg $0x1D0000  }
0xb2: {  	[dreg:$0x6] =	wrdreg $0x9  }
0xb3: {  	_ =	task.clear_ibuf [dreg:s7], $0x7FFFF;
	_ =	strace $0x90000046  }
0xb4: {  	s29 =	simm.s32 $0x9;
	_ =	strace $0x80000048  }
0xb5: {  	_ =	swait.ge [sflag:s29], $0x1  }
0xb6: {  	[sflag:s29] =	ssyncadd.s32 $0xFFFFFFFF  }
0xb7: {  	_ =	strace $0x90000048  }
0xb8: {  	_ =	sfence  }
0xb9: {  	s30 =	sld [smem:$0x0];
	_ =	sdelay $0x2  }
0xba: {  	s31 =	sshll.u32 s1, $0xD;
	s1 =	sshrl.u32 s1, $0x2  }
0xbb: {  	s3 =	sand.u32 $0x4000, s31;
	s1 =	sadd.s32 s1, s30  }
0xbc: {  	s0 =	sor.u32 s3, s0;
	s1 =	sshll.u32 s1, $0x11  }
0xbd: {  	s0 =	sor.u32 s1, s0  }
0xbe: {  	s0 =	sadd.s32 $0x8F2B, s0  }
0xbf: {  	[sflag:s0] =	ssyncadd.remote.s32 $0x1  }
0xc0: {  	_ =	sfence.sel $0xFFFF  }
0xc1: {  	[dreg:$0x0] =	wrdreg $0xFFFFFFFF;
	(pc) =	sbr.abs _section_cstart, $3  }
0xc2: {  	[dreg:$0x1] =	wrdreg $0xFFFFFFFF  }
0xc3: {  	_ =	task.clear_ibuf [dreg:s7], $0x2FFFF;
	_ =	strace $0x9FFFFFFF  }
0xc4: {  	(tm) =	ssettm $0x7FFFFFFF  }
0xc5: {  	_ =	shalt  }
tec
execute0_lowered:
.L_overlay_start_1:
0x0: {  	(tag) =	ssettag $0x1  }
0x1: {  	s0 =	rddreg [dreg:$0x0]  }
0x2: {  	s1 =	rddreg [dreg:$0x1]  }
0x3: {  	s11 =	stileid.u32;
	s3 =	srdreg.scid  }
0x4: {  	s2 =	rddreg [dreg:$0x2];
	s4 =	smul.u32 $0xA00, s11  }
0x5: {  	s9 =	simm.s32 $0x0;
	s29 =	simm.s32 $0xE000;
	s6 =	smul.u32 $0xA000, s11  }
0x6: {  	s31 =	simm.s32 $0x10000;
	s28 =	simm.s32 $0x5;
	s8 =	smul.u32 $0x2800, s11  }
0x7: {  	s5 =	sand.u32 $0x1, s3;
	s3 =	rddreg [dreg:$0x3];
	s11 =	smul.u32 $0x280, s11  }
0x8: {  	s30 =	simm.s32 $0x6;
	[smem:$0x7FF] =	sst s9;
	s7 =	smul.u32 $0xA0000, s5  }
0x9: {  	s20 =	smul.u32 $0x28000, s5;
	_ =	strace $0x80000047;
	s10 =	ssub.s32 $0x2, s5  }
0xa: {  	p0 =	seq.s32 s5, $0x0;
	p1 =	sne.s32 s5, $0x0;
	s4 =	sadd.s32 s4, s1  }
0xb: {  	s21 =	sshrl.u32 s10, $0x1;
	s23 =	sadd.s32 $0x80, s11;
	s25 =	sadd.s32 $0x100, s11  }
0xc: {  	s26 =	sadd.s32 $0x180, s11;
	s15 =	sadd.s32 $0x200, s11;
	s7 =	sadd.s32 s6, s7  }
0xd: {  	s9 =	sadd.s32 s8, s20;
	s22 =	sadd.s32 $0xB600, s4;
	s4 =	sadd.s32 $0x1600, s4  }
0xe: {  	s24 =	sshll.u32 s23, $0x6;
	s12 =	sshll.u32 s25, $0x6;
	s13 =	sshll.u32 s26, $0x6  }
0xf: {  	s17 =	sshll.u32 s15, $0x6;
	s19 =	sshll.u32 s23, $0x4;
	s20 =	smul.u32 $0x13880, s5  }
0x10: {  	s5 =	simm.s32 $0x0;
	s7 =	sshrl.u32 s7, $0x3;
	[dreg:$0x5] =	wrdreg s22  }
0x11: {  	s9 =	sshrl.u32 s9, $0x3;
	[dreg:$0x6] =	wrdreg s4;
	s4 =	sadd.s32 s24, s2  }
0x12: {  	s14 =	sadd.s32 s12, s2;
	s16 =	sadd.s32 s13, s2;
	[dreg:$0x7] =	wrdreg s4  }
0x13: {  	s11 =	sadd.s32 s17, s2;
	s12 =	sadd.s32 s8, s3;
	[dreg:$0x8] =	wrdreg s14  }
0x14: {  	s8 =	sadd.s32 s19, s3;
	s22 =	sshll.u32 s15, $0x4;
	[dreg:$0x9] =	wrdreg s16  }
0x15: {  	s18 =	sadd.s32 s7, s1;
	s1 =	sadd.s32 s9, s1;
	[dreg:$0xa] =	wrdreg s11  }
0x16: {  	s9 =	ssub.s32 s10, s21;
	s7 =	sadd.s32 s6, s2;
	[dreg:$0xb] =	wrdreg s8  }
0x17: {  	s4 =	sshll.u32 s25, $0x4;
	s21 =	sshll.u32 s26, $0x4;
	s23 =	sadd.s32 s22, s3  }
0x18: {  	s17 =	sadd.s32 s0, s20;
	s4 =	sadd.s32 s4, s3;
	[dreg:$0xe] =	wrdreg s23  }
0x19: {  	s22 =	simm.s32 $0x3;
	s24 =	sadd.s32 $0x1F600, s18;
	[dreg:$0xc] =	wrdreg s4  }
0x1a: {  	s0 =	simm.s32 $0x7;
	s25 =	sadd.s32 $0x15600, s1;
	[dreg:$0xf] =	wrdreg s24  }
0x1b: {  	s26 =	smax.u32 s9, $0x1;
	s23 =	simm.s32 $0xA000;
	[dreg:$0x10] =	wrdreg s25  }
0x1c: {  	s1 =	simm.s32 $0x1;
	s4 =	sadd.s32 s21, s3;
	[dreg:$0x11] =	wrdreg s26  }
0x1d: {  	s21 =	simm.s32 $0xA;
	s24 =	simm.s32 $0x12800;
	s25 =	simm.s32 $0x80  }
0x1e: {  	v0 =	vimm.f32 $0.0e+00;
	v1 =	vimm.f32 $1.000000000e+00;
	s26 =	simm.s32 $0xC000;
	[dreg:$0xd] =	wrdreg s4;
	s4 =	simm.s32 $0x8  }
.LBB2_1:
0x1f: {  	s6 =	simm.s32 $0x0;
	s8 =	rddreg [dreg:$0x5]  }
0x20: {  	[tilespmem:s6], [sflag:$0xA] =	stream.linear.gather [hbm4b:s8+s6], $0x5000, $0x38;
	[tilespmem:$0x1F800] =	vst v63  }
0x21: {  	_ =	swait.ge [sflag:s21], $0x5000  }
0x22: {  	[sflag:s21] =	ssyncset.done $0x0  }
0x23: {  	s9 =	simm.s32 $0x5000;
	s20 =	rddreg [dreg:$0x6];
	[sflag:s21] =	ssyncadd.s32 $0xFFFFB000  }
0x24: {  	[tilespmem:s9], [sflag:$0xA] =	stream.linear.gather [hbm4b:s20+s6], $0x5000, $0x38;
	[tilespmem:$0x1F800] =	vst v63  }
0x25: {  	_ =	swait.ge [sflag:s21], $0x5000  }
0x26: {  	[sflag:s21] =	ssyncset.done $0x0  }
0x27: {  	s8 =	simm.s32 $0x100;
	s6 =	simm.s32 $0x0;
	[sflag:s21] =	ssyncadd.s32 $0xFFFFB000  }
.LBB2_2:
0x28: {  	p2 =	sne.s32 s8, $0x7F00;
	[tilespmem:s6+$0xA030] =	vst v0;
	s9 =	smov.u32 s8;
	s8 =	sadd.s32 $0x100, s8  }
.Ltmp0:
0x29: {  	[tilespmem:s6+$0xA020] =	vst v0;
	(pc) =	sbr.rel @p2 .LBB2_2-.Ltmp0, $3  }
0x2a: {  	[tilespmem:s6+$0xA000] =	vst v0  }
0x2b: {  	[tilespmem:s6+$0xA010] =	vst v0;
	_ =	sdelay $0x1  }
0x2c: {  	s6 =	sshra.s32 s9, $0x2  }
0x2d: {  	[tilespmem:s6+$0xA030] =	vst v0  }
0x2e: {  	[tilespmem:s6+$0xA020] =	vst v0  }
0x2f: {  	[tilespmem:s6+$0xA000] =	vst v0  }
0x30: {  	[tilespmem:s6+$0xA010] =	vst v0  }
0x31: {  	[spmem:s7] =	stream.linear.scatter [tilespmem:s23], [sflag:$0xA], $0x2000, $0x38;
	[tilespmem:$0x1F800] =	vst v63  }
0x32: {  	_ =	swait.ge [sflag:s21], $0x2000  }
0x33: {  	[sflag:s21] =	ssyncset.done $0x0  }
0x34: {  	s16 =	rddreg [dreg:$0x7];
	[sflag:s21] =	ssyncadd.s32 $0xFFFFE000  }
0x35: {  	[spmem:s16] =	stream.linear.scatter [tilespmem:s23], [sflag:$0xA], $0x2000, $0x38;
	[tilespmem:$0x1F800] =	vst v63  }
0x36: {  	_ =	swait.ge [sflag:s21], $0x2000  }
0x37: {  	[sflag:s21] =	ssyncset.done $0x0  }
0x38: {  	s18 =	rddreg [dreg:$0x8];
	[sflag:s21] =	ssyncadd.s32 $0xFFFFE000  }
0x39: {  	[spmem:s18] =	stream.linear.scatter [tilespmem:s23], [sflag:$0xA], $0x2000, $0x38;
	[tilespmem:$0x1F800] =	vst v63  }
0x3a: {  	_ =	swait.ge [sflag:s21], $0x2000  }
0x3b: {  	[sflag:s21] =	ssyncset.done $0x0  }
0x3c: {  	s19 =	rddreg [dreg:$0x9];
	[sflag:s21] =	ssyncadd.s32 $0xFFFFE000  }
0x3d: {  	[spmem:s19] =	stream.linear.scatter [tilespmem:s23], [sflag:$0xA], $0x2000, $0x38;
	[tilespmem:$0x1F800] =	vst v63  }
0x3e: {  	_ =	swait.ge [sflag:s21], $0x2000  }
0x3f: {  	[sflag:s21] =	ssyncset.done $0x0  }
0x40: {  	s20 =	rddreg [dreg:$0xa];
	[sflag:s21] =	ssyncadd.s32 $0xFFFFE000  }
0x41: {  	[spmem:s20] =	stream.linear.scatter [tilespmem:s23], [sflag:$0xA], $0x2000, $0x38;
	[tilespmem:$0x1F800] =	vst v63  }
0x42: {  	_ =	swait.ge [sflag:s21], $0x2000  }
0x43: {  	[sflag:s21] =	ssyncset.done $0x0  }
0x44: {  	s6 =	simm.s32 $0x40;
	s8 =	simm.s32 $0x0;
	[sflag:s21] =	ssyncadd.s32 $0xFFFFE000  }
.LBB2_4:
0x45: {  	p2 =	sne.s32 s6, $0x1FC0;
	[tilespmem:s8+$0x12000] =	vst v1;
	s9 =	smov.u32 s6;
	s6 =	sadd.s32 $0x40, s6  }
.Ltmp1:
0x46: {  	[tilespmem:s8+$0x12800] =	vst v0;
	(pc) =	sbr.rel @p2 .LBB2_4-.Ltmp1, $2  }
0x47: {  	_ =	sdelay $0x2  }
0x48: {  	s8 =	sshra.s32 s9, $0x2  }
0x49: {  	[tilespmem:s8+$0x12000] =	vst v1  }
0x4a: {  	[tilespmem:s8+$0x12800] =	vst v0  }
0x4b: {  	[spmem:s12] =	stream.linear.scatter [tilespmem:s24], [sflag:$0xA], $0x800, $0x38;
	[tilespmem:$0x1F800] =	vst v63  }
0x4c: {  	_ =	swait.ge [sflag:s21], $0x800  }
0x4d: {  	[sflag:s21] =	ssyncset.done $0x0  }
0x4e: {  	s6 =	rddreg [dreg:$0xb];
	[sflag:s21] =	ssyncadd.s32 $0xFFFFF800  }
0x4f: {  	[spmem:s6] =	stream.linear.scatter [tilespmem:s24], [sflag:$0xA], $0x800, $0x38;
	[tilespmem:$0x1F800] =	vst v63  }
0x50: {  	_ =	swait.ge [sflag:s21], $0x800  }
0x51: {  	[sflag:s21] =	ssyncset.done $0x0  }
0x52: {  	s10 =	rddreg [dreg:$0xc];
	[sflag:s21] =	ssyncadd.s32 $0xFFFFF800  }
0x53: {  	[spmem:s10] =	stream.linear.scatter [tilespmem:s24], [sflag:$0xA], $0x800, $0x38;
	[tilespmem:$0x1F800] =	vst v63  }
0x54: {  	_ =	swait.ge [sflag:s21], $0x800  }
0x55: {  	[sflag:s21] =	ssyncset.done $0x0  }
0x56: {  	s11 =	rddreg [dreg:$0xd];
	[sflag:s21] =	ssyncadd.s32 $0xFFFFF800  }
0x57: {  	[spmem:s11] =	stream.linear.scatter [tilespmem:s24], [sflag:$0xA], $0x800, $0x38;
	[tilespmem:$0x1F800] =	vst v63  }
0x58: {  	_ =	swait.ge [sflag:s21], $0x800  }
0x59: {  	[sflag:s21] =	ssyncset.done $0x0  }
0x5a: {  	s13 =	rddreg [dreg:$0xe];
	[sflag:s21] =	ssyncadd.s32 $0xFFFFF800  }
0x5b: {  	[spmem:s13] =	stream.linear.scatter [tilespmem:s24], [sflag:$0xA], $0x800, $0x38;
	[tilespmem:$0x1F800] =	vst v63  }
0x5c: {  	_ =	swait.ge [sflag:s21], $0x800  }
0x5d: {  	[sflag:s21] =	ssyncset.done $0x0  }
0x5e: {  	[sflag:s21] =	ssyncadd.s32 $0xFFFFF800  }
0x5f: {  	s6 =	simm.s32 $0x0;
	[bflag:$0x0] =	sbarrier.arrive $0xFFFF  }
0x60: {  	[tilespmem:s23], [sflag:$0x1] =	stream.indirect.gather [hbm4b:s17+s25], $0x40, s6, s25, $0xb8;
	[tilespmem:$0x1F800] =	vst v63  }
0x61: {  	_ = 	snop  }
0x62: {  	[tilespmem:s26], [sflag:$0x2] =	stream.indirect.gather [hbm4b:s17+s25], $0x40, s25, s25, $0xb8;
	[tilespmem:$0x1F800] =	vst v63  }
0x63: {  	s14 =	simm.s32 $0x100;
	s15 =	simm.s32 $0x180  }
0x64: {  	[tilespmem:s29], [sflag:$0x3] =	stream.indirect.gather [hbm4b:s17+s25], $0x40, s14, s25, $0xb8;
	[tilespmem:$0x1F800] =	vst v63  }
0x65: {  	p3 =	por $0x0, $0x0;
	s8 =	simm.s32 $0x1;
	s9 =	simm.s32 $0x1  }
0x66: {  	[tilespmem:s31], [sflag:$0x4] =	stream.indirect.gather [hbm4b:s17+s25], $0x40, s15, s25, $0xb8;
	[tilespmem:$0x1F800] =	vst v63  }
0x67: {  	s8 =	simm.s32 @!p0 $0x0;
	s9 =	simm.s32 @!p3 $0x0;
	_ =	swait.ge [sflag:s1], $0x2000  }
0x68: {  	p2 =	seq.s32 s8, s9;
	[sflag:s1] =	ssyncset.done $0x0  }
0x69: {  	s9 =	simm.s32 $0x5000;
	s10 =	simm.s32 @p2 $0x2;
	[sflag:s1] =	ssyncadd.s32 $0xFFFFE000  }
0x6a: {  	[spmem:s2] =	stream.indirect.scatter.add.f32 [tilespmem:s23], [sflag:$0x5], $0x40, s9, s25, $0xb8;
	[tilespmem:$0x1F800] =	vst v63  }
0x6b: {  	_ =	swait.ge @p2 [sflag:s10], $0x2000  }
0x6c: {  	s11 =	simm.s32 @p2 $0x5080;
	[sflag:s10] =	ssyncset.done @p2 $0x0  }
0x6d: {  	s13 =	simm.s32 @p2 $0x80;
	[sflag:s10] =	ssyncadd.s32 @p2 $0xFFFFE000;
	s10 =	simm.s32 @p2 $0xC000  }
0x6e: {  	[spmem:s2] =	stream.indirect.scatter.add.f32 @p2 [tilespmem:s10], [sflag:$0x6], $0x40, s11, s13, $0xb8;
	[tilespmem:$0x1F800] =	vst v63  }
0x6f: {  	s10 =	simm.s32 @!p2 $0x80;
	s11 =	simm.s32 @!p2 $0x12000;
	s13 =	simm.s32 @!p2 $0x2  }
0x70: {  	[spmem:s3] =	stream.indirect.scatter.add.f32 @!p2 [tilespmem:s11], [sflag:$0x9], $0x10, s9, s10, $0xb8;
	[tilespmem:$0x1F800] =	vst v63  }
0x71: {  	_ =	swait.ge @!p2 [sflag:s13], $0x2000  }
0x72: {  	[sflag:s13] =	ssyncset.done @!p2 $0x0  }
0x73: {  	s9 =	simm.s32 @!p2 $0x5080;
	[sflag:s13] =	ssyncadd.s32 @!p2 $0xFFFFE000;
	s13 =	simm.s32 @!p2 $0xC000  }
0x74: {  	[spmem:s2] =	stream.indirect.scatter.add.f32 @!p2 [tilespmem:s13], [sflag:$0x6], $0x40, s9, s10, $0xb8;
	[tilespmem:$0x1F800] =	vst v63  }
0x75: {  	_ = 	snop  }
0x76: {  	[spmem:s3] =	stream.indirect.scatter.add.f32 @!p2 [tilespmem:s11], [sflag:$0x9], $0x10, s9, s10, $0xb8;
	[tilespmem:$0x1F800] =	vst v63  }
0x77: {  	p2 =	por !p3, !p3;
	_ =	swait.ge [sflag:s22], $0x2000  }
0x78: {  	p2 =	por @!p0 p3, p3;
	[sflag:s22] =	ssyncset.done $0x0  }
0x79: {  	s9 =	simm.s32 $0x5100;
	s10 =	simm.s32 @!p2 $0x4;
	[sflag:s22] =	ssyncadd.s32 $0xFFFFE000  }
0x7a: {  	[spmem:s2] =	stream.indirect.scatter.add.f32 [tilespmem:s29], [sflag:$0x7], $0x40, s9, s25, $0xb8;
	[tilespmem:$0x1F800] =	vst v63  }
0x7b: {  	_ =	swait.ge @!p2 [sflag:s10], $0x2000  }
0x7c: {  	s11 =	simm.s32 @!p2 $0x5180;
	[sflag:s10] =	ssyncset.done @!p2 $0x0  }
0x7d: {  	s13 =	simm.s32 @!p2 $0x10000;
	[sflag:s10] =	ssyncadd.s32 @!p2 $0xFFFFE000;
	s10 =	simm.s32 @!p2 $0x80  }
0x7e: {  	[spmem:s2] =	stream.indirect.scatter.add.f32 @!p2 [tilespmem:s13], [sflag:$0x8], $0x40, s11, s10, $0xb8;
	[tilespmem:$0x1F800] =	vst v63  }
0x7f: {  	s10 =	simm.s32 @p2 $0x80;
	s11 =	simm.s32 @p2 $0x12000;
	s13 =	simm.s32 @p2 $0x4  }
0x80: {  	[spmem:s3] =	stream.indirect.scatter.add.f32 @p2 [tilespmem:s11], [sflag:$0x9], $0x10, s9, s10, $0xb8;
	[tilespmem:$0x1F800] =	vst v63  }
0x81: {  	_ =	swait.ge @p2 [sflag:s13], $0x2000  }
0x82: {  	[sflag:s13] =	ssyncset.done @p2 $0x0  }
0x83: {  	s9 =	simm.s32 @p2 $0x5180;
	[sflag:s13] =	ssyncadd.s32 @p2 $0xFFFFE000;
	s13 =	simm.s32 @p2 $0x10000  }
0x84: {  	[spmem:s2] =	stream.indirect.scatter.add.f32 @p2 [tilespmem:s13], [sflag:$0x8], $0x40, s9, s10, $0xb8;
	[tilespmem:$0x1F800] =	vst v63  }
0x85: {  	_ = 	snop  }
0x86: {  	[spmem:s3] =	stream.indirect.scatter.add.f32 @p2 [tilespmem:s11], [sflag:$0x9], $0x10, s9, s10, $0xb8;
	[tilespmem:$0x1F800] =	vst v63  }
0x87: {  	_ =	swait.ge [sflag:s28], $0x2000  }
0x88: {  	[sflag:s28] =	ssyncset.done $0x0  }
0x89: {  	s16 =	simm.s32 $0x200;
	[sflag:s28] =	ssyncadd.s32 $0xFFFFE000  }
0x8a: {  	[tilespmem:s23], [sflag:$0x1] =	stream.indirect.gather [hbm4b:s17+s25], $0x40, s16, s25, $0xb8;
	[tilespmem:$0x1F800] =	vst v63  }
0x8b: {  	_ =	swait.ge [sflag:s30], $0x2000  }
0x8c: {  	[sflag:s30] =	ssyncset.done $0x0  }
0x8d: {  	s18 =	simm.s32 $0x280;
	[sflag:s30] =	ssyncadd.s32 $0xFFFFE000  }
0x8e: {  	[tilespmem:s26], [sflag:$0x2] =	stream.indirect.gather [hbm4b:s17+s25], $0x40, s18, s25, $0xb8;
	[tilespmem:$0x1F800] =	vst v63  }
0x8f: {  	_ =	swait.ge [sflag:s0], $0x2000  }
0x90: {  	[sflag:s0] =	ssyncset.done $0x0  }
0x91: {  	s19 =	simm.s32 $0x300;
	[sflag:s0] =	ssyncadd.s32 $0xFFFFE000  }
0x92: {  	[tilespmem:s29], [sflag:$0x3] =	stream.indirect.gather [hbm4b:s17+s25], $0x40, s19, s25, $0xb8;
	[tilespmem:$0x1F800] =	vst v63  }
0x93: {  	_ =	swait.ge [sflag:s4], $0x2000  }
0x94: {  	[sflag:s4] =	ssyncset.done $0x0  }
0x95: {  	s20 =	simm.s32 $0x380;
	s10 =	simm.s32 @p2 $0x9;
	[sflag:s4] =	ssyncadd.s32 $0xFFFFE000  }
0x96: {  	[tilespmem:s31], [sflag:$0x4] =	stream.indirect.gather [hbm4b:s17+s25], $0x40, s20, s25, $0xb8;
	[tilespmem:$0x1F800] =	vst v63  }
0x97: {  	_ =	swait.ge @p2 [sflag:s10], $0x800  }
0x98: {  	[sflag:s10] =	ssyncset.done @p2 $0x0  }
0x99: {  	[sflag:s10] =	ssyncadd.s32 @p2 $0xFFFFF800  }
0x9a: {  	_ =	swait.ge @p2 [sflag:s10], $0x800  }
0x9b: {  	[sflag:s10] =	ssyncset.done @p2 $0x0  }
0x9c: {  	[sflag:s10] =	ssyncadd.s32 @p2 $0xFFFFF800  }
0x9d: {  	_ =	swait.ge @p2 [sflag:s10], $0x800  }
0x9e: {  	[sflag:s10] =	ssyncset.done @p2 $0x0  }
0x9f: {  	[sflag:s10] =	ssyncadd.s32 @p2 $0xFFFFF800  }
0xa0: {  	s9 =	simm.s32 $0x800;
	_ =	swait.ge @p2 [sflag:s10], $0x800  }
.LBB2_6:
0xa1: {  	[sflag:s10] =	ssyncset.done @p2 $0x0  }
0xa2: {  	s6 =	sadd.s32 $0x1, s6;
	s11 =	smov.u32 s9;
	s9 =	sadd.s32 $0x800, s9  }
0xa3: {  	s13 =	simm.s32 $0x1;
	p5 =	sgt.u32 s6, $0x13;
	[sflag:s10] =	ssyncadd.s32 @p2 $0xFFFFF800  }
0xa4: {  	s10 =	sshra.s32 s11, $0x2;
	_ =	swait.ge [sflag:s1], $0x2000;
	s13 =	simm.s32 @!p5 $0x0  }
0xa5: {  	s14 =	sadd.s32 $0x5000, s10;
	[sflag:s1] =	ssyncset.done $0x0;
	p4 =	seq.s32 s8, s13  }
0xa6: {  	[sflag:s1] =	ssyncadd.s32 $0xFFFFE000;
	s13 =	simm.s32 @p4 $0x2;
	s15 =	sshra.s32 @p4 s11, $0x2  }
0xa7: {  	[spmem:s2] =	stream.indirect.scatter.add.f32 [tilespmem:s23], [sflag:$0x5], $0x40, s14, s25, $0xb8;
	[tilespmem:$0x1F800] =	vst v63  }
0xa8: {  	s16 =	sshra.s32 @!p4 s11, $0x2;
	s15 =	sadd.s32 @p4 $0x5080, s15;
	_ =	swait.ge @p4 [sflag:s13], $0x2000  }
0xa9: {  	s18 =	simm.s32 @p4 $0x80;
	s19 =	simm.s32 @p4 $0xC000;
	[sflag:s13] =	ssyncset.done @p4 $0x0  }
0xaa: {  	s20 =	simm.s32 @!p4 $0x12000;
	[sflag:s13] =	ssyncadd.s32 @p4 $0xFFFFE000;
	s13 =	simm.s32 @!p4 $0x80  }
0xab: {  	[spmem:s2] =	stream.indirect.scatter.add.f32 @p4 [tilespmem:s19], [sflag:$0x6], $0x40, s15, s18, $0xb8;
	[tilespmem:$0x1F800] =	vst v63  }
0xac: {  	p3 =	sne.s32 s9, $0x13800;
	p2 =	por !p5, !p5;
	s15 =	simm.s32 @!p4 $0x2  }
0xad: {  	[spmem:s3] =	stream.indirect.scatter.add.f32 @!p4 [tilespmem:s20], [sflag:$0x9], $0x10, s14, s13, $0xb8;
	[tilespmem:$0x1F800] =	vst v63  }
0xae: {  	p2 =	por @!p0 p5, p5;
	_ =	swait.ge @!p4 [sflag:s15], $0x2000  }
0xaf: {  	s14 =	sadd.s32 @!p4 $0x5080, s16;
	s16 =	simm.s32 @!p4 $0xC000;
	[sflag:s15] =	ssyncset.done @!p4 $0x0  }
0xb0: {  	[sflag:s15] =	ssyncadd.s32 @!p4 $0xFFFFE000;
	s15 =	sshra.s32 @!p2 s11, $0x2;
	s11 =	sshra.s32 @p2 s11, $0x2  }
0xb1: {  	[spmem:s2] =	stream.indirect.scatter.add.f32 @!p4 [tilespmem:s16], [sflag:$0x6], $0x40, s14, s13, $0xb8;
	[tilespmem:$0x1F800] =	vst v63  }
0xb2: {  	s15 =	sadd.s32 @!p2 $0x5180, s15  }
0xb3: {  	[spmem:s3] =	stream.indirect.scatter.add.f32 @!p4 [tilespmem:s20], [sflag:$0x9], $0x10, s14, s13, $0xb8;
	[tilespmem:$0x1F800] =	vst v63  }
0xb4: {  	_ =	swait.ge [sflag:s22], $0x2000  }
0xb5: {  	s13 =	sadd.s32 $0x5100, s10;
	[sflag:s22] =	ssyncset.done $0x0  }
0xb6: {  	s14 =	simm.s32 @!p2 $0x4;
	[sflag:s22] =	ssyncadd.s32 $0xFFFFE000  }
0xb7: {  	[spmem:s2] =	stream.indirect.scatter.add.f32 [tilespmem:s29], [sflag:$0x7], $0x40, s13, s25, $0xb8;
	[tilespmem:$0x1F800] =	vst v63  }
0xb8: {  	_ =	swait.ge @!p2 [sflag:s14], $0x2000  }
0xb9: {  	[sflag:s14] =	ssyncset.done @!p2 $0x0  }
0xba: {  	s16 =	simm.s32 @!p2 $0x10000;
	[sflag:s14] =	ssyncadd.s32 @!p2 $0xFFFFE000;
	s14 =	simm.s32 @!p2 $0x80  }
0xbb: {  	[spmem:s2] =	stream.indirect.scatter.add.f32 @!p2 [tilespmem:s16], [sflag:$0x8], $0x40, s15, s14, $0xb8;
	[tilespmem:$0x1F800] =	vst v63  }
0xbc: {  	s14 =	simm.s32 @p2 $0x80;
	s15 =	simm.s32 @p2 $0x12000;
	s16 =	simm.s32 @p2 $0x4  }
0xbd: {  	[spmem:s3] =	stream.indirect.scatter.add.f32 @p2 [tilespmem:s15], [sflag:$0x9], $0x10, s13, s14, $0xb8;
	[tilespmem:$0x1F800] =	vst v63  }
0xbe: {  	_ =	swait.ge @p2 [sflag:s16], $0x2000  }
0xbf: {  	[sflag:s16] =	ssyncset.done @p2 $0x0  }
0xc0: {  	s11 =	sadd.s32 @p2 $0x5180, s11;
	s13 =	simm.s32 @p2 $0x10000;
	[sflag:s16] =	ssyncadd.s32 @p2 $0xFFFFE000  }
0xc1: {  	[spmem:s2] =	stream.indirect.scatter.add.f32 @p2 [tilespmem:s13], [sflag:$0x8], $0x40, s11, s14, $0xb8;
	[tilespmem:$0x1F800] =	vst v63  }
0xc2: {  	_ = 	snop  }
0xc3: {  	[spmem:s3] =	stream.indirect.scatter.add.f32 @p2 [tilespmem:s15], [sflag:$0x9], $0x10, s11, s14, $0xb8;
	[tilespmem:$0x1F800] =	vst v63  }
0xc4: {  	_ =	swait.ge [sflag:s28], $0x2000  }
0xc5: {  	[sflag:s28] =	ssyncset.done $0x0  }
0xc6: {  	s11 =	sadd.s32 $0x200, s10;
	[sflag:s28] =	ssyncadd.s32 $0xFFFFE000  }
0xc7: {  	[tilespmem:s23], [sflag:$0x1] =	stream.indirect.gather [hbm4b:s17+s25], $0x40, s11, s25, $0xb8;
	[tilespmem:$0x1F800] =	vst v63  }
0xc8: {  	_ =	swait.ge [sflag:s30], $0x2000  }
0xc9: {  	[sflag:s30] =	ssyncset.done $0x0  }
0xca: {  	s11 =	sadd.s32 $0x280, s10;
	[sflag:s30] =	ssyncadd.s32 $0xFFFFE000  }
0xcb: {  	[tilespmem:s26], [sflag:$0x2] =	stream.indirect.gather [hbm4b:s17+s25], $0x40, s11, s25, $0xb8;
	[tilespmem:$0x1F800] =	vst v63  }
0xcc: {  	_ =	swait.ge [sflag:s0], $0x2000  }
0xcd: {  	[sflag:s0] =	ssyncset.done $0x0  }
0xce: {  	s11 =	sadd.s32 $0x300, s10;
	[sflag:s0] =	ssyncadd.s32 $0xFFFFE000  }
0xcf: {  	[tilespmem:s29], [sflag:$0x3] =	stream.indirect.gather [hbm4b:s17+s25], $0x40, s11, s25, $0xb8;
	[tilespmem:$0x1F800] =	vst v63  }
0xd0: {  	_ =	swait.ge [sflag:s4], $0x2000  }
0xd1: {  	[sflag:s4] =	ssyncset.done $0x0  }
0xd2: {  	s11 =	sadd.s32 $0x380, s10;
	s10 =	simm.s32 @p2 $0x9;
	[sflag:s4] =	ssyncadd.s32 $0xFFFFE000  }
0xd3: {  	[tilespmem:s31], [sflag:$0x4] =	stream.indirect.gather [hbm4b:s17+s25], $0x40, s11, s25, $0xb8;
	[tilespmem:$0x1F800] =	vst v63  }
0xd4: {  	_ =	swait.ge @p2 [sflag:s10], $0x800  }
0xd5: {  	[sflag:s10] =	ssyncset.done @p2 $0x0  }
0xd6: {  	[sflag:s10] =	ssyncadd.s32 @p2 $0xFFFFF800  }
0xd7: {  	_ =	swait.ge @p2 [sflag:s10], $0x800  }
0xd8: {  	[sflag:s10] =	ssyncset.done @p2 $0x0  }
.Ltmp2:
0xd9: {  	[sflag:s10] =	ssyncadd.s32 @p2 $0xFFFFF800;
	(pc) =	sbr.rel @p3 .LBB2_6-.Ltmp2, $4  }
0xda: {  	_ =	swait.ge @p2 [sflag:s10], $0x800  }
0xdb: {  	[sflag:s10] =	ssyncset.done @p2 $0x0  }
0xdc: {  	[sflag:s10] =	ssyncadd.s32 @p2 $0xFFFFF800  }
0xdd: {  	_ =	swait.ge @p2 [sflag:s10], $0x800  }
0xde: {  	[sflag:s10] =	ssyncset.done @p2 $0x0  }
0xdf: {  	[sflag:s10] =	ssyncadd.s32 @p2 $0xFFFFF800  }
0xe0: {  	_ =	swait.ge [sflag:s1], $0x2000  }
0xe1: {  	[sflag:s1] =	ssyncset.done $0x0  }
0xe2: {  	s6 =	simm.s32 $0x9E00;
	[sflag:s1] =	ssyncadd.s32 $0xFFFFE000  }
0xe3: {  	[spmem:s2] =	stream.indirect.scatter.add.f32 [tilespmem:s23], [sflag:$0x5], $0x40, s6, s25, $0xb8;
	[tilespmem:$0x1F800] =	vst v63  }
0xe4: {  	s8 =	simm.s32 @p1 $0x9E00;
	s9 =	simm.s32 @p1 $0x12000;
	s6 =	simm.s32 @p1 $0x80  }
0xe5: {  	[spmem:s3] =	stream.indirect.scatter.add.f32 @p1 [tilespmem:s9], [sflag:$0x9], $0x10, s8, s6, $0xb8;
	[tilespmem:$0x1F800] =	vst v63  }
0xe6: {  	s8 =	simm.s32 @p1 $0x2  }
0xe7: {  	_ =	swait.ge @p1 [sflag:s8], $0x2000  }
0xe8: {  	[sflag:s8] =	ssyncset.done @p1 $0x0  }
0xe9: {  	s10 =	simm.s32 @p1 $0xC000;
	[sflag:s8] =	ssyncadd.s32 @p1 $0xFFFFE000;
	s8 =	simm.s32 @p1 $0x9E80  }
0xea: {  	[spmem:s2] =	stream.indirect.scatter.add.f32 @p1 [tilespmem:s10], [sflag:$0x6], $0x40, s8, s6, $0xb8;
	[tilespmem:$0x1F800] =	vst v63  }
0xeb: {  	_ = 	snop  }
0xec: {  	[spmem:s3] =	stream.indirect.scatter.add.f32 @p1 [tilespmem:s9], [sflag:$0x9], $0x10, s8, s6, $0xb8;
	[tilespmem:$0x1F800] =	vst v63  }
0xed: {  	s6 =	simm.s32 @!p1 $0x2  }
0xee: {  	_ =	swait.ge @!p1 [sflag:s6], $0x2000  }
0xef: {  	s8 =	simm.s32 @!p1 $0x9E80;
	[sflag:s6] =	ssyncset.done @!p1 $0x0  }
0xf0: {  	s9 =	simm.s32 @!p1 $0xC000;
	[sflag:s6] =	ssyncadd.s32 @!p1 $0xFFFFE000;
	s6 =	simm.s32 @!p1 $0x80  }
0xf1: {  	[spmem:s2] =	stream.indirect.scatter.add.f32 @!p1 [tilespmem:s9], [sflag:$0x6], $0x40, s8, s6, $0xb8;
	[tilespmem:$0x1F800] =	vst v63  }
0xf2: {  	_ =	swait.ge [sflag:s22], $0x2000  }
0xf3: {  	[sflag:s22] =	ssyncset.done $0x0  }
0xf4: {  	s13 =	simm.s32 $0x9F00;
	s6 =	simm.s32 @p0 $0x4;
	[sflag:s22] =	ssyncadd.s32 $0xFFFFE000  }
0xf5: {  	[spmem:s2] =	stream.indirect.scatter.add.f32 [tilespmem:s29], [sflag:$0x7], $0x40, s13, s25, $0xb8;
	[tilespmem:$0x1F800] =	vst v63  }
0xf6: {  	_ =	swait.ge @p0 [sflag:s6], $0x2000  }
0xf7: {  	s8 =	simm.s32 @p0 $0x9F80;
	[sflag:s6] =	ssyncset.done @p0 $0x0  }
0xf8: {  	s9 =	simm.s32 @p0 $0x10000;
	[sflag:s6] =	ssyncadd.s32 @p0 $0xFFFFE000;
	s6 =	simm.s32 @p0 $0x80  }
0xf9: {  	[spmem:s2] =	stream.indirect.scatter.add.f32 @p0 [tilespmem:s9], [sflag:$0x8], $0x40, s8, s6, $0xb8;
	[tilespmem:$0x1F800] =	vst v63  }
0xfa: {  	s6 =	simm.s32 @p0 $0x5  }
0xfb: {  	_ =	swait.ge @p0 [sflag:s6], $0x2000  }
0xfc: {  	[sflag:s6] =	ssyncset.done @p0 $0x0  }
0xfd: {  	[sflag:s6] =	ssyncadd.s32 @p0 $0xFFFFE000;
	s6 =	simm.s32 @p0 $0x6  }
0xfe: {  	_ =	swait.ge @p0 [sflag:s6], $0x2000  }
0xff: {  	[sflag:s6] =	ssyncset.done @p0 $0x0  }
0x100: {  	[sflag:s6] =	ssyncadd.s32 @p0 $0xFFFFE000;
	s6 =	simm.s32 @p0 $0x7  }
0x101: {  	_ =	swait.ge @p0 [sflag:s6], $0x2000  }
0x102: {  	[sflag:s6] =	ssyncset.done @p0 $0x0  }
0x103: {  	[sflag:s6] =	ssyncadd.s32 @p0 $0xFFFFE000;
	s6 =	simm.s32 @p0 $0x8  }
0x104: {  	_ =	swait.ge @p0 [sflag:s6], $0x2000  }
0x105: {  	s8 =	simm.s32 @!p0 $0x9F00;
	[sflag:s6] =	ssyncset.done @p0 $0x0  }
0x106: {  	s9 =	simm.s32 @!p0 $0x12000;
	[sflag:s6] =	ssyncadd.s32 @p0 $0xFFFFE000;
	s6 =	simm.s32 @!p0 $0x80  }
0x107: {  	[spmem:s3] =	stream.indirect.scatter.add.f32 @!p0 [tilespmem:s9], [sflag:$0x9], $0x10, s8, s6, $0xb8;
	[tilespmem:$0x1F800] =	vst v63  }
0x108: {  	s8 =	simm.s32 @!p0 $0x4  }
0x109: {  	_ =	swait.ge @!p0 [sflag:s8], $0x2000  }
0x10a: {  	[sflag:s8] =	ssyncset.done @!p0 $0x0  }
0x10b: {  	s10 =	simm.s32 @!p0 $0x10000;
	[sflag:s8] =	ssyncadd.s32 @!p0 $0xFFFFE000;
	s8 =	simm.s32 @!p0 $0x9F80  }
0x10c: {  	[spmem:s2] =	stream.indirect.scatter.add.f32 @!p0 [tilespmem:s10], [sflag:$0x8], $0x40, s8, s6, $0xb8;
	[tilespmem:$0x1F800] =	vst v63  }
0x10d: {  	_ = 	snop  }
0x10e: {  	[spmem:s3] =	stream.indirect.scatter.add.f32 @!p0 [tilespmem:s9], [sflag:$0x9], $0x10, s8, s6, $0xb8;
	[tilespmem:$0x1F800] =	vst v63  }
0x10f: {  	s6 =	simm.s32 @!p0 $0x5  }
0x110: {  	_ =	swait.ge @!p0 [sflag:s6], $0x2000  }
0x111: {  	[sflag:s6] =	ssyncset.done @!p0 $0x0  }
0x112: {  	[sflag:s6] =	ssyncadd.s32 @!p0 $0xFFFFE000;
	s6 =	simm.s32 @!p0 $0x9  }
0x113: {  	_ =	swait.ge @!p0 [sflag:s6], $0x800  }
0x114: {  	[sflag:s6] =	ssyncset.done @!p0 $0x0  }
0x115: {  	s8 =	simm.s32 @!p0 $0x6;
	[sflag:s6] =	ssyncadd.s32 @!p0 $0xFFFFF800  }
0x116: {  	_ =	swait.ge @!p0 [sflag:s8], $0x2000  }
0x117: {  	[sflag:s8] =	ssyncset.done @!p0 $0x0  }
0x118: {  	[sflag:s8] =	ssyncadd.s32 @!p0 $0xFFFFE000  }
0x119: {  	_ =	swait.ge @!p0 [sflag:s6], $0x800  }
0x11a: {  	[sflag:s6] =	ssyncset.done @!p0 $0x0  }
0x11b: {  	s8 =	simm.s32 @!p0 $0x7;
	[sflag:s6] =	ssyncadd.s32 @!p0 $0xFFFFF800  }
0x11c: {  	_ =	swait.ge @!p0 [sflag:s8], $0x2000  }
0x11d: {  	[sflag:s8] =	ssyncset.done @!p0 $0x0  }
0x11e: {  	[sflag:s8] =	ssyncadd.s32 @!p0 $0xFFFFE000  }
0x11f: {  	_ =	swait.ge @!p0 [sflag:s6], $0x800  }
0x120: {  	[sflag:s6] =	ssyncset.done @!p0 $0x0  }
0x121: {  	s8 =	simm.s32 @!p0 $0x8;
	[sflag:s6] =	ssyncadd.s32 @!p0 $0xFFFFF800  }
0x122: {  	_ =	swait.ge @!p0 [sflag:s8], $0x2000  }
0x123: {  	[sflag:s8] =	ssyncset.done @!p0 $0x0  }
0x124: {  	[sflag:s8] =	ssyncadd.s32 @!p0 $0xFFFFE000  }
0x125: {  	_ =	swait.ge @!p0 [sflag:s6], $0x800  }
0x126: {  	[sflag:s6] =	ssyncset.done @!p0 $0x0  }
0x127: {  	s14 =	stileid.u32;
	[sflag:s6] =	ssyncadd.s32 @!p0 $0xFFFFF800  }
0x128: {  	s6 =	sshll.u32 s14, $0x6;
	[bflag:$0x0] =	sbarrier.arrive $0xFFFF  }
0x129: {  	s15 =	sshrl.u32 s7, $0x3;
	s6 =	sor.u32 $0x1C0A, s6;
	s16 =	rddreg [dreg:$0xf]  }
0x12a: {  	[hbm:s16], [sflag:s6] =	dma.local [spmem:s15], $0x1400  }
0x12b: {  	_ =	swait.ge [sflag:s21], $0x1400  }
0x12c: {  	[sflag:s21] =	ssyncset.done $0x0  }
0x12d: {  	s18 =	sshrl.u32 s12, $0x3;
	s19 =	rddreg [dreg:$0x10];
	[sflag:s21] =	ssyncadd.s32 $0xFFFFEC00  }
0x12e: {  	[hbm:s19], [sflag:s6] =	dma.local [spmem:s18], $0x500  }
0x12f: {  	_ =	swait.ge [sflag:s21], $0x500  }
0x130: {  	s5 =	sadd.s32 $0x1, s5;
	s20 =	rddreg [dreg:$0x11]  }
0x131: {  	p2 =	sne.s32 s5, s20  }
.Ltmp3:
0x132: {  	_ = 	snop;
	(pc) =	sbr.rel @p2 .LBB2_1-.Ltmp3, $3  }
0x133: {  	_ =	sdelay $0x1  }
0x134: {  	[sflag:s21] =	ssyncset.done $0x0  }
0x135: {  	[sflag:s21] =	ssyncadd.s32 $0xFFFFFB00  }
0x136: {  	_ =	sfence.sel $0x180000  }
0x137: {  	[bflag:$0x0] =	sbarrier.arrive $0xFFFF  }
0x138: {  	_ =	strace $0x90000047  }
0x139: {  	s0 =	stileid.u32;
	[bflag:$0x2] =	sbarrier.arrive $0xFFFF  }
0x13a: {  	p0 =	sne.s32 s0, $0x0;
	s0 =	rddreg [dreg:$0x4]  }
0x13b: {  	s0 =	sadd.s32 @!p0 $0x100000, s0  }
0x13c: {  	[sflag:s0] =	ssyncadd.tile.s32 @!p0 $0x1;
	_ =	shalt  }
.Lfunc_end2:
_tile_overlayer_lowered:
.L_overlay_start_2:
0x13d: {  	(tag) =	ssettag $0x2  }
0x13e: {  	s0 =	rddreg [dreg:$0x0];
	s2 =	stileid.u32  }
0x13f: {  	s1 =	rddreg [dreg:$0x1];
	p0 =	sne.s32 s2, $0x0  }
0x140: {  	s3 =	rddreg [dreg:$0x2];
	[bflag:$0x3] =	sbarrier.arrive $0xFFFF;
	s2 =	simm.s32 @!p0 $0x1C0A  }
0x141: {  	[timem:s3], [sflag:s2] =	dma.local @!p0 [hbm:s0], s1  }
0x142: {  	s0 =	simm.s32 @!p0 $0xA  }
0x143: {  	_ =	swait.ge @!p0 [sflag:s0], s1  }
0x144: {  	s1 =	ssub.s32 @!p0 $0x0, s1;
	[sflag:s0] =	ssyncset.done @!p0 $0x0  }
0x145: {  	[sflag:s0] =	ssyncadd.s32 @!p0 s1  }
0x146: {  	[bflag:$0x3] =	sbarrier.arrive $0xFFFF  }
0x147: {  	_ =	shalt  }

// kernel: kernel.9.cloned.1.call-start
scs
__scs_entry_jumppad:
0x0: {  	(pc) =	sbr.rel $0x88, $3  }
0x1: {  	(tag) =	ssettag $0x0;
	lr =	simm.s32 $0x1  }
0x2: {  	[smem:$0x3F99] =	sst lr;
	_ =	strace $0xD0000000  }
0x3: {  	_ = 	snop  }
0x4: {  	_ = 	snop  }
0x5: {  	_ = 	snop  }
0x6: {  	_ = 	snop  }
0x7: {  	_ = 	snop  }
__scs_overlays_trampoline_lowered:
0x8: {  	[smem:$0x3FA8] =	sst s0  }
0x9: {  	[smem:$0x3FA9] =	sst s1  }
0xa: {  	[smem:$0x3FAA] =	sst s2  }
0xb: {  	[smem:$0x3FAB] =	sst s3  }
0xc: {  	[smem:$0x3FAC] =	sst s4  }
0xd: {  	[smem:$0x3FAD] =	sst s5  }
0xe: {  	[smem:$0x3FAE] =	sst s6  }
0xf: {  	[smem:$0x3FAF] =	sst s7  }
0x10: {  	[smem:$0x3FB0] =	sst s8  }
0x11: {  	[smem:$0x3FB1] =	sst s9;
	s0 =	simm.s32 @!p0 $0x0  }
0x12: {  	s1 =	sld [smem:$0x3F97];
	s0 =	simm.s32 @p0 $0x1  }
0x13: {  	[smem:$0x3FB2] =	sst s0;
	s0 =	simm.s32 @!p1 $0x0  }
0x14: {  	s2 =	sld [smem:$0x3F96];
	s0 =	simm.s32 @p1 $0x1  }
0x15: {  	[smem:$0x3FB3] =	sst s0;
	s0 =	simm.s32 @!p2 $0x0  }
0x16: {  	s3 =	sld [smem:$0x3FDB];
	s0 =	simm.s32 @p2 $0x1  }
0x17: {  	s4 =	simm.s32 $0x1BF5;
	[smem:$0x3FB5] =	sst s0  }
0x18: {  	s0 =	sld [smem:$0x3F98];
	_ =	swait.ge [sflag:s4], $0x0  }
0x19: {  	s7 =	sld [smem:$0x3F99]  }
0x1a: {  	s8 =	sadd.s32 $0xFFFFE003, lr  }
0x1b: {  	s9 =	sadd.s32 $0xFFFFFEF7, lr;
	s5 =	simm.s32 $0xFFFFFFFF;
	p2 =	slt.u32 s8, $0xFFFFF086  }
0x1c: {  	p1 =	slt.u32 s9, $0xF7A;
	s5 =	simm.s32 @!p2 $0x0  }
0x1d: {  	s5 =	simm.s32 @p1 $0x1;
	p0 =	seq.s32 s7, s2  }
0x1e: {  	s7 =	smul.u32 @!p0 $0xF7A, s2;
	p2 =	seq.s32 @!p0 s5, $0x0  }
0x1f: {  	s9 =	smul.u32 $0xF7A, s1;
	s8 =	simm.s32 @!p0 $0x1BF5;
	p2 =	por !p2, p0  }
0x20: {  	[sflag:s8] =	ssyncset.s32 @!p0 $0xFFFFF086;
	s6 =	sadd.s32 @!p0 s3, s7;
	s7 =	simm.s32 @!p0 $0x108  }
0x21: {  	s3 =	sadd.s32 s3, s9;
	s6 =	sadd.s32 @!p0 $0x88, s6;
	s7 =	simm.s32 @p2 $0x1082  }
0x22: {  	[simem:s7], [sflag:s8] =	dma.local @!p0 [hbm:s6], $0xF7A  }
0x23: {  	s9 =	sor.u32 $0xD0000000, s2;
	s6 =	simm.s32 $0x108;
	_ =	swait.ge @!p0 [sflag:s8], $0x0  }
0x24: {  	s3 =	sadd.s32 $0x88, s3;
	s6 =	simm.s32 @!p1 $0x1082;
	[sflag:s4] =	ssyncset.s32 $0xFFFFF086  }
0x25: {  	[simem:s6], [sflag:s4] =	dma.local [hbm:s3], $0xF7A  }
0x26: {  	[smem:$0x3F99] =	sst s1;
	(tag) =	ssettag s2;
	_ =	strace s9  }
0x27: {  	s1 =	sld [smem:$0x3FA9]  }
0x28: {  	s2 =	sld [smem:$0x3FAA]  }
0x29: {  	s4 =	sld [smem:$0x3FAC]  }
0x2a: {  	p0 =	seq.s32 s5, $0x0;
	s5 =	sld [smem:$0x3FAD]  }
0x2b: {  	s6 =	sld [smem:$0x3FAE]  }
0x2c: {  	s7 =	sld [smem:$0x3FAF]  }
0x2d: {  	s3 =	simm.s32 $0x108;
	s8 =	sld [smem:$0x3FB0]  }
0x2e: {  	s3 =	simm.s32 @!p0 $0x1082;
	s9 =	sld [smem:$0x3FB1]  }
0x2f: {  	lr =	sadd.s32 s0, s3;
	s0 =	sld [smem:$0x3FA8]  }
0x30: {  	s3 =	sld [smem:$0x3FAB]  }
0x31: {  	[smem:$0x3FB4] =	sst s10  }
0x32: {  	s10 =	sld [smem:$0x3FB2];
	_ =	sdelay $0x3  }
0x33: {  	p0 =	seq.s32 s10, $0x1;
	s10 =	sld [smem:$0x3FB4];
	_ =	sdelay $0x3  }
0x34: {  	[smem:$0x3FB4] =	sst s10  }
0x35: {  	s10 =	sld [smem:$0x3FB3];
	_ =	sdelay $0x3  }
0x36: {  	p1 =	seq.s32 s10, $0x1;
	s10 =	sld [smem:$0x3FB4];
	_ =	sdelay $0x3  }
0x37: {  	[smem:$0x3FB4] =	sst s10  }
0x38: {  	s10 =	sld [smem:$0x3FB5]  }
0x39: {  	_ = 	snop;
	(pc) =	sbr.ind lr, $3  }
0x3a: {  	_ = 	snop  }
0x3b: {  	_ = 	snop  }
0x3c: {  	p2 =	seq.s32 s10, $0x1;
	s10 =	sld [smem:$0x3FB4]  }
0x3d: {  	_ =	shalt  }
0x3e: {  	_ =	shalt  }
0x3f: {  	_ =	shalt  }
0x40: {  	_ =	shalt  }
0x41: {  	_ =	shalt  }
0x42: {  	_ =	shalt  }
0x43: {  	_ =	shalt  }
0x44: {  	_ =	shalt  }
0x45: {  	_ =	shalt  }
0x46: {  	_ =	shalt  }
0x47: {  	_ =	shalt  }
0x48: {  	_ =	shalt  }
0x49: {  	_ =	shalt  }
0x4a: {  	_ =	shalt  }
0x4b: {  	_ =	shalt  }
0x4c: {  	_ =	shalt  }
0x4d: {  	_ =	shalt  }
0x4e: {  	_ =	shalt  }
0x4f: {  	_ =	shalt  }
0x50: {  	_ =	shalt  }
0x51: {  	_ =	shalt  }
0x52: {  	_ =	shalt  }
0x53: {  	_ =	shalt  }
0x54: {  	_ =	shalt  }
0x55: {  	_ =	shalt  }
0x56: {  	_ =	shalt  }
0x57: {  	_ =	shalt  }
0x58: {  	_ =	shalt  }
0x59: {  	_ =	shalt  }
0x5a: {  	_ =	shalt  }
0x5b: {  	_ =	shalt  }
0x5c: {  	_ =	shalt  }
0x5d: {  	_ =	shalt  }
0x5e: {  	_ =	shalt  }
0x5f: {  	_ =	shalt  }
0x60: {  	_ =	shalt  }
0x61: {  	_ =	shalt  }
0x62: {  	_ =	shalt  }
0x63: {  	_ =	shalt  }
0x64: {  	_ =	shalt  }
0x65: {  	_ =	shalt  }
0x66: {  	_ =	shalt  }
0x67: {  	_ =	shalt  }
0x68: {  	_ =	shalt  }
0x69: {  	_ =	shalt  }
0x6a: {  	_ =	shalt  }
0x6b: {  	_ =	shalt  }
0x6c: {  	_ =	shalt  }
0x6d: {  	_ =	shalt  }
0x6e: {  	_ =	shalt  }
0x6f: {  	_ =	shalt  }
0x70: {  	_ =	shalt  }
0x71: {  	_ =	shalt  }
0x72: {  	_ =	shalt  }
0x73: {  	_ =	shalt  }
0x74: {  	_ =	shalt  }
0x75: {  	_ =	shalt  }
0x76: {  	_ =	shalt  }
0x77: {  	_ =	shalt  }
0x78: {  	_ =	shalt  }
0x79: {  	_ =	shalt  }
0x7a: {  	_ =	shalt  }
0x7b: {  	_ =	shalt  }
0x7c: {  	_ =	shalt  }
0x7d: {  	_ =	shalt  }
0x7e: {  	_ =	shalt  }
0x7f: {  	_ =	shalt  }
0x80: {  	_ =	shalt  }
0x81: {  	_ =	shalt  }
0x82: {  	_ =	shalt  }
0x83: {  	_ =	shalt  }
0x84: {  	_ =	shalt  }
0x85: {  	_ =	shalt  }
0x86: {  	_ =	shalt  }
0x87: {  	_ =	shalt  }
.Lfunc_end0:
.L_simem_size_0:
called_computation.1_lowered:
.L_overlay_start_0:
0x88: {  	s2 =	sld [smem:$0x3FD9]  }
0x89: {  	s3 =	sld [smem:$0x3FFE];
	_ =	sdelay $0x1  }
0x8a: {  	s1 =	srdreg.scid  }
0x8b: {  	s0 =	sand.u32 $0x1, s1  }
0x8c: {  	s17 =	sshll.u32 s0, $0xA;
	s2 =	sadd.s32 s3, s2  }
0x8d: {  	s2 =	sadd.s32 s2, s17  }
0x8e: {  	[smem:$0x3FC0] =	sst s2  }
0x8f: {  	_ = 	snop  }
0x90: {  	s2 =	sld [smem:$0x3FD0];
	(tm) =	ssettm $0x1  }
0x91: {  	s18 =	sld [smem:$0x3FFB];
	_ =	sdelay $0x3  }
0x92: {  	_ =	strace s18  }
0x93: {  	s3 =	sld [smem:$0x3FFC];
	_ =	sdelay $0x3  }
0x94: {  	_ =	strace s3  }
0x95: {  	s3 =	sld [smem:$0x3FFD];
	_ =	sdelay $0x3  }
0x96: {  	_ =	strace s3  }
0x97: {  	_ =	strace $0x8FFFFFFF  }
0x98: {  	s19 =	sld [smem:$0x3FDB];
	_ =	sdelay $0x1  }
0x99: {  	s4 =	simm.s32 $_scs_section_size  }
0x9a: {  	s5 =	simm.s32 $_size__tile_overlayer_lowered;
	s6 =	simm.s32 $_tile_overlayer_lowered  }
0x9b: {  	s22 =	simm.s32 $0x1BFF;
	s21 =	sshll.u32 s6, $0x1;
	s3 =	sadd.s32 s4, s19  }
0x9c: {  	s7 =	simm.s32 $0x0;
	s20 =	sshll.u32 s5, $0x1;
	s5 =	sadd.s32 s21, s3  }
0x9d: {  	[timem:s7], [sflag:s22] =	dma.local [hbm:s5], s20  }
0x9e: {  	_ =	swait.ge [sflag:s22], s20  }
0x9f: {  	s4 =	ssub.s32 $0x0, s20;
	[sflag:s22] =	ssyncset.done $0x0  }
0xa0: {  	[sflag:s22] =	ssyncadd.s32 s4;
	_ =	sdelay $0x1  }
0xa1: {  	s23 =	simm.s32 $0x1B8B  }
0xa2: {  	_ =	swait.ge [sflag:s23], $0x1  }
0xa3: {  	[sflag:s23] =	ssyncset.done $0x0  }
0xa4: {  	s25 =	simm.s32 $0x1B8E;
	s24 =	sld [smem:$0x3FFE];
	[sflag:s23] =	ssyncadd.s32 $0xFFFFFFFF  }
0xa5: {  	s26 =	simm.s32 $execute0_lowered;
	[smem:$0x3FD2] =	sst s25  }
0xa6: {  	s5 =	sshll.u32 s26, $0x1;
	_ =	strace $0x80000049;
	[dreg:$0x1] =	wrdreg $0xFFFFFFFF  }
0xa7: {  	s28 =	simm.s32 $_size_execute0_lowered;
	s3 =	sadd.s32 s3, s5;
	[dreg:$0x0] =	wrdreg $0x0  }
0xa8: {  	s5 =	sshll.u32 s28, $0x1;
	[dreg:$0x2] =	wrdreg s3  }
0xa9: {  	[dreg:$0x3] =	wrdreg s5  }
0xaa: {  	[dreg:$0x4] =	wrdreg $0xC0  }
0xab: {  	_ =	task [dreg:s7], $0x5FFFF  }
0xac: {  	[dreg:$0x1] =	wrdreg $0xFFFFFFFF  }
0xad: {  	[dreg:$0x0] =	wrdreg $0x60  }
0xae: {  	[dreg:$0x2] =	wrdreg s2  }
0xaf: {  	[dreg:$0x3] =	wrdreg s24  }
0xb0: {  	[dreg:$0x4] =	wrdreg $0x120000  }
0xb1: {  	[dreg:$0x5] =	wrdreg $0x9  }
0xb2: {  	_ =	task.clear_ibuf [dreg:s7], $0x6FFFF;
	_ =	strace $0x90000049  }
0xb3: {  	s29 =	simm.s32 $0x9;
	_ =	strace $0x8000004B  }
0xb4: {  	_ =	swait.ge [sflag:s29], $0x1  }
0xb5: {  	[sflag:s29] =	ssyncadd.s32 $0xFFFFFFFF  }
0xb6: {  	_ =	strace $0x9000004B  }
0xb7: {  	_ =	sfence  }
0xb8: {  	s30 =	sld [smem:$0x0];
	_ =	sdelay $0x2  }
0xb9: {  	s31 =	sshll.u32 s1, $0xD;
	s1 =	sshrl.u32 s1, $0x2  }
0xba: {  	s3 =	sand.u32 $0x4000, s31;
	s1 =	sadd.s32 s1, s30  }
0xbb: {  	s0 =	sor.u32 s3, s0;
	s1 =	sshll.u32 s1, $0x11  }
0xbc: {  	s0 =	sor.u32 s1, s0  }
0xbd: {  	s0 =	sadd.s32 $0x8F2B, s0  }
0xbe: {  	[sflag:s0] =	ssyncadd.remote.s32 $0x1  }
0xbf: {  	_ =	sfence.sel $0xFFFF  }
0xc0: {  	[dreg:$0x0] =	wrdreg $0xFFFFFFFF;
	(pc) =	sbr.abs _section_cstart, $3  }
0xc1: {  	[dreg:$0x1] =	wrdreg $0xFFFFFFFF  }
0xc2: {  	_ =	task.clear_ibuf [dreg:s7], $0x2FFFF;
	_ =	strace $0x9FFFFFFF  }
0xc3: {  	(tm) =	ssettm $0x7FFFFFFF  }
tec
execute0_lowered:
.L_overlay_start_1:
0x0: {  	(tag) =	ssettag $0x1  }
0x1: {  	s0 =	rddreg [dreg:$0x0]  }
0x2: {  	s1 =	rddreg [dreg:$0x1]  }
0x3: {  	s9 =	stileid.u32;
	s3 =	srdreg.scid  }
0x4: {  	s2 =	rddreg [dreg:$0x2];
	s14 =	simm.s32 $0x9;
	s16 =	simm.s32 $0xA000  }
0x5: {  	s17 =	simm.s32 $0x80;
	s18 =	simm.s32 $0xC000;
	s20 =	simm.s32 $0xE000  }
0x6: {  	s22 =	simm.s32 $0x10000;
	s23 =	simm.s32 $0x1;
	s24 =	simm.s32 $0x2  }
0x7: {  	s28 =	simm.s32 $0x5;
	s29 =	simm.s32 $0x6;
	s7 =	smul.u32 $0xA000, s9  }
0x8: {  	s30 =	simm.s32 $0x7;
	s31 =	simm.s32 $0x8;
	s5 =	smul.u32 $0xA00, s9  }
0x9: {  	s19 =	simm.s32 $0x9F80;
	s6 =	sand.u32 $0x1, s3;
	s9 =	smul.u32 $0x28000, s9  }
0xa: {  	s21 =	simm.s32 $0x0;
	s3 =	simm.s32 $0x0;
	s4 =	smul.u32 $0xA0000, s6  }
0xb: {  	[smem:$0x7FF] =	sst s3;
	s8 =	ssub.s32 $0x2, s6;
	s11 =	smul.u32 $0x13880, s6  }
0xc: {  	_ =	strace $0x8000004A;
	s5 =	sadd.s32 s5, s1;
	s25 =	sshrl.u32 s8, $0x1  }
0xd: {  	s26 =	sshrl.u32 s9, $0x2;
	s6 =	sadd.s32 s7, s2;
	s4 =	sadd.s32 s7, s4  }
0xe: {  	s13 =	ssub.s32 s8, s25;
	s10 =	sadd.s32 s26, s2;
	s11 =	sadd.s32 s0, s11  }
0xf: {  	s25 =	simm.s32 $0x3;
	s26 =	simm.s32 $0x4;
	s4 =	sshrl.u32 s4, $0x3  }
0x10: {  	s7 =	sadd.s32 $0x2000, s10;
	s8 =	sadd.s32 $0x4000, s10;
	s9 =	sadd.s32 $0x6000, s10  }
0x11: {  	s10 =	sadd.s32 $0x8000, s10;
	s13 =	smax.u32 s13, $0x1;
	s1 =	sadd.s32 s4, s1  }
0x12: {  	v0 =	vimm.f32 $0.0e+00;
	s4 =	sadd.s32 $0xB600, s5;
	s5 =	sadd.s32 $0x1600, s5;
	s12 =	sadd.s32 $0x15600, s1  }
.LBB2_1:
0x13: {  	[tilespmem:s3], [sflag:$0x9] =	stream.linear.gather [hbm4b:s4+s3], $0x5000, $0x38;
	[tilespmem:$0x1C000] =	vst v63  }
0x14: {  	_ =	swait.ge [sflag:s14], $0x5000  }
0x15: {  	[sflag:s14] =	ssyncset.done $0x0  }
0x16: {  	s0 =	simm.s32 $0x5000;
	[sflag:s14] =	ssyncadd.s32 $0xFFFFB000  }
0x17: {  	[tilespmem:s0], [sflag:$0x9] =	stream.linear.gather [hbm4b:s5+s3], $0x5000, $0x38;
	[tilespmem:$0x1C000] =	vst v63  }
0x18: {  	_ =	swait.ge [sflag:s14], $0x5000  }
0x19: {  	[sflag:s14] =	ssyncset.done $0x0  }
0x1a: {  	s1 =	simm.s32 $0x100;
	s0 =	simm.s32 $0x0;
	[sflag:s14] =	ssyncadd.s32 $0xFFFFB000  }
.LBB2_2:
0x1b: {  	p0 =	sne.s32 s1, $0x7F00;
	[tilespmem:s0+$0xA030] =	vst v0;
	s15 =	smov.u32 s1;
	s1 =	sadd.s32 $0x100, s1  }
.Ltmp0:
0x1c: {  	[tilespmem:s0+$0xA020] =	vst v0;
	(pc) =	sbr.rel @p0 .LBB2_2-.Ltmp0, $3  }
0x1d: {  	[tilespmem:s0+$0xA000] =	vst v0  }
0x1e: {  	[tilespmem:s0+$0xA010] =	vst v0;
	_ =	sdelay $0x1  }
0x1f: {  	s0 =	sshra.s32 s15, $0x2  }
0x20: {  	[tilespmem:s0+$0xA030] =	vst v0  }
0x21: {  	[tilespmem:s0+$0xA020] =	vst v0  }
0x22: {  	[tilespmem:s0+$0xA000] =	vst v0  }
0x23: {  	[tilespmem:s0+$0xA010] =	vst v0  }
0x24: {  	[spmem:s6] =	stream.linear.scatter [tilespmem:s16], [sflag:$0x9], $0x2000, $0x38;
	[tilespmem:$0x1C000] =	vst v63  }
0x25: {  	_ =	swait.ge [sflag:s14], $0x2000  }
0x26: {  	[sflag:s14] =	ssyncset.done $0x0  }
0x27: {  	[sflag:s14] =	ssyncadd.s32 $0xFFFFE000  }
0x28: {  	[spmem:s7] =	stream.linear.scatter [tilespmem:s16], [sflag:$0x9], $0x2000, $0x38;
	[tilespmem:$0x1C000] =	vst v63  }
0x29: {  	_ =	swait.ge [sflag:s14], $0x2000  }
0x2a: {  	[sflag:s14] =	ssyncset.done $0x0  }
0x2b: {  	[sflag:s14] =	ssyncadd.s32 $0xFFFFE000  }
0x2c: {  	[spmem:s8] =	stream.linear.scatter [tilespmem:s16], [sflag:$0x9], $0x2000, $0x38;
	[tilespmem:$0x1C000] =	vst v63  }
0x2d: {  	_ =	swait.ge [sflag:s14], $0x2000  }
0x2e: {  	[sflag:s14] =	ssyncset.done $0x0  }
0x2f: {  	[sflag:s14] =	ssyncadd.s32 $0xFFFFE000  }
0x30: {  	[spmem:s9] =	stream.linear.scatter [tilespmem:s16], [sflag:$0x9], $0x2000, $0x38;
	[tilespmem:$0x1C000] =	vst v63  }
0x31: {  	_ =	swait.ge [sflag:s14], $0x2000  }
0x32: {  	[sflag:s14] =	ssyncset.done $0x0  }
0x33: {  	[sflag:s14] =	ssyncadd.s32 $0xFFFFE000  }
0x34: {  	[spmem:s10] =	stream.linear.scatter [tilespmem:s16], [sflag:$0x9], $0x2000, $0x38;
	[tilespmem:$0x1C000] =	vst v63  }
0x35: {  	_ =	swait.ge [sflag:s14], $0x2000  }
0x36: {  	[sflag:s14] =	ssyncset.done $0x0  }
0x37: {  	[sflag:s14] =	ssyncadd.s32 $0xFFFFE000  }
0x38: {  	s1 =	simm.s32 $0x0;
	[bflag:$0x0] =	sbarrier.arrive $0xFFFF  }
0x39: {  	[tilespmem:s16], [sflag:$0x1] =	stream.indirect.gather [hbm4b:s11+s17], $0x40, s1, s17, $0xb8;
	[tilespmem:$0x1C000] =	vst v63  }
0x3a: {  	_ = 	snop  }
0x3b: {  	[tilespmem:s18], [sflag:$0x2] =	stream.indirect.gather [hbm4b:s11+s17], $0x40, s17, s17, $0xb8;
	[tilespmem:$0x1C000] =	vst v63  }
0x3c: {  	s15 =	simm.s32 $0x100  }
0x3d: {  	[tilespmem:s20], [sflag:$0x3] =	stream.indirect.gather [hbm4b:s11+s17], $0x40, s15, s17, $0xb8;
	[tilespmem:$0x1C000] =	vst v63  }
0x3e: {  	s1 =	simm.s32 $0x180  }
0x3f: {  	[tilespmem:s22], [sflag:$0x4] =	stream.indirect.gather [hbm4b:s11+s17], $0x40, s1, s17, $0xb8;
	[tilespmem:$0x1C000] =	vst v63  }
0x40: {  	_ =	swait.ge [sflag:s23], $0x2000  }
0x41: {  	[sflag:s23] =	ssyncset.done $0x0  }
0x42: {  	s15 =	simm.s32 $0x5000;
	[sflag:s23] =	ssyncadd.s32 $0xFFFFE000  }
0x43: {  	[spmem:s2] =	stream.indirect.scatter.add.f32 [tilespmem:s16], [sflag:$0x5], $0x40, s15, s17, $0xb8;
	[tilespmem:$0x1C000] =	vst v63  }
0x44: {  	_ =	swait.ge [sflag:s24], $0x2000  }
0x45: {  	[sflag:s24] =	ssyncset.done $0x0  }
0x46: {  	s1 =	simm.s32 $0x5080;
	[sflag:s24] =	ssyncadd.s32 $0xFFFFE000  }
0x47: {  	[spmem:s2] =	stream.indirect.scatter.add.f32 [tilespmem:s18], [sflag:$0x6], $0x40, s1, s17, $0xb8;
	[tilespmem:$0x1C000] =	vst v63  }
0x48: {  	_ =	swait.ge [sflag:s25], $0x2000  }
0x49: {  	[sflag:s25] =	ssyncset.done $0x0  }
0x4a: {  	s15 =	simm.s32 $0x5100;
	[sflag:s25] =	ssyncadd.s32 $0xFFFFE000  }
0x4b: {  	[spmem:s2] =	stream.indirect.scatter.add.f32 [tilespmem:s20], [sflag:$0x7], $0x40, s15, s17, $0xb8;
	[tilespmem:$0x1C000] =	vst v63  }
0x4c: {  	_ =	swait.ge [sflag:s26], $0x2000  }
0x4d: {  	[sflag:s26] =	ssyncset.done $0x0  }
0x4e: {  	s1 =	simm.s32 $0x5180;
	[sflag:s26] =	ssyncadd.s32 $0xFFFFE000  }
0x4f: {  	[spmem:s2] =	stream.indirect.scatter.add.f32 [tilespmem:s22], [sflag:$0x8], $0x40, s1, s17, $0xb8;
	[tilespmem:$0x1C000] =	vst v63  }
0x50: {  	_ =	swait.ge [sflag:s28], $0x2000  }
0x51: {  	[sflag:s28] =	ssyncset.done $0x0  }
0x52: {  	s15 =	simm.s32 $0x200;
	[sflag:s28] =	ssyncadd.s32 $0xFFFFE000  }
0x53: {  	[tilespmem:s16], [sflag:$0x1] =	stream.indirect.gather [hbm4b:s11+s17], $0x40, s15, s17, $0xb8;
	[tilespmem:$0x1C000] =	vst v63  }
0x54: {  	_ =	swait.ge [sflag:s29], $0x2000  }
0x55: {  	[sflag:s29] =	ssyncset.done $0x0  }
0x56: {  	s1 =	simm.s32 $0x280;
	[sflag:s29] =	ssyncadd.s32 $0xFFFFE000  }
0x57: {  	[tilespmem:s18], [sflag:$0x2] =	stream.indirect.gather [hbm4b:s11+s17], $0x40, s1, s17, $0xb8;
	[tilespmem:$0x1C000] =	vst v63  }
0x58: {  	_ =	swait.ge [sflag:s30], $0x2000  }
0x59: {  	[sflag:s30] =	ssyncset.done $0x0  }
0x5a: {  	s15 =	simm.s32 $0x300;
	[sflag:s30] =	ssyncadd.s32 $0xFFFFE000  }
0x5b: {  	[tilespmem:s20], [sflag:$0x3] =	stream.indirect.gather [hbm4b:s11+s17], $0x40, s15, s17, $0xb8;
	[tilespmem:$0x1C000] =	vst v63  }
0x5c: {  	_ =	swait.ge [sflag:s31], $0x2000  }
0x5d: {  	[sflag:s31] =	ssyncset.done $0x0  }
0x5e: {  	s0 =	simm.s32 $0x380;
	s1 =	simm.s32 $0x800;
	[sflag:s31] =	ssyncadd.s32 $0xFFFFE000  }
.LBB2_4:
0x5f: {  	[tilespmem:s22], [sflag:$0x4] =	stream.indirect.gather [hbm4b:s11+s17], $0x40, s0, s17, $0xb8;
	[tilespmem:$0x1C000] =	vst v63  }
0x60: {  	s0 =	smov.u32 s1  }
0x61: {  	p0 =	sne.s32 s1, $0x13000;
	s1 =	sadd.s32 $0x800, s1;
	_ =	swait.ge [sflag:s23], $0x2000  }
0x62: {  	s0 =	sshra.s32 s0, $0x2;
	[sflag:s23] =	ssyncset.done $0x0  }
0x63: {  	s15 =	sadd.s32 $0x5000, s0;
	[sflag:s23] =	ssyncadd.s32 $0xFFFFE000  }
0x64: {  	[spmem:s2] =	stream.indirect.scatter.add.f32 [tilespmem:s16], [sflag:$0x5], $0x40, s15, s17, $0xb8;
	[tilespmem:$0x1C000] =	vst v63  }
0x65: {  	_ =	swait.ge [sflag:s24], $0x2000  }
0x66: {  	[sflag:s24] =	ssyncset.done $0x0  }
0x67: {  	s15 =	sadd.s32 $0x5080, s0;
	[sflag:s24] =	ssyncadd.s32 $0xFFFFE000  }
0x68: {  	[spmem:s2] =	stream.indirect.scatter.add.f32 [tilespmem:s18], [sflag:$0x6], $0x40, s15, s17, $0xb8;
	[tilespmem:$0x1C000] =	vst v63  }
0x69: {  	_ =	swait.ge [sflag:s25], $0x2000  }
0x6a: {  	[sflag:s25] =	ssyncset.done $0x0  }
0x6b: {  	s15 =	sadd.s32 $0x5100, s0;
	[sflag:s25] =	ssyncadd.s32 $0xFFFFE000  }
0x6c: {  	[spmem:s2] =	stream.indirect.scatter.add.f32 [tilespmem:s20], [sflag:$0x7], $0x40, s15, s17, $0xb8;
	[tilespmem:$0x1C000] =	vst v63  }
0x6d: {  	_ =	swait.ge [sflag:s26], $0x2000  }
0x6e: {  	[sflag:s26] =	ssyncset.done $0x0  }
0x6f: {  	s15 =	sadd.s32 $0x5180, s0;
	[sflag:s26] =	ssyncadd.s32 $0xFFFFE000  }
0x70: {  	[spmem:s2] =	stream.indirect.scatter.add.f32 [tilespmem:s22], [sflag:$0x8], $0x40, s15, s17, $0xb8;
	[tilespmem:$0x1C000] =	vst v63  }
0x71: {  	_ =	swait.ge [sflag:s28], $0x2000  }
0x72: {  	[sflag:s28] =	ssyncset.done $0x0  }
0x73: {  	s15 =	sadd.s32 $0x200, s0;
	[sflag:s28] =	ssyncadd.s32 $0xFFFFE000  }
0x74: {  	[tilespmem:s16], [sflag:$0x1] =	stream.indirect.gather [hbm4b:s11+s17], $0x40, s15, s17, $0xb8;
	[tilespmem:$0x1C000] =	vst v63  }
0x75: {  	_ =	swait.ge [sflag:s29], $0x2000  }
0x76: {  	[sflag:s29] =	ssyncset.done $0x0  }
0x77: {  	s15 =	sadd.s32 $0x280, s0;
	[sflag:s29] =	ssyncadd.s32 $0xFFFFE000  }
0x78: {  	[tilespmem:s18], [sflag:$0x2] =	stream.indirect.gather [hbm4b:s11+s17], $0x40, s15, s17, $0xb8;
	[tilespmem:$0x1C000] =	vst v63  }
0x79: {  	_ =	swait.ge [sflag:s30], $0x2000  }
0x7a: {  	[sflag:s30] =	ssyncset.done $0x0  }
.Ltmp1:
0x7b: {  	s15 =	sadd.s32 $0x300, s0;
	[sflag:s30] =	ssyncadd.s32 $0xFFFFE000;
	(pc) =	sbr.rel @p0 .LBB2_4-.Ltmp1, $4  }
0x7c: {  	[tilespmem:s20], [sflag:$0x3] =	stream.indirect.gather [hbm4b:s11+s17], $0x40, s15, s17, $0xb8;
	[tilespmem:$0x1C000] =	vst v63  }
0x7d: {  	_ =	swait.ge [sflag:s31], $0x2000  }
0x7e: {  	[sflag:s31] =	ssyncset.done $0x0  }
0x7f: {  	s0 =	sadd.s32 $0x380, s0;
	[sflag:s31] =	ssyncadd.s32 $0xFFFFE000  }
0x80: {  	[tilespmem:s22], [sflag:$0x4] =	stream.indirect.gather [hbm4b:s11+s17], $0x40, s0, s17, $0xb8;
	[tilespmem:$0x1C000] =	vst v63  }
0x81: {  	_ =	swait.ge [sflag:s23], $0x2000  }
0x82: {  	[sflag:s23] =	ssyncset.done $0x0  }
0x83: {  	s1 =	simm.s32 $0x9E00;
	[sflag:s23] =	ssyncadd.s32 $0xFFFFE000  }
0x84: {  	[spmem:s2] =	stream.indirect.scatter.add.f32 [tilespmem:s16], [sflag:$0x5], $0x40, s1, s17, $0xb8;
	[tilespmem:$0x1C000] =	vst v63  }
0x85: {  	_ =	swait.ge [sflag:s24], $0x2000  }
0x86: {  	[sflag:s24] =	ssyncset.done $0x0  }
0x87: {  	s15 =	simm.s32 $0x9E80;
	[sflag:s24] =	ssyncadd.s32 $0xFFFFE000  }
0x88: {  	[spmem:s2] =	stream.indirect.scatter.add.f32 [tilespmem:s18], [sflag:$0x6], $0x40, s15, s17, $0xb8;
	[tilespmem:$0x1C000] =	vst v63  }
0x89: {  	_ =	swait.ge [sflag:s25], $0x2000  }
0x8a: {  	[sflag:s25] =	ssyncset.done $0x0  }
0x8b: {  	s1 =	simm.s32 $0x9F00;
	[sflag:s25] =	ssyncadd.s32 $0xFFFFE000  }
0x8c: {  	[spmem:s2] =	stream.indirect.scatter.add.f32 [tilespmem:s20], [sflag:$0x7], $0x40, s1, s17, $0xb8;
	[tilespmem:$0x1C000] =	vst v63  }
0x8d: {  	_ =	swait.ge [sflag:s26], $0x2000  }
0x8e: {  	[sflag:s26] =	ssyncset.done $0x0  }
0x8f: {  	[sflag:s26] =	ssyncadd.s32 $0xFFFFE000  }
0x90: {  	[spmem:s2] =	stream.indirect.scatter.add.f32 [tilespmem:s22], [sflag:$0x8], $0x40, s19, s17, $0xb8;
	[tilespmem:$0x1C000] =	vst v63  }
0x91: {  	_ =	swait.ge [sflag:s28], $0x2000  }
0x92: {  	[sflag:s28] =	ssyncset.done $0x0  }
0x93: {  	[sflag:s28] =	ssyncadd.s32 $0xFFFFE000  }
0x94: {  	_ =	swait.ge [sflag:s29], $0x2000  }
0x95: {  	[sflag:s29] =	ssyncset.done $0x0  }
0x96: {  	[sflag:s29] =	ssyncadd.s32 $0xFFFFE000  }
0x97: {  	_ =	swait.ge [sflag:s30], $0x2000  }
0x98: {  	[sflag:s30] =	ssyncset.done $0x0  }
0x99: {  	[sflag:s30] =	ssyncadd.s32 $0xFFFFE000  }
0x9a: {  	s15 =	stileid.u32;
	_ =	swait.ge [sflag:s31], $0x2000  }
0x9b: {  	s21 =	sadd.s32 $0x1, s21;
	s0 =	sshll.u32 s15, $0x6;
	[sflag:s31] =	ssyncset.done $0x0  }
0x9c: {  	p0 =	sne.s32 s21, s13;
	s0 =	sor.u32 $0x1C09, s0;
	[sflag:s31] =	ssyncadd.s32 $0xFFFFE000  }
.Ltmp2:
0x9d: {  	s1 =	sshrl.u32 s6, $0x3;
	[bflag:$0x0] =	sbarrier.arrive $0xFFFF;
	(pc) =	sbr.rel @p0 .LBB2_1-.Ltmp2, $4  }
0x9e: {  	[hbm:s12], [sflag:s0] =	dma.local [spmem:s1], $0x1400  }
0x9f: {  	_ =	swait.ge [sflag:s14], $0x1400  }
0xa0: {  	[sflag:s14] =	ssyncset.done $0x0  }
0xa1: {  	[sflag:s14] =	ssyncadd.s32 $0xFFFFEC00  }
0xa2: {  	_ =	sfence.sel $0x180000  }
0xa3: {  	[bflag:$0x0] =	sbarrier.arrive $0xFFFF  }
0xa4: {  	_ =	strace $0x9000004A  }
0xa5: {  	s0 =	stileid.u32;
	[bflag:$0x2] =	sbarrier.arrive $0xFFFF  }
0xa6: {  	p0 =	sne.s32 s0, $0x0;
	s0 =	rddreg [dreg:$0x3]  }
0xa7: {  	s0 =	sadd.s32 @!p0 $0x100000, s0  }
0xa8: {  	[sflag:s0] =	ssyncadd.tile.s32 @!p0 $0x1;
	_ =	shalt  }
.Lfunc_end2:
_tile_overlayer_lowered:
.L_overlay_start_2:
0xa9: {  	(tag) =	ssettag $0x2  }
0xaa: {  	s0 =	rddreg [dreg:$0x0];
	s2 =	stileid.u32  }
0xab: {  	s1 =	rddreg [dreg:$0x1];
	p0 =	sne.s32 s2, $0x0  }
0xac: {  	s3 =	rddreg [dreg:$0x2];
	[bflag:$0x3] =	sbarrier.arrive $0xFFFF;
	s2 =	simm.s32 @!p0 $0x1C09  }
0xad: {  	[timem:s3], [sflag:s2] =	dma.local @!p0 [hbm:s0], s1  }
0xae: {  	s0 =	simm.s32 @!p0 $0x9  }
0xaf: {  	_ =	swait.ge @!p0 [sflag:s0], s1  }
0xb0: {  	s1 =	ssub.s32 @!p0 $0x0, s1;
	[sflag:s0] =	ssyncset.done @!p0 $0x0  }
0xb1: {  	[sflag:s0] =	ssyncadd.s32 @!p0 s1  }
0xb2: {  	[bflag:$0x3] =	sbarrier.arrive $0xFFFF  }
0xb3: {  	_ =	shalt  }

</sc_bundles>
